<compile_context>
chip_gen: v7x
topology: tpu7x:2x2x1
jax: 0.10.2.dev20260603
libtpu: 0.0.44.dev20260713+nightly
codegen_flags: <defaults>
</compile_context>

<pallas_src>
import jax
import jax.numpy as jnp
from jax import lax
from jax.experimental import pallas as pl
from jax.experimental.pallas import tpu as pltpu
from jax.experimental.pallas import tpu_sc as plsc

N_NODES_C = 10000
N_EDGES_C = 320000
D_C = 128

_CHUNK = 128
_NCHUNK = N_EDGES_C // _CHUNK
_NC, _NS = 2, 16
_NW = _NC * _NS
_CW = _NCHUNK // _NW
_NTAIL = _NCHUNK - _CW * _NW
_S = 6
_NSLAB = _CW // _S
_NTRIP = (_NSLAB - 1) // 3
_SC_BYTES = _CHUNK * D_C * 4
_IDX_BYTES = 2 * _S * _CHUNK * 4
_ROWS_PER_TILE = N_NODES_C // _NS


def _sc_scatter_body(feat_hbm, ei3_hbm, out_hbm,
                     idx_0, idx_1, idx_2,
                     rows0, rows1, rows2, rows3, rows4, rows5, hacc,
                     semi_0, semi_1, semi_2,
                     semg0, semg1, semg2, semg3, semg4, semg5,
                     sems0, sems1, sems2, sems3, sems4, sems5):
    cid = lax.axis_index("c")
    sid = lax.axis_index("s")
    wid = sid * _NC + cid

    chunk0 = wid * _CW

    def _load_slab(t, idx_ref, semi):
        pltpu.async_copy(ei3_hbm.at[0, pl.ds(chunk0 + _S * t, _S)],
                         idx_ref.at[pl.ds(0, _S)], semi)
        pltpu.async_copy(ei3_hbm.at[1, pl.ds(chunk0 + _S * t, _S)],
                         idx_ref.at[pl.ds(_S, _S)], semi)

    _load_slab(0, idx_0, semi_0)
    _load_slab(1, idx_1, semi_1)

    def _zero_row(r, _):
        for g in range(D_C // 32):
            rows0[r, pl.ds(g * 32, 32)] = jnp.zeros((32,), jnp.bfloat16)
        return 0
    lax.fori_loop(0, _CHUNK, _zero_row, 0)
    base_row = sid * _ROWS_PER_TILE
    for k in range(5):
        pltpu.sync_copy(rows0.at[pl.ds(0, 125)],
                        hacc.at[pl.ds(base_row + k * 125, 125)])
    plsc.subcore_barrier()

    idxb = (idx_0, idx_1, idx_2)
    semib = (semi_0, semi_1, semi_2)
    rowsb = (rows0, rows1, rows2, rows3, rows4, rows5)
    semgb = (semg0, semg1, semg2, semg3, semg4, semg5)
    semsb = (sems0, sems1, sems2, sems3, sems4, sems5)

    def _block(b, i, first_pred, pref_pred):
        idx_c, semi_c = idxb[i], semib[i]
        idx_p = idxb[(i + 2) % 3]
        pltpu.make_async_copy(
            ei3_hbm.at[0, pl.ds(0, 2 * _S)], idx_c, semi_c).wait()
        for k in range(_S):
            q = k
            qm = (k - 2) % 6

            def _wait_scatter(q=q):
                pltpu.make_async_copy(
                    rowsb[q], hacc.at[idx_c.at[_S]], semsb[q]).wait()
            if first_pred is not None:
                pl.when(first_pred)(_wait_scatter)
            else:
                _wait_scatter()
            pltpu.async_copy(feat_hbm.at[idx_c.at[k]], rowsb[q], semgb[q])

            def _scatter_prev(qm=qm, k=k):
                pltpu.make_async_copy(
                    feat_hbm.at[idx_c.at[0]], rowsb[qm], semgb[qm]).wait()
                dstrow = (idx_p.at[_S + k + 4] if k < 2
                          else idx_c.at[_S + k - 2])
                pltpu.async_copy(rowsb[qm], hacc.at[dstrow],
                                 semsb[qm], add=True)
            if k < 2 and first_pred is not None:
                pl.when(first_pred)(_scatter_prev)
            else:
                _scatter_prev()
        if pref_pred is None:
            _load_slab(b + 2, idxb[(i + 2) % 3], semib[(i + 2) % 3])
        elif pref_pred is not False:
            @pl.when(pref_pred)
            def _():
                _load_slab(b + 2, idxb[(i + 2) % 3], semib[(i + 2) % 3])

    def _trip(v, _):
        _block(3 * v, 0, v > 0, None)
        _block(3 * v + 1, 1, None, None)
        _block(3 * v + 2, 2, None, v < _NTRIP - 1)
        return 0
    lax.fori_loop(0, _NTRIP, _trip, 0)
    _block(_NSLAB - 1, 0, None, False)

    pltpu.make_async_copy(
        feat_hbm.at[idx_0.at[0]], rows4, semg4).wait()
    pltpu.async_copy(rows4, hacc.at[idx_0.at[2 * _S - 2]], sems4, add=True)
    pltpu.make_async_copy(
        feat_hbm.at[idx_0.at[0]], rows5, semg5).wait()
    pltpu.async_copy(rows5, hacc.at[idx_0.at[2 * _S - 1]], sems5, add=True)
    for q in range(6):
        pltpu.make_async_copy(rowsb[q], hacc.at[idx_0.at[_S]],
                              semsb[q]).wait()

    @pl.when(wid < _NTAIL)
    def _tail():
        c = _CW * _NW + wid
        pltpu.sync_copy(ei3_hbm.at[0, c], idx_0.at[0])
        pltpu.sync_copy(ei3_hbm.at[1, c], idx_0.at[1])
        pltpu.async_copy(feat_hbm.at[idx_0.at[0]], rows0, semg0).wait()
        pltpu.sync_copy(rows0, hacc.at[idx_0.at[1]], add=True)

    plsc.subcore_barrier()

    pltpu.sync_copy(hacc.at[pl.ds(base_row, _ROWS_PER_TILE)],
                    out_hbm.at[cid, pl.ds(base_row, _ROWS_PER_TILE)])


def _sc_scatter(feature, ei3):
    mesh = plsc.VectorSubcoreMesh(core_axis_name="c", subcore_axis_name="s")
    return pl.kernel(
        _sc_scatter_body,
        out_type=jax.ShapeDtypeStruct((_NC, N_NODES_C, D_C), jnp.bfloat16),
        mesh=mesh,
        scratch_types=[
            pltpu.VMEM((2 * _S, _CHUNK), jnp.int32),
            pltpu.VMEM((2 * _S, _CHUNK), jnp.int32),
            pltpu.VMEM((2 * _S, _CHUNK), jnp.int32),
            pltpu.VMEM((_CHUNK, D_C), jnp.bfloat16),
            pltpu.VMEM((_CHUNK, D_C), jnp.bfloat16),
            pltpu.VMEM((_CHUNK, D_C), jnp.bfloat16),
            pltpu.VMEM((_CHUNK, D_C), jnp.bfloat16),
            pltpu.VMEM((_CHUNK, D_C), jnp.bfloat16),
            pltpu.VMEM((_CHUNK, D_C), jnp.bfloat16),
            pltpu.VMEM_SHARED((N_NODES_C, D_C), jnp.bfloat16),
        ] + [pltpu.SemaphoreType.DMA] * 15,
        compiler_params=pltpu.CompilerParams(use_tc_tiling_on_sc=False),
    )(feature, ei3)


def _tc_linear_body(p0_ref, p1_ref, w_ref, b_ref, out_ref):
    acc = (p0_ref[...].astype(jnp.float32) + p1_ref[...].astype(jnp.float32))
    out_ref[...] = lax.dot_general(
        acc, w_ref[...], (((1,), (1,)), ((), ())),
        preferred_element_type=jnp.float32) + b_ref[...]


def _tc_linear(p0, p1, W, b2d):
    br = 2000
    grid = (N_NODES_C // br,)
    return pl.pallas_call(
        _tc_linear_body,
        grid=grid,
        in_specs=[
            pl.BlockSpec((br, D_C), lambda i: (i, 0)),
            pl.BlockSpec((br, D_C), lambda i: (i, 0)),
            pl.BlockSpec((D_C, D_C), lambda i: (0, 0)),
            pl.BlockSpec((1, D_C), lambda i: (0, 0)),
        ],
        out_specs=pl.BlockSpec((br, D_C), lambda i: (i, 0)),
        out_shape=jax.ShapeDtypeStruct((N_NODES_C, D_C), jnp.float32),
    )(p0, p1, W, b2d)


def kernel(feature, edge_index, W, b):
    ei3 = edge_index.astype(jnp.int32).reshape(2, _NCHUNK, _CHUNK)
    partial = _sc_scatter(feature.astype(jnp.bfloat16), ei3)
    return _tc_linear(partial[0], partial[1], W, b.reshape(1, D_C))

# --- scband reference (transcript-rebuilt; emitter-appended) ---
"""Pipeline reference for scband-gcnlinear-64390149702456 (READ-ONLY COPY).

The authoritative reference and input builder live on the scoring server;
editing this copy changes nothing except your own understanding.
"""

import jax, jax.numpy as jnp
import numpy as np

N_NODES = 10000
N_EDGES = 320000
D_IN = 128
D_OUT = 128

def setup_inputs(seed: int = 0) -> dict:
    key = jax.random.key(seed)
    k1, k2, k3, k4 = jax.random.split(key, 4)
    feature = jax.random.normal(k1, (N_NODES, D_IN), dtype=jnp.float32)
    edge_index = jax.random.randint(k2, (2, N_EDGES), 0, N_NODES, dtype=jnp.int64)
    # nn.Linear(in_feats, out_feats) parameters
    bound = 1.0 / np.sqrt(D_IN)
    W = jax.random.uniform(k3, (D_OUT, D_IN), minval=-bound, maxval=bound, dtype=jnp.float32)
    b = jax.random.uniform(k4, (D_OUT,), minval=-bound, maxval=bound, dtype=jnp.float32)
    return {"feature": feature, "edge_index": edge_index, "W": W, "b": b}

def reference(feature, edge_index, W, b):
    # gcn_msg = fn.copy_src('h','m'); gcn_reduce = fn.sum('m','h')
    # i.e. for each edge (src, dst): m_e = h[src]; h_new[dst] = sum over incoming edges of m_e
    src = edge_index[0]
    dst = edge_index[1]
    messages = jnp.take(feature, src, axis=0)  # gather: copy_src
    h = jnp.zeros((feature.shape[0], feature.shape[1]), dtype=feature.dtype).at[dst].add(messages)  # scatter-add: sum reduce
    # self.linear(h)
    out = h @ W.T + b
    return out

if __name__ == "__main__":
    import jax
    _d = setup_inputs()
    print(jax.jit(kernel)(*tuple(_d.values())))

</pallas_src>

<mosaic_0001>
#map = affine_map<(d0, d1) -> (0, 0)>
#map1 = affine_map<(d0, d1) -> (0, 0, 0)>
module attributes {stable_mosaic.version = 14 : i64} {
  func.func @_sc_scatter_body(%arg0: i32, %arg1: i32, %arg2: memref<10000x128xbf16, #tpu.memory_space<hbm>>, %arg3: memref<2x2500x128xi32, #tpu.memory_space<hbm>>, %arg4: memref<2x10000x128xbf16, #tpu.memory_space<hbm>>, %arg5: memref<12x128xi32, #tpu.memory_space<vmem>>, %arg6: memref<12x128xi32, #tpu.memory_space<vmem>>, %arg7: memref<12x128xi32, #tpu.memory_space<vmem>>, %arg8: memref<128x128xbf16, #tpu.memory_space<vmem>>, %arg9: memref<128x128xbf16, #tpu.memory_space<vmem>>, %arg10: memref<128x128xbf16, #tpu.memory_space<vmem>>, %arg11: memref<128x128xbf16, #tpu.memory_space<vmem>>, %arg12: memref<128x128xbf16, #tpu.memory_space<vmem>>, %arg13: memref<128x128xbf16, #tpu.memory_space<vmem>>, %arg14: memref<10000x128xbf16, #tpu.memory_space<vmem_shared>>, %arg15: memref<!tpu.dma_semaphore, #tpu.memory_space<semaphore_mem>>, %arg16: memref<!tpu.dma_semaphore, #tpu.memory_space<semaphore_mem>>, %arg17: memref<!tpu.dma_semaphore, #tpu.memory_space<semaphore_mem>>, %arg18: memref<!tpu.dma_semaphore, #tpu.memory_space<semaphore_mem>>, %arg19: memref<!tpu.dma_semaphore, #tpu.memory_space<semaphore_mem>>, %arg20: memref<!tpu.dma_semaphore, #tpu.memory_space<semaphore_mem>>, %arg21: memref<!tpu.dma_semaphore, #tpu.memory_space<semaphore_mem>>, %arg22: memref<!tpu.dma_semaphore, #tpu.memory_space<semaphore_mem>>, %arg23: memref<!tpu.dma_semaphore, #tpu.memory_space<semaphore_mem>>, %arg24: memref<!tpu.dma_semaphore, #tpu.memory_space<semaphore_mem>>, %arg25: memref<!tpu.dma_semaphore, #tpu.memory_space<semaphore_mem>>, %arg26: memref<!tpu.dma_semaphore, #tpu.memory_space<semaphore_mem>>, %arg27: memref<!tpu.dma_semaphore, #tpu.memory_space<semaphore_mem>>, %arg28: memref<!tpu.dma_semaphore, #tpu.memory_space<semaphore_mem>>, %arg29: memref<!tpu.dma_semaphore, #tpu.memory_space<semaphore_mem>>) attributes {dimension_semantics = [#tpu.dimension_semantics<core_parallel>, #tpu.dimension_semantics<subcore_parallel>], iteration_bounds = array<i64: 2, 16>, scalar_prefetch = 0 : i64, scratch_operands = 25 : i64, tpu.core_type = #tpu.core_type<sc_vector_subcore>, window_params = [{transform_indices = #map}, {transform_indices = #map1}, {transform_indices = #map1}]} {
    %mul3A = arith.constant 2 : i32
    %mul3A_0 = arith.muli %arg1, %mul3A : i32
    %add3A = arith.addi %mul3A_0, %arg0 : i32
    %mul3A_1 = arith.constant 78 : i32
    %mul3A_2 = arith.muli %add3A, %mul3A_1 : i32
    %add3A_3 = arith.constant 0 : i32
    %add3A_4 = arith.addi %mul3A_2, %add3A_3 : i32
    %dma_start3A = arith.constant 0 : i32
    %dma_start3A_5 = arith.constant 0 : i32
    %dma_start3A_6 = arith.constant 0 : i32
    %dma_start3A_7 = tpu.memref_slice %arg5[%dma_start3A_5, %dma_start3A_6] : memref<12x128xi32, #tpu.memory_space<vmem>> -> memref<6x128xi32, #tpu.memory_space<vmem>>
    %dma_start3A_8 = arith.constant 0 : i32
    %dma_start3A_9 = tpu.memref_slice %arg3[%dma_start3A, %add3A_4, %dma_start3A_8] : memref<2x2500x128xi32, #tpu.memory_space<hbm>> -> memref<1x6x128xi32, #tpu.memory_space<hbm>>
    %dma_start3A_10 = tpu.memref_squeeze %dma_start3A_9 : memref<1x6x128xi32, #tpu.memory_space<hbm>> -> memref<6x128xi32, #tpu.memory_space<hbm>>
    %dma_start3A_11 = arith.constant 0 : i32
    %dma_start3A_12 = arith.constant 0 : i32
    %dma_start3A_13 = tpu.memref_slice %arg5[%dma_start3A_11, %dma_start3A_12] : memref<12x128xi32, #tpu.memory_space<vmem>> -> memref<6x128xi32, #tpu.memory_space<vmem>>
    %dma_start3A_14 = arith.constant 0 : i32
    %dma_start3A_15 = tpu.memref_slice %arg3[%dma_start3A, %add3A_4, %dma_start3A_14] : memref<2x2500x128xi32, #tpu.memory_space<hbm>> -> memref<1x6x128xi32, #tpu.memory_space<hbm>>
    %dma_start3A_16 = tpu.memref_squeeze %dma_start3A_15 : memref<1x6x128xi32, #tpu.memory_space<hbm>> -> memref<6x128xi32, #tpu.memory_space<hbm>>
    tpu.enqueue_dma source(%dma_start3A_16 : memref<6x128xi32, #tpu.memory_space<hbm>>) target(%dma_start3A_13 : memref<6x128xi32, #tpu.memory_space<vmem>>) target_semaphore(%arg15 : memref<!tpu.dma_semaphore, #tpu.memory_space<semaphore_mem>>)
    %add3A_17 = arith.constant 0 : i32
    %add3A_18 = arith.addi %mul3A_2, %add3A_17 : i32
    %dma_start3A_19 = arith.constant 1 : i32
    %dma_start3A_20 = arith.constant 6 : i32
    %dma_start3A_21 = arith.constant 0 : i32
    %dma_start3A_22 = tpu.memref_slice %arg5[%dma_start3A_20, %dma_start3A_21] : memref<12x128xi32, #tpu.memory_space<vmem>> -> memref<6x128xi32, #tpu.memory_space<vmem>>
    %dma_start3A_23 = arith.constant 0 : i32
    %dma_start3A_24 = tpu.memref_slice %arg3[%dma_start3A_19, %add3A_18, %dma_start3A_23] : memref<2x2500x128xi32, #tpu.memory_space<hbm>> -> memref<1x6x128xi32, #tpu.memory_space<hbm>>
    %dma_start3A_25 = tpu.memref_squeeze %dma_start3A_24 : memref<1x6x128xi32, #tpu.memory_space<hbm>> -> memref<6x128xi32, #tpu.memory_space<hbm>>
    %dma_start3A_26 = arith.constant 6 : i32
    %dma_start3A_27 = arith.constant 0 : i32
    %dma_start3A_28 = tpu.memref_slice %arg5[%dma_start3A_26, %dma_start3A_27] : memref<12x128xi32, #tpu.memory_space<vmem>> -> memref<6x128xi32, #tpu.memory_space<vmem>>
    %dma_start3A_29 = arith.constant 0 : i32
    %dma_start3A_30 = tpu.memref_slice %arg3[%dma_start3A_19, %add3A_18, %dma_start3A_29] : memref<2x2500x128xi32, #tpu.memory_space<hbm>> -> memref<1x6x128xi32, #tpu.memory_space<hbm>>
    %dma_start3A_31 = tpu.memref_squeeze %dma_start3A_30 : memref<1x6x128xi32, #tpu.memory_space<hbm>> -> memref<6x128xi32, #tpu.memory_space<hbm>>
    tpu.enqueue_dma source(%dma_start3A_31 : memref<6x128xi32, #tpu.memory_space<hbm>>) target(%dma_start3A_28 : memref<6x128xi32, #tpu.memory_space<vmem>>) target_semaphore(%arg15 : memref<!tpu.dma_semaphore, #tpu.memory_space<semaphore_mem>>)
    %add3A_32 = arith.constant 6 : i32
    %add3A_33 = arith.addi %mul3A_2, %add3A_32 : i32
    %dma_start3A_34 = arith.constant 0 : i32
    %dma_start3A_35 = arith.constant 0 : i32
    %dma_start3A_36 = arith.constant 0 : i32
    %dma_start3A_37 = tpu.memref_slice %arg6[%dma_start3A_35, %dma_start3A_36] : memref<12x128xi32, #tpu.memory_space<vmem>> -> memref<6x128xi32, #tpu.memory_space<vmem>>
    %dma_start3A_38 = arith.constant 0 : i32
    %dma_start3A_39 = tpu.memref_slice %arg3[%dma_start3A_34, %add3A_33, %dma_start3A_38] : memref<2x2500x128xi32, #tpu.memory_space<hbm>> -> memref<1x6x128xi32, #tpu.memory_space<hbm>>
    %dma_start3A_40 = tpu.memref_squeeze %dma_start3A_39 : memref<1x6x128xi32, #tpu.memory_space<hbm>> -> memref<6x128xi32, #tpu.memory_space<hbm>>
    %dma_start3A_41 = arith.constant 0 : i32
    %dma_start3A_42 = arith.constant 0 : i32
    %dma_start3A_43 = tpu.memref_slice %arg6[%dma_start3A_41, %dma_start3A_42] : memref<12x128xi32, #tpu.memory_space<vmem>> -> memref<6x128xi32, #tpu.memory_space<vmem>>
    %dma_start3A_44 = arith.constant 0 : i32
    %dma_start3A_45 = tpu.memref_slice %arg3[%dma_start3A_34, %add3A_33, %dma_start3A_44] : memref<2x2500x128xi32, #tpu.memory_space<hbm>> -> memref<1x6x128xi32, #tpu.memory_space<hbm>>
    %dma_start3A_46 = tpu.memref_squeeze %dma_start3A_45 : memref<1x6x128xi32, #tpu.memory_space<hbm>> -> memref<6x128xi32, #tpu.memory_space<hbm>>
    tpu.enqueue_dma source(%dma_start3A_46 : memref<6x128xi32, #tpu.memory_space<hbm>>) target(%dma_start3A_43 : memref<6x128xi32, #tpu.memory_space<vmem>>) target_semaphore(%arg16 : memref<!tpu.dma_semaphore, #tpu.memory_space<semaphore_mem>>)
    %add3A_47 = arith.constant 6 : i32
    %add3A_48 = arith.addi %mul3A_2, %add3A_47 : i32
    %dma_start3A_49 = arith.constant 1 : i32
    %dma_start3A_50 = arith.constant 6 : i32
    %dma_start3A_51 = arith.constant 0 : i32
    %dma_start3A_52 = tpu.memref_slice %arg6[%dma_start3A_50, %dma_start3A_51] : memref<12x128xi32, #tpu.memory_space<vmem>> -> memref<6x128xi32, #tpu.memory_space<vmem>>
    %dma_start3A_53 = arith.constant 0 : i32
    %dma_start3A_54 = tpu.memref_slice %arg3[%dma_start3A_49, %add3A_48, %dma_start3A_53] : memref<2x2500x128xi32, #tpu.memory_space<hbm>> -> memref<1x6x128xi32, #tpu.memory_space<hbm>>
    %dma_start3A_55 = tpu.memref_squeeze %dma_start3A_54 : memref<1x6x128xi32, #tpu.memory_space<hbm>> -> memref<6x128xi32, #tpu.memory_space<hbm>>
    %dma_start3A_56 = arith.constant 6 : i32
    %dma_start3A_57 = arith.constant 0 : i32
    %dma_start3A_58 = tpu.memref_slice %arg6[%dma_start3A_56, %dma_start3A_57] : memref<12x128xi32, #tpu.memory_space<vmem>> -> memref<6x128xi32, #tpu.memory_space<vmem>>
    %dma_start3A_59 = arith.constant 0 : i32
    %dma_start3A_60 = tpu.memref_slice %arg3[%dma_start3A_49, %add3A_48, %dma_start3A_59] : memref<2x2500x128xi32, #tpu.memory_space<hbm>> -> memref<1x6x128xi32, #tpu.memory_space<hbm>>
    %dma_start3A_61 = tpu.memref_squeeze %dma_start3A_60 : memref<1x6x128xi32, #tpu.memory_space<hbm>> -> memref<6x128xi32, #tpu.memory_space<hbm>>
    tpu.enqueue_dma source(%dma_start3A_61 : memref<6x128xi32, #tpu.memory_space<hbm>>) target(%dma_start3A_58 : memref<6x128xi32, #tpu.memory_space<vmem>>) target_semaphore(%arg16 : memref<!tpu.dma_semaphore, #tpu.memory_space<semaphore_mem>>)
    %scan3A = arith.constant 0 : i32
    %scan3A_62 = arith.constant 0 : i32
    %scan3A_63 = arith.constant 128 : i32
    %scan3A_64 = arith.addi %scan3A_62, %scan3A_63 : i32
    %scan3A_65 = arith.constant 1 : i32
    %scan3A_66 = scf.for %scan3A_336 = %scan3A_62 to %scan3A_64 step %scan3A_65 iter_args(%scan3A_337 = %scan3A) -> (i32)  : i32 {
      %broadcast_in_dim3A = arith.constant 0.000000e+00 : bf16
      %broadcast_in_dim3A_338 = vector.broadcast %broadcast_in_dim3A : bf16 to vector<32xbf16>
      %swap3A = arith.index_cast %scan3A_336 : i32 to index
      %swap3A_339 = arith.constant 0 : index
      %swap3A_340 = tpu.vector_load %arg8[%swap3A, %swap3A_339] {strides = array<i32>} : memref<128x128xbf16, #tpu.memory_space<vmem>>, vector<1x32xbf16>,
      %swap3A_341 = vector.shape_cast %swap3A_340 : vector<1x32xbf16> to vector<32xbf16>
      %swap3A_342 = vector.shape_cast %broadcast_in_dim3A_338 : vector<32xbf16> to vector<1x32xbf16>
      tpu.vector_store %arg8[%swap3A, %swap3A_339], %swap3A_342 {strides = array<i32>} : memref<128x128xbf16, #tpu.memory_space<vmem>>, vector<1x32xbf16>,
      %broadcast_in_dim3A_343 = arith.constant 0.000000e+00 : bf16
      %broadcast_in_dim3A_344 = vector.broadcast %broadcast_in_dim3A_343 : bf16 to vector<32xbf16>
      %swap3A_345 = arith.index_cast %scan3A_336 : i32 to index
      %swap3A_346 = arith.constant 32 : index
      %swap3A_347 = tpu.vector_load %arg8[%swap3A_345, %swap3A_346] {strides = array<i32>} : memref<128x128xbf16, #tpu.memory_space<vmem>>, vector<1x32xbf16>,
      %swap3A_348 = vector.shape_cast %swap3A_347 : vector<1x32xbf16> to vector<32xbf16>
      %swap3A_349 = vector.shape_cast %broadcast_in_dim3A_344 : vector<32xbf16> to vector<1x32xbf16>
      tpu.vector_store %arg8[%swap3A_345, %swap3A_346], %swap3A_349 {strides = array<i32>} : memref<128x128xbf16, #tpu.memory_space<vmem>>, vector<1x32xbf16>,
      %broadcast_in_dim3A_350 = arith.constant 0.000000e+00 : bf16
      %broadcast_in_dim3A_351 = vector.broadcast %broadcast_in_dim3A_350 : bf16 to vector<32xbf16>
      %swap3A_352 = arith.index_cast %scan3A_336 : i32 to index
      %swap3A_353 = arith.constant 64 : index
      %swap3A_354 = tpu.vector_load %arg8[%swap3A_352, %swap3A_353] {strides = array<i32>} : memref<128x128xbf16, #tpu.memory_space<vmem>>, vector<1x32xbf16>,
      %swap3A_355 = vector.shape_cast %swap3A_354 : vector<1x32xbf16> to vector<32xbf16>
      %swap3A_356 = vector.shape_cast %broadcast_in_dim3A_351 : vector<32xbf16> to vector<1x32xbf16>
      tpu.vector_store %arg8[%swap3A_352, %swap3A_353], %swap3A_356 {strides = array<i32>} : memref<128x128xbf16, #tpu.memory_space<vmem>>, vector<1x32xbf16>,
      %broadcast_in_dim3A_357 = arith.constant 0.000000e+00 : bf16
      %broadcast_in_dim3A_358 = vector.broadcast %broadcast_in_dim3A_357 : bf16 to vector<32xbf16>
      %swap3A_359 = arith.index_cast %scan3A_336 : i32 to index
      %swap3A_360 = arith.constant 96 : index
      %swap3A_361 = tpu.vector_load %arg8[%swap3A_359, %swap3A_360] {strides = array<i32>} : memref<128x128xbf16, #tpu.memory_space<vmem>>, vector<1x32xbf16>,
      %swap3A_362 = vector.shape_cast %swap3A_361 : vector<1x32xbf16> to vector<32xbf16>
      %swap3A_363 = vector.shape_cast %broadcast_in_dim3A_358 : vector<32xbf16> to vector<1x32xbf16>
      tpu.vector_store %arg8[%swap3A_359, %swap3A_360], %swap3A_363 {strides = array<i32>} : memref<128x128xbf16, #tpu.memory_space<vmem>>, vector<1x32xbf16>,
      %scan3A_364 = arith.constant 0 : i32
      scf.yield %scan3A_364 : i32
    }
    %scan3A_67 = arith.constant 128 : i32
    %mul3A_68 = arith.constant 625 : i32
    %mul3A_69 = arith.muli %arg1, %mul3A_68 : i32
    %add3A_70 = arith.constant 0 : i32
    %add3A_71 = arith.addi %mul3A_69, %add3A_70 : i32
    "tpu.region"() ({
      %run_scoped3A = tpu.sem_alloc : memref<!tpu.dma_semaphore, #tpu.memory_space<semaphore_mem>>
      %dma_start3A_336 = arith.constant 0 : i32
      %dma_start3A_337 = arith.constant 0 : i32
      %dma_start3A_338 = tpu.memref_slice %arg8[%dma_start3A_336, %dma_start3A_337] : memref<128x128xbf16, #tpu.memory_space<vmem>> -> memref<125x128xbf16, #tpu.memory_space<vmem>>
      %dma_start3A_339 = arith.constant 0 : i32
      %dma_start3A_340 = tpu.memref_slice %arg14[%add3A_71, %dma_start3A_339] : memref<10000x128xbf16, #tpu.memory_space<vmem_shared>> -> memref<125x128xbf16, #tpu.memory_space<vmem_shared>>
      %dma_start3A_341 = arith.constant 0 : i32
      %dma_start3A_342 = tpu.memref_slice %arg14[%add3A_71, %dma_start3A_341] : memref<10000x128xbf16, #tpu.memory_space<vmem_shared>> -> memref<125x128xbf16, #tpu.memory_space<vmem_shared>>
      %dma_start3A_343 = arith.constant 0 : i32
      %dma_start3A_344 = arith.constant 0 : i32
      %dma_start3A_345 = tpu.memref_slice %arg8[%dma_start3A_343, %dma_start3A_344] : memref<128x128xbf16, #tpu.memory_space<vmem>> -> memref<125x128xbf16, #tpu.memory_space<vmem>>
      tpu.enqueue_dma source(%dma_start3A_345 : memref<125x128xbf16, #tpu.memory_space<vmem>>) target(%dma_start3A_342 : memref<125x128xbf16, #tpu.memory_space<vmem_shared>>) target_semaphore(%run_scoped3A : memref<!tpu.dma_semaphore, #tpu.memory_space<semaphore_mem>>)
      %dma_wait3A_346 = arith.constant 0 : i32
      %dma_wait3A_347 = arith.constant 0 : i32
      %dma_wait3A_348 = tpu.memref_slice %arg8[%dma_wait3A_346, %dma_wait3A_347] : memref<128x128xbf16, #tpu.memory_space<vmem>> -> memref<125x128xbf16, #tpu.memory_space<vmem>>
      %dma_wait3A_349 = arith.constant 0 : i32
      %dma_wait3A_350 = tpu.memref_slice %arg14[%add3A_71, %dma_wait3A_349] : memref<10000x128xbf16, #tpu.memory_space<vmem_shared>> -> memref<125x128xbf16, #tpu.memory_space<vmem_shared>>
      %dma_wait3A_351 = arith.constant 0 : i32
      %dma_wait3A_352 = tpu.memref_slice %arg14[%add3A_71, %dma_wait3A_351] : memref<10000x128xbf16, #tpu.memory_space<vmem_shared>> -> memref<125x128xbf16, #tpu.memory_space<vmem_shared>>
      %dma_wait3A_353 = arith.constant 0 : i32
      %dma_wait3A_354 = arith.constant 0 : i32
      %dma_wait3A_355 = tpu.memref_slice %arg8[%dma_wait3A_353, %dma_wait3A_354] : memref<128x128xbf16, #tpu.memory_space<vmem>> -> memref<125x128xbf16, #tpu.memory_space<vmem>>
      tpu.wait_dma2 semaphore(%run_scoped3A : memref<!tpu.dma_semaphore, #tpu.memory_space<semaphore_mem>>) src(%dma_wait3A_355 : memref<125x128xbf16, #tpu.memory_space<vmem>>) dst(%dma_wait3A_352 : memref<125x128xbf16, #tpu.memory_space<vmem_shared>>)
      tpu.yield
    }) : () -> ()
    %add3A_72 = arith.constant 125 : i32
    %add3A_73 = arith.addi %mul3A_69, %add3A_72 : i32
    "tpu.region"() ({
      %run_scoped3A = tpu.sem_alloc : memref<!tpu.dma_semaphore, #tpu.memory_space<semaphore_mem>>
      %dma_start3A_336 = arith.constant 0 : i32
      %dma_start3A_337 = arith.constant 0 : i32
      %dma_start3A_338 = tpu.memref_slice %arg8[%dma_start3A_336, %dma_start3A_337] : memref<128x128xbf16, #tpu.memory_space<vmem>> -> memref<125x128xbf16, #tpu.memory_space<vmem>>
      %dma_start3A_339 = arith.constant 0 : i32
      %dma_start3A_340 = tpu.memref_slice %arg14[%add3A_73, %dma_start3A_339] : memref<10000x128xbf16, #tpu.memory_space<vmem_shared>> -> memref<125x128xbf16, #tpu.memory_space<vmem_shared>>
      %dma_start3A_341 = arith.constant 0 : i32
      %dma_start3A_342 = tpu.memref_slice %arg14[%add3A_73, %dma_start3A_341] : memref<10000x128xbf16, #tpu.memory_space<vmem_shared>> -> memref<125x128xbf16, #tpu.memory_space<vmem_shared>>
      %dma_start3A_343 = arith.constant 0 : i32
      %dma_start3A_344 = arith.constant 0 : i32
      %dma_start3A_345 = tpu.memref_slice %arg8[%dma_start3A_343, %dma_start3A_344] : memref<128x128xbf16, #tpu.memory_space<vmem>> -> memref<125x128xbf16, #tpu.memory_space<vmem>>
      tpu.enqueue_dma source(%dma_start3A_345 : memref<125x128xbf16, #tpu.memory_space<vmem>>) target(%dma_start3A_342 : memref<125x128xbf16, #tpu.memory_space<vmem_shared>>) target_semaphore(%run_scoped3A : memref<!tpu.dma_semaphore, #tpu.memory_space<semaphore_mem>>)
      %dma_wait3A_346 = arith.constant 0 : i32
      %dma_wait3A_347 = arith.constant 0 : i32
      %dma_wait3A_348 = tpu.memref_slice %arg8[%dma_wait3A_346, %dma_wait3A_347] : memref<128x128xbf16, #tpu.memory_space<vmem>> -> memref<125x128xbf16, #tpu.memory_space<vmem>>
      %dma_wait3A_349 = arith.constant 0 : i32
      %dma_wait3A_350 = tpu.memref_slice %arg14[%add3A_73, %dma_wait3A_349] : memref<10000x128xbf16, #tpu.memory_space<vmem_shared>> -> memref<125x128xbf16, #tpu.memory_space<vmem_shared>>
      %dma_wait3A_351 = arith.constant 0 : i32
      %dma_wait3A_352 = tpu.memref_slice %arg14[%add3A_73, %dma_wait3A_351] : memref<10000x128xbf16, #tpu.memory_space<vmem_shared>> -> memref<125x128xbf16, #tpu.memory_space<vmem_shared>>
      %dma_wait3A_353 = arith.constant 0 : i32
      %dma_wait3A_354 = arith.constant 0 : i32
      %dma_wait3A_355 = tpu.memref_slice %arg8[%dma_wait3A_353, %dma_wait3A_354] : memref<128x128xbf16, #tpu.memory_space<vmem>> -> memref<125x128xbf16, #tpu.memory_space<vmem>>
      tpu.wait_dma2 semaphore(%run_scoped3A : memref<!tpu.dma_semaphore, #tpu.memory_space<semaphore_mem>>) src(%dma_wait3A_355 : memref<125x128xbf16, #tpu.memory_space<vmem>>) dst(%dma_wait3A_352 : memref<125x128xbf16, #tpu.memory_space<vmem_shared>>)
      tpu.yield
    }) : () -> ()
    %add3A_74 = arith.constant 250 : i32
    %add3A_75 = arith.addi %mul3A_69, %add3A_74 : i32
    "tpu.region"() ({
      %run_scoped3A = tpu.sem_alloc : memref<!tpu.dma_semaphore, #tpu.memory_space<semaphore_mem>>
      %dma_start3A_336 = arith.constant 0 : i32
      %dma_start3A_337 = arith.constant 0 : i32
      %dma_start3A_338 = tpu.memref_slice %arg8[%dma_start3A_336, %dma_start3A_337] : memref<128x128xbf16, #tpu.memory_space<vmem>> -> memref<125x128xbf16, #tpu.memory_space<vmem>>
      %dma_start3A_339 = arith.constant 0 : i32
      %dma_start3A_340 = tpu.memref_slice %arg14[%add3A_75, %dma_start3A_339] : memref<10000x128xbf16, #tpu.memory_space<vmem_shared>> -> memref<125x128xbf16, #tpu.memory_space<vmem_shared>>
      %dma_start3A_341 = arith.constant 0 : i32
      %dma_start3A_342 = tpu.memref_slice %arg14[%add3A_75, %dma_start3A_341] : memref<10000x128xbf16, #tpu.memory_space<vmem_shared>> -> memref<125x128xbf16, #tpu.memory_space<vmem_shared>>
      %dma_start3A_343 = arith.constant 0 : i32
      %dma_start3A_344 = arith.constant 0 : i32
      %dma_start3A_345 = tpu.memref_slice %arg8[%dma_start3A_343, %dma_start3A_344] : memref<128x128xbf16, #tpu.memory_space<vmem>> -> memref<125x128xbf16, #tpu.memory_space<vmem>>
      tpu.enqueue_dma source(%dma_start3A_345 : memref<125x128xbf16, #tpu.memory_space<vmem>>) target(%dma_start3A_342 : memref<125x128xbf16, #tpu.memory_space<vmem_shared>>) target_semaphore(%run_scoped3A : memref<!tpu.dma_semaphore, #tpu.memory_space<semaphore_mem>>)
      %dma_wait3A_346 = arith.constant 0 : i32
      %dma_wait3A_347 = arith.constant 0 : i32
      %dma_wait3A_348 = tpu.memref_slice %arg8[%dma_wait3A_346, %dma_wait3A_347] : memref<128x128xbf16, #tpu.memory_space<vmem>> -> memref<125x128xbf16, #tpu.memory_space<vmem>>
      %dma_wait3A_349 = arith.constant 0 : i32
      %dma_wait3A_350 = tpu.memref_slice %arg14[%add3A_75, %dma_wait3A_349] : memref<10000x128xbf16, #tpu.memory_space<vmem_shared>> -> memref<125x128xbf16, #tpu.memory_space<vmem_shared>>
      %dma_wait3A_351 = arith.constant 0 : i32
      %dma_wait3A_352 = tpu.memref_slice %arg14[%add3A_75, %dma_wait3A_351] : memref<10000x128xbf16, #tpu.memory_space<vmem_shared>> -> memref<125x128xbf16, #tpu.memory_space<vmem_shared>>
      %dma_wait3A_353 = arith.constant 0 : i32
      %dma_wait3A_354 = arith.constant 0 : i32
      %dma_wait3A_355 = tpu.memref_slice %arg8[%dma_wait3A_353, %dma_wait3A_354] : memref<128x128xbf16, #tpu.memory_space<vmem>> -> memref<125x128xbf16, #tpu.memory_space<vmem>>
      tpu.wait_dma2 semaphore(%run_scoped3A : memref<!tpu.dma_semaphore, #tpu.memory_space<semaphore_mem>>) src(%dma_wait3A_355 : memref<125x128xbf16, #tpu.memory_space<vmem>>) dst(%dma_wait3A_352 : memref<125x128xbf16, #tpu.memory_space<vmem_shared>>)
      tpu.yield
    }) : () -> ()
    %add3A_76 = arith.constant 375 : i32
    %add3A_77 = arith.addi %mul3A_69, %add3A_76 : i32
    "tpu.region"() ({
      %run_scoped3A = tpu.sem_alloc : memref<!tpu.dma_semaphore, #tpu.memory_space<semaphore_mem>>
      %dma_start3A_336 = arith.constant 0 : i32
      %dma_start3A_337 = arith.constant 0 : i32
      %dma_start3A_338 = tpu.memref_slice %arg8[%dma_start3A_336, %dma_start3A_337] : memref<128x128xbf16, #tpu.memory_space<vmem>> -> memref<125x128xbf16, #tpu.memory_space<vmem>>
      %dma_start3A_339 = arith.constant 0 : i32
      %dma_start3A_340 = tpu.memref_slice %arg14[%add3A_77, %dma_start3A_339] : memref<10000x128xbf16, #tpu.memory_space<vmem_shared>> -> memref<125x128xbf16, #tpu.memory_space<vmem_shared>>
      %dma_start3A_341 = arith.constant 0 : i32
      %dma_start3A_342 = tpu.memref_slice %arg14[%add3A_77, %dma_start3A_341] : memref<10000x128xbf16, #tpu.memory_space<vmem_shared>> -> memref<125x128xbf16, #tpu.memory_space<vmem_shared>>
      %dma_start3A_343 = arith.constant 0 : i32
      %dma_start3A_344 = arith.constant 0 : i32
      %dma_start3A_345 = tpu.memref_slice %arg8[%dma_start3A_343, %dma_start3A_344] : memref<128x128xbf16, #tpu.memory_space<vmem>> -> memref<125x128xbf16, #tpu.memory_space<vmem>>
      tpu.enqueue_dma source(%dma_start3A_345 : memref<125x128xbf16, #tpu.memory_space<vmem>>) target(%dma_start3A_342 : memref<125x128xbf16, #tpu.memory_space<vmem_shared>>) target_semaphore(%run_scoped3A : memref<!tpu.dma_semaphore, #tpu.memory_space<semaphore_mem>>)
      %dma_wait3A_346 = arith.constant 0 : i32
      %dma_wait3A_347 = arith.constant 0 : i32
      %dma_wait3A_348 = tpu.memref_slice %arg8[%dma_wait3A_346, %dma_wait3A_347] : memref<128x128xbf16, #tpu.memory_space<vmem>> -> memref<125x128xbf16, #tpu.memory_space<vmem>>
      %dma_wait3A_349 = arith.constant 0 : i32
      %dma_wait3A_350 = tpu.memref_slice %arg14[%add3A_77, %dma_wait3A_349] : memref<10000x128xbf16, #tpu.memory_space<vmem_shared>> -> memref<125x128xbf16, #tpu.memory_space<vmem_shared>>
      %dma_wait3A_351 = arith.constant 0 : i32
      %dma_wait3A_352 = tpu.memref_slice %arg14[%add3A_77, %dma_wait3A_351] : memref<10000x128xbf16, #tpu.memory_space<vmem_shared>> -> memref<125x128xbf16, #tpu.memory_space<vmem_shared>>
      %dma_wait3A_353 = arith.constant 0 : i32
      %dma_wait3A_354 = arith.constant 0 : i32
      %dma_wait3A_355 = tpu.memref_slice %arg8[%dma_wait3A_353, %dma_wait3A_354] : memref<128x128xbf16, #tpu.memory_space<vmem>> -> memref<125x128xbf16, #tpu.memory_space<vmem>>
      tpu.wait_dma2 semaphore(%run_scoped3A : memref<!tpu.dma_semaphore, #tpu.memory_space<semaphore_mem>>) src(%dma_wait3A_355 : memref<125x128xbf16, #tpu.memory_space<vmem>>) dst(%dma_wait3A_352 : memref<125x128xbf16, #tpu.memory_space<vmem_shared>>)
      tpu.yield
    }) : () -> ()
    %add3A_78 = arith.constant 500 : i32
    %add3A_79 = arith.addi %mul3A_69, %add3A_78 : i32
    "tpu.region"() ({
      %run_scoped3A = tpu.sem_alloc : memref<!tpu.dma_semaphore, #tpu.memory_space<semaphore_mem>>
      %dma_start3A_336 = arith.constant 0 : i32
      %dma_start3A_337 = arith.constant 0 : i32
      %dma_start3A_338 = tpu.memref_slice %arg8[%dma_start3A_336, %dma_start3A_337] : memref<128x128xbf16, #tpu.memory_space<vmem>> -> memref<125x128xbf16, #tpu.memory_space<vmem>>
      %dma_start3A_339 = arith.constant 0 : i32
      %dma_start3A_340 = tpu.memref_slice %arg14[%add3A_79, %dma_start3A_339] : memref<10000x128xbf16, #tpu.memory_space<vmem_shared>> -> memref<125x128xbf16, #tpu.memory_space<vmem_shared>>
      %dma_start3A_341 = arith.constant 0 : i32
      %dma_start3A_342 = tpu.memref_slice %arg14[%add3A_79, %dma_start3A_341] : memref<10000x128xbf16, #tpu.memory_space<vmem_shared>> -> memref<125x128xbf16, #tpu.memory_space<vmem_shared>>
      %dma_start3A_343 = arith.constant 0 : i32
      %dma_start3A_344 = arith.constant 0 : i32
      %dma_start3A_345 = tpu.memref_slice %arg8[%dma_start3A_343, %dma_start3A_344] : memref<128x128xbf16, #tpu.memory_space<vmem>> -> memref<125x128xbf16, #tpu.memory_space<vmem>>
      tpu.enqueue_dma source(%dma_start3A_345 : memref<125x128xbf16, #tpu.memory_space<vmem>>) target(%dma_start3A_342 : memref<125x128xbf16, #tpu.memory_space<vmem_shared>>) target_semaphore(%run_scoped3A : memref<!tpu.dma_semaphore, #tpu.memory_space<semaphore_mem>>)
      %dma_wait3A_346 = arith.constant 0 : i32
      %dma_wait3A_347 = arith.constant 0 : i32
      %dma_wait3A_348 = tpu.memref_slice %arg8[%dma_wait3A_346, %dma_wait3A_347] : memref<128x128xbf16, #tpu.memory_space<vmem>> -> memref<125x128xbf16, #tpu.memory_space<vmem>>
      %dma_wait3A_349 = arith.constant 0 : i32
      %dma_wait3A_350 = tpu.memref_slice %arg14[%add3A_79, %dma_wait3A_349] : memref<10000x128xbf16, #tpu.memory_space<vmem_shared>> -> memref<125x128xbf16, #tpu.memory_space<vmem_shared>>
      %dma_wait3A_351 = arith.constant 0 : i32
      %dma_wait3A_352 = tpu.memref_slice %arg14[%add3A_79, %dma_wait3A_351] : memref<10000x128xbf16, #tpu.memory_space<vmem_shared>> -> memref<125x128xbf16, #tpu.memory_space<vmem_shared>>
      %dma_wait3A_353 = arith.constant 0 : i32
      %dma_wait3A_354 = arith.constant 0 : i32
      %dma_wait3A_355 = tpu.memref_slice %arg8[%dma_wait3A_353, %dma_wait3A_354] : memref<128x128xbf16, #tpu.memory_space<vmem>> -> memref<125x128xbf16, #tpu.memory_space<vmem>>
      tpu.wait_dma2 semaphore(%run_scoped3A : memref<!tpu.dma_semaphore, #tpu.memory_space<semaphore_mem>>) src(%dma_wait3A_355 : memref<125x128xbf16, #tpu.memory_space<vmem>>) dst(%dma_wait3A_352 : memref<125x128xbf16, #tpu.memory_space<vmem_shared>>)
      tpu.yield
    }) : () -> ()
    %barrier3A = arith.constant 0 : index
    tpu.barrier barrier_id(%barrier3A)
    %scan3A_80 = arith.constant 0 : i32
    %scan3A_81 = arith.constant 0 : i32
    %scan3A_82 = arith.constant 4 : i32
    %scan3A_83 = arith.addi %scan3A_81, %scan3A_82 : i32
    %scan3A_84 = arith.constant 1 : i32
    %scan3A_85 = scf.for %scan3A_336 = %scan3A_81 to %scan3A_83 step %scan3A_84 iter_args(%scan3A_337 = %scan3A_80) -> (i32)  : i32 {
      %mul3A_338 = arith.constant 3 : i32
      %mul3A_339 = arith.muli %mul3A_338, %scan3A_336 : i32
      %gt3A = arith.constant 0 : i32
      %gt3A_340 = arith.cmpi sgt, %scan3A_336, %gt3A : i32
      %dma_wait3A_341 = arith.constant 0 : i32
      %dma_wait3A_342 = arith.constant 0 : i32
      %dma_wait3A_343 = arith.constant 0 : i32
      %dma_wait3A_344 = tpu.memref_slice %arg3[%dma_wait3A_341, %dma_wait3A_342, %dma_wait3A_343] : memref<2x2500x128xi32, #tpu.memory_space<hbm>> -> memref<1x12x128xi32, #tpu.memory_space<hbm>>
      %dma_wait3A_345 = tpu.memref_squeeze %dma_wait3A_344 : memref<1x12x128xi32, #tpu.memory_space<hbm>> -> memref<12x128xi32, #tpu.memory_space<hbm>>
      %dma_wait3A_346 = arith.constant 0 : i32
      %dma_wait3A_347 = arith.constant 0 : i32
      %dma_wait3A_348 = tpu.memref_slice %arg3[%dma_wait3A_341, %dma_wait3A_346, %dma_wait3A_347] : memref<2x2500x128xi32, #tpu.memory_space<hbm>> -> memref<1x12x128xi32, #tpu.memory_space<hbm>>
      %dma_wait3A_349 = tpu.memref_squeeze %dma_wait3A_348 : memref<1x12x128xi32, #tpu.memory_space<hbm>> -> memref<12x128xi32, #tpu.memory_space<hbm>>
      tpu.wait_dma2 semaphore(%arg15 : memref<!tpu.dma_semaphore, #tpu.memory_space<semaphore_mem>>) src(%dma_wait3A_349 : memref<12x128xi32, #tpu.memory_space<hbm>>) dst(%arg5 : memref<12x128xi32, #tpu.memory_space<vmem>>)
      %convert_element_type3A_350 = arith.extui %gt3A_340 : i1 to i32
      %cond3A_351 = arith.constant 0 : i32
      %cond3A_352 = arith.cmpi ne, %convert_element_type3A_350, %cond3A_351 : i32
      scf.if %cond3A_352 {
        %dma_wait3A_908 = arith.constant 6 : i32
        %dma_wait3A_909 = arith.constant 0 : i32
        %dma_wait3A_910 = tpu.memref_slice %arg5[%dma_wait3A_908, %dma_wait3A_909] : memref<12x128xi32, #tpu.memory_space<vmem>> -> memref<1x128xi32, #tpu.memory_space<vmem>>
        %dma_wait3A_911 = tpu.memref_squeeze %dma_wait3A_910 : memref<1x128xi32, #tpu.memory_space<vmem>> -> memref<128xi32, #tpu.memory_space<vmem>>
        %dma_wait3A_912 = arith.constant 0 : i32
        %dma_wait3A_913 = arith.constant 0 : i32
        %dma_wait3A_914 = tpu.memref_slice %arg14[%dma_wait3A_912, %dma_wait3A_913] : memref<10000x128xbf16, #tpu.memory_space<vmem_shared>> -> memref<10000x128xbf16, #tpu.memory_space<vmem_shared>>
        tpu.wait_indirect_dma semaphore(%arg24 : memref<!tpu.dma_semaphore, #tpu.memory_space<semaphore_mem>>) src(%arg8 : memref<128x128xbf16, #tpu.memory_space<vmem>>) dst(%dma_wait3A_914 : memref<10000x128xbf16, #tpu.memory_space<vmem_shared>>)
      } else {
      }
      %dma_start3A_353 = arith.constant 0 : i32
      %dma_start3A_354 = arith.constant 0 : i32
      %dma_start3A_355 = tpu.memref_slice %arg5[%dma_start3A_353, %dma_start3A_354] : memref<12x128xi32, #tpu.memory_space<vmem>> -> memref<1x128xi32, #tpu.memory_space<vmem>>
      %dma_start3A_356 = tpu.memref_squeeze %dma_start3A_355 : memref<1x128xi32, #tpu.memory_space<vmem>> -> memref<128xi32, #tpu.memory_space<vmem>>
      %dma_start3A_357 = arith.constant 0 : i32
      %dma_start3A_358 = arith.constant 0 : i32
      %dma_start3A_359 = tpu.memref_slice %arg2[%dma_start3A_357, %dma_start3A_358] : memref<10000x128xbf16, #tpu.memory_space<hbm>> -> memref<10000x128xbf16, #tpu.memory_space<hbm>>
      tpu.enqueue_indirect_dma source(%dma_start3A_359 : memref<10000x128xbf16, #tpu.memory_space<hbm>>) target(%arg8 : memref<128x128xbf16, #tpu.memory_space<vmem>>) offsets(%dma_start3A_356 : memref<128xi32, #tpu.memory_space<vmem>>) semaphore(%arg18 : memref<!tpu.dma_semaphore, #tpu.memory_space<semaphore_mem>>)
      %convert_element_type3A_360 = arith.extui %gt3A_340 : i1 to i32
      %cond3A_361 = arith.constant 0 : i32
      %cond3A_362 = arith.cmpi ne, %convert_element_type3A_360, %cond3A_361 : i32
      scf.if %cond3A_362 {
        %dma_wait3A_908 = arith.constant 0 : i32
        %dma_wait3A_909 = arith.constant 0 : i32
        %dma_wait3A_910 = tpu.memref_slice %arg5[%dma_wait3A_908, %dma_wait3A_909] : memref<12x128xi32, #tpu.memory_space<vmem>> -> memref<1x128xi32, #tpu.memory_space<vmem>>
        %dma_wait3A_911 = tpu.memref_squeeze %dma_wait3A_910 : memref<1x128xi32, #tpu.memory_space<vmem>> -> memref<128xi32, #tpu.memory_space<vmem>>
        %dma_wait3A_912 = arith.constant 0 : i32
        %dma_wait3A_913 = arith.constant 0 : i32
        %dma_wait3A_914 = tpu.memref_slice %arg2[%dma_wait3A_912, %dma_wait3A_913] : memref<10000x128xbf16, #tpu.memory_space<hbm>> -> memref<10000x128xbf16, #tpu.memory_space<hbm>>
        tpu.wait_indirect_dma semaphore(%arg22 : memref<!tpu.dma_semaphore, #tpu.memory_space<semaphore_mem>>) src(%dma_wait3A_914 : memref<10000x128xbf16, #tpu.memory_space<hbm>>) dst(%arg12 : memref<128x128xbf16, #tpu.memory_space<vmem>>)
        %dma_start3A_915 = arith.constant 10 : i32
        %dma_start3A_916 = arith.constant 0 : i32
        %dma_start3A_917 = tpu.memref_slice %arg7[%dma_start3A_915, %dma_start3A_916] : memref<12x128xi32, #tpu.memory_space<vmem>> -> memref<1x128xi32, #tpu.memory_space<vmem>>
        %dma_start3A_918 = tpu.memref_squeeze %dma_start3A_917 : memref<1x128xi32, #tpu.memory_space<vmem>> -> memref<128xi32, #tpu.memory_space<vmem>>
        %dma_start3A_919 = arith.constant 0 : i32
        %dma_start3A_920 = arith.constant 0 : i32
        %dma_start3A_921 = tpu.memref_slice %arg14[%dma_start3A_919, %dma_start3A_920] : memref<10000x128xbf16, #tpu.memory_space<vmem_shared>> -> memref<10000x128xbf16, #tpu.memory_space<vmem_shared>>
        tpu.enqueue_indirect_dma source(%arg12 : memref<128x128xbf16, #tpu.memory_space<vmem>>) target(%dma_start3A_921 : memref<10000x128xbf16, #tpu.memory_space<vmem_shared>>) offsets(%dma_start3A_918 : memref<128xi32, #tpu.memory_space<vmem>>) semaphore(%arg28 : memref<!tpu.dma_semaphore, #tpu.memory_space<semaphore_mem>>) {add = true}
      } else {
      }
      %convert_element_type3A_363 = arith.extui %gt3A_340 : i1 to i32
      %cond3A_364 = arith.constant 0 : i32
      %cond3A_365 = arith.cmpi ne, %convert_element_type3A_363, %cond3A_364 : i32
      scf.if %cond3A_365 {
        %dma_wait3A_908 = arith.constant 6 : i32
        %dma_wait3A_909 = arith.constant 0 : i32
        %dma_wait3A_910 = tpu.memref_slice %arg5[%dma_wait3A_908, %dma_wait3A_909] : memref<12x128xi32, #tpu.memory_space<vmem>> -> memref<1x128xi32, #tpu.memory_space<vmem>>
        %dma_wait3A_911 = tpu.memref_squeeze %dma_wait3A_910 : memref<1x128xi32, #tpu.memory_space<vmem>> -> memref<128xi32, #tpu.memory_space<vmem>>
        %dma_wait3A_912 = arith.constant 0 : i32
        %dma_wait3A_913 = arith.constant 0 : i32
        %dma_wait3A_914 = tpu.memref_slice %arg14[%dma_wait3A_912, %dma_wait3A_913] : memref<10000x128xbf16, #tpu.memory_space<vmem_shared>> -> memref<10000x128xbf16, #tpu.memory_space<vmem_shared>>
        tpu.wait_indirect_dma semaphore(%arg25 : memref<!tpu.dma_semaphore, #tpu.memory_space<semaphore_mem>>) src(%arg9 : memref<128x128xbf16, #tpu.memory_space<vmem>>) dst(%dma_wait3A_914 : memref<10000x128xbf16, #tpu.memory_space<vmem_shared>>)
      } else {
      }
      %dma_start3A_366 = arith.constant 1 : i32
      %dma_start3A_367 = arith.constant 0 : i32
      %dma_start3A_368 = tpu.memref_slice %arg5[%dma_start3A_366, %dma_start3A_367] : memref<12x128xi32, #tpu.memory_space<vmem>> -> memref<1x128xi32, #tpu.memory_space<vmem>>
      %dma_start3A_369 = tpu.memref_squeeze %dma_start3A_368 : memref<1x128xi32, #tpu.memory_space<vmem>> -> memref<128xi32, #tpu.memory_space<vmem>>
      %dma_start3A_370 = arith.constant 0 : i32
      %dma_start3A_371 = arith.constant 0 : i32
      %dma_start3A_372 = tpu.memref_slice %arg2[%dma_start3A_370, %dma_start3A_371] : memref<10000x128xbf16, #tpu.memory_space<hbm>> -> memref<10000x128xbf16, #tpu.memory_space<hbm>>
      tpu.enqueue_indirect_dma source(%dma_start3A_372 : memref<10000x128xbf16, #tpu.memory_space<hbm>>) target(%arg9 : memref<128x128xbf16, #tpu.memory_space<vmem>>) offsets(%dma_start3A_369 : memref<128xi32, #tpu.memory_space<vmem>>) semaphore(%arg19 : memref<!tpu.dma_semaphore, #tpu.memory_space<semaphore_mem>>)
      %convert_element_type3A_373 = arith.extui %gt3A_340 : i1 to i32
      %cond3A_374 = arith.constant 0 : i32
      %cond3A_375 = arith.cmpi ne, %convert_element_type3A_373, %cond3A_374 : i32
      scf.if %cond3A_375 {
        %dma_wait3A_908 = arith.constant 0 : i32
        %dma_wait3A_909 = arith.constant 0 : i32
        %dma_wait3A_910 = tpu.memref_slice %arg5[%dma_wait3A_908, %dma_wait3A_909] : memref<12x128xi32, #tpu.memory_space<vmem>> -> memref<1x128xi32, #tpu.memory_space<vmem>>
        %dma_wait3A_911 = tpu.memref_squeeze %dma_wait3A_910 : memref<1x128xi32, #tpu.memory_space<vmem>> -> memref<128xi32, #tpu.memory_space<vmem>>
        %dma_wait3A_912 = arith.constant 0 : i32
        %dma_wait3A_913 = arith.constant 0 : i32
        %dma_wait3A_914 = tpu.memref_slice %arg2[%dma_wait3A_912, %dma_wait3A_913] : memref<10000x128xbf16, #tpu.memory_space<hbm>> -> memref<10000x128xbf16, #tpu.memory_space<hbm>>
        tpu.wait_indirect_dma semaphore(%arg23 : memref<!tpu.dma_semaphore, #tpu.memory_space<semaphore_mem>>) src(%dma_wait3A_914 : memref<10000x128xbf16, #tpu.memory_space<hbm>>) dst(%arg13 : memref<128x128xbf16, #tpu.memory_space<vmem>>)
        %dma_start3A_915 = arith.constant 11 : i32
        %dma_start3A_916 = arith.constant 0 : i32
        %dma_start3A_917 = tpu.memref_slice %arg7[%dma_start3A_915, %dma_start3A_916] : memref<12x128xi32, #tpu.memory_space<vmem>> -> memref<1x128xi32, #tpu.memory_space<vmem>>
        %dma_start3A_918 = tpu.memref_squeeze %dma_start3A_917 : memref<1x128xi32, #tpu.memory_space<vmem>> -> memref<128xi32, #tpu.memory_space<vmem>>
        %dma_start3A_919 = arith.constant 0 : i32
        %dma_start3A_920 = arith.constant 0 : i32
        %dma_start3A_921 = tpu.memref_slice %arg14[%dma_start3A_919, %dma_start3A_920] : memref<10000x128xbf16, #tpu.memory_space<vmem_shared>> -> memref<10000x128xbf16, #tpu.memory_space<vmem_shared>>
        tpu.enqueue_indirect_dma source(%arg13 : memref<128x128xbf16, #tpu.memory_space<vmem>>) target(%dma_start3A_921 : memref<10000x128xbf16, #tpu.memory_space<vmem_shared>>) offsets(%dma_start3A_918 : memref<128xi32, #tpu.memory_space<vmem>>) semaphore(%arg29 : memref<!tpu.dma_semaphore, #tpu.memory_space<semaphore_mem>>) {add = true}
      } else {
      }
      %convert_element_type3A_376 = arith.extui %gt3A_340 : i1 to i32
      %cond3A_377 = arith.constant 0 : i32
      %cond3A_378 = arith.cmpi ne, %convert_element_type3A_376, %cond3A_377 : i32
      scf.if %cond3A_378 {
        %dma_wait3A_908 = arith.constant 6 : i32
        %dma_wait3A_909 = arith.constant 0 : i32
        %dma_wait3A_910 = tpu.memref_slice %arg5[%dma_wait3A_908, %dma_wait3A_909] : memref<12x128xi32, #tpu.memory_space<vmem>> -> memref<1x128xi32, #tpu.memory_space<vmem>>
        %dma_wait3A_911 = tpu.memref_squeeze %dma_wait3A_910 : memref<1x128xi32, #tpu.memory_space<vmem>> -> memref<128xi32, #tpu.memory_space<vmem>>
        %dma_wait3A_912 = arith.constant 0 : i32
        %dma_wait3A_913 = arith.constant 0 : i32
        %dma_wait3A_914 = tpu.memref_slice %arg14[%dma_wait3A_912, %dma_wait3A_913] : memref<10000x128xbf16, #tpu.memory_space<vmem_shared>> -> memref<10000x128xbf16, #tpu.memory_space<vmem_shared>>
        tpu.wait_indirect_dma semaphore(%arg26 : memref<!tpu.dma_semaphore, #tpu.memory_space<semaphore_mem>>) src(%arg10 : memref<128x128xbf16, #tpu.memory_space<vmem>>) dst(%dma_wait3A_914 : memref<10000x128xbf16, #tpu.memory_space<vmem_shared>>)
      } else {
      }
      %dma_start3A_379 = arith.constant 2 : i32
      %dma_start3A_380 = arith.constant 0 : i32
      %dma_start3A_381 = tpu.memref_slice %arg5[%dma_start3A_379, %dma_start3A_380] : memref<12x128xi32, #tpu.memory_space<vmem>> -> memref<1x128xi32, #tpu.memory_space<vmem>>
      %dma_start3A_382 = tpu.memref_squeeze %dma_start3A_381 : memref<1x128xi32, #tpu.memory_space<vmem>> -> memref<128xi32, #tpu.memory_space<vmem>>
      %dma_start3A_383 = arith.constant 0 : i32
      %dma_start3A_384 = arith.constant 0 : i32
      %dma_start3A_385 = tpu.memref_slice %arg2[%dma_start3A_383, %dma_start3A_384] : memref<10000x128xbf16, #tpu.memory_space<hbm>> -> memref<10000x128xbf16, #tpu.memory_space<hbm>>
      tpu.enqueue_indirect_dma source(%dma_start3A_385 : memref<10000x128xbf16, #tpu.memory_space<hbm>>) target(%arg10 : memref<128x128xbf16, #tpu.memory_space<vmem>>) offsets(%dma_start3A_382 : memref<128xi32, #tpu.memory_space<vmem>>) semaphore(%arg20 : memref<!tpu.dma_semaphore, #tpu.memory_space<semaphore_mem>>)
      %dma_wait3A_386 = arith.constant 0 : i32
      %dma_wait3A_387 = arith.constant 0 : i32
      %dma_wait3A_388 = tpu.memref_slice %arg5[%dma_wait3A_386, %dma_wait3A_387] : memref<12x128xi32, #tpu.memory_space<vmem>> -> memref<1x128xi32, #tpu.memory_space<vmem>>
      %dma_wait3A_389 = tpu.memref_squeeze %dma_wait3A_388 : memref<1x128xi32, #tpu.memory_space<vmem>> -> memref<128xi32, #tpu.memory_space<vmem>>
      %dma_wait3A_390 = arith.constant 0 : i32
      %dma_wait3A_391 = arith.constant 0 : i32
      %dma_wait3A_392 = tpu.memref_slice %arg2[%dma_wait3A_390, %dma_wait3A_391] : memref<10000x128xbf16, #tpu.memory_space<hbm>> -> memref<10000x128xbf16, #tpu.memory_space<hbm>>
      tpu.wait_indirect_dma semaphore(%arg18 : memref<!tpu.dma_semaphore, #tpu.memory_space<semaphore_mem>>) src(%dma_wait3A_392 : memref<10000x128xbf16, #tpu.memory_space<hbm>>) dst(%arg8 : memref<128x128xbf16, #tpu.memory_space<vmem>>)
      %dma_start3A_393 = arith.constant 6 : i32
      %dma_start3A_394 = arith.constant 0 : i32
      %dma_start3A_395 = tpu.memref_slice %arg5[%dma_start3A_393, %dma_start3A_394] : memref<12x128xi32, #tpu.memory_space<vmem>> -> memref<1x128xi32, #tpu.memory_space<vmem>>
      %dma_start3A_396 = tpu.memref_squeeze %dma_start3A_395 : memref<1x128xi32, #tpu.memory_space<vmem>> -> memref<128xi32, #tpu.memory_space<vmem>>
      %dma_start3A_397 = arith.constant 0 : i32
      %dma_start3A_398 = arith.constant 0 : i32
      %dma_start3A_399 = tpu.memref_slice %arg14[%dma_start3A_397, %dma_start3A_398] : memref<10000x128xbf16, #tpu.memory_space<vmem_shared>> -> memref<10000x128xbf16, #tpu.memory_space<vmem_shared>>
      tpu.enqueue_indirect_dma source(%arg8 : memref<128x128xbf16, #tpu.memory_space<vmem>>) target(%dma_start3A_399 : memref<10000x128xbf16, #tpu.memory_space<vmem_shared>>) offsets(%dma_start3A_396 : memref<128xi32, #tpu.memory_space<vmem>>) semaphore(%arg24 : memref<!tpu.dma_semaphore, #tpu.memory_space<semaphore_mem>>) {add = true}
      %convert_element_type3A_400 = arith.extui %gt3A_340 : i1 to i32
      %cond3A_401 = arith.constant 0 : i32
      %cond3A_402 = arith.cmpi ne, %convert_element_type3A_400, %cond3A_401 : i32
      scf.if %cond3A_402 {
        %dma_wait3A_908 = arith.constant 6 : i32
        %dma_wait3A_909 = arith.constant 0 : i32
        %dma_wait3A_910 = tpu.memref_slice %arg5[%dma_wait3A_908, %dma_wait3A_909] : memref<12x128xi32, #tpu.memory_space<vmem>> -> memref<1x128xi32, #tpu.memory_space<vmem>>
        %dma_wait3A_911 = tpu.memref_squeeze %dma_wait3A_910 : memref<1x128xi32, #tpu.memory_space<vmem>> -> memref<128xi32, #tpu.memory_space<vmem>>
        %dma_wait3A_912 = arith.constant 0 : i32
        %dma_wait3A_913 = arith.constant 0 : i32
        %dma_wait3A_914 = tpu.memref_slice %arg14[%dma_wait3A_912, %dma_wait3A_913] : memref<10000x128xbf16, #tpu.memory_space<vmem_shared>> -> memref<10000x128xbf16, #tpu.memory_space<vmem_shared>>
        tpu.wait_indirect_dma semaphore(%arg27 : memref<!tpu.dma_semaphore, #tpu.memory_space<semaphore_mem>>) src(%arg11 : memref<128x128xbf16, #tpu.memory_space<vmem>>) dst(%dma_wait3A_914 : memref<10000x128xbf16, #tpu.memory_space<vmem_shared>>)
      } else {
      }
      %dma_start3A_403 = arith.constant 3 : i32
      %dma_start3A_404 = arith.constant 0 : i32
      %dma_start3A_405 = tpu.memref_slice %arg5[%dma_start3A_403, %dma_start3A_404] : memref<12x128xi32, #tpu.memory_space<vmem>> -> memref<1x128xi32, #tpu.memory_space<vmem>>
      %dma_start3A_406 = tpu.memref_squeeze %dma_start3A_405 : memref<1x128xi32, #tpu.memory_space<vmem>> -> memref<128xi32, #tpu.memory_space<vmem>>
      %dma_start3A_407 = arith.constant 0 : i32
      %dma_start3A_408 = arith.constant 0 : i32
      %dma_start3A_409 = tpu.memref_slice %arg2[%dma_start3A_407, %dma_start3A_408] : memref<10000x128xbf16, #tpu.memory_space<hbm>> -> memref<10000x128xbf16, #tpu.memory_space<hbm>>
      tpu.enqueue_indirect_dma source(%dma_start3A_409 : memref<10000x128xbf16, #tpu.memory_space<hbm>>) target(%arg11 : memref<128x128xbf16, #tpu.memory_space<vmem>>) offsets(%dma_start3A_406 : memref<128xi32, #tpu.memory_space<vmem>>) semaphore(%arg21 : memref<!tpu.dma_semaphore, #tpu.memory_space<semaphore_mem>>)
      %dma_wait3A_410 = arith.constant 0 : i32
      %dma_wait3A_411 = arith.constant 0 : i32
      %dma_wait3A_412 = tpu.memref_slice %arg5[%dma_wait3A_410, %dma_wait3A_411] : memref<12x128xi32, #tpu.memory_space<vmem>> -> memref<1x128xi32, #tpu.memory_space<vmem>>
      %dma_wait3A_413 = tpu.memref_squeeze %dma_wait3A_412 : memref<1x128xi32, #tpu.memory_space<vmem>> -> memref<128xi32, #tpu.memory_space<vmem>>
      %dma_wait3A_414 = arith.constant 0 : i32
      %dma_wait3A_415 = arith.constant 0 : i32
      %dma_wait3A_416 = tpu.memref_slice %arg2[%dma_wait3A_414, %dma_wait3A_415] : memref<10000x128xbf16, #tpu.memory_space<hbm>> -> memref<10000x128xbf16, #tpu.memory_space<hbm>>
      tpu.wait_indirect_dma semaphore(%arg19 : memref<!tpu.dma_semaphore, #tpu.memory_space<semaphore_mem>>) src(%dma_wait3A_416 : memref<10000x128xbf16, #tpu.memory_space<hbm>>) dst(%arg9 : memref<128x128xbf16, #tpu.memory_space<vmem>>)
      %dma_start3A_417 = arith.constant 7 : i32
      %dma_start3A_418 = arith.constant 0 : i32
      %dma_start3A_419 = tpu.memref_slice %arg5[%dma_start3A_417, %dma_start3A_418] : memref<12x128xi32, #tpu.memory_space<vmem>> -> memref<1x128xi32, #tpu.memory_space<vmem>>
      %dma_start3A_420 = tpu.memref_squeeze %dma_start3A_419 : memref<1x128xi32, #tpu.memory_space<vmem>> -> memref<128xi32, #tpu.memory_space<vmem>>
      %dma_start3A_421 = arith.constant 0 : i32
      %dma_start3A_422 = arith.constant 0 : i32
      %dma_start3A_423 = tpu.memref_slice %arg14[%dma_start3A_421, %dma_start3A_422] : memref<10000x128xbf16, #tpu.memory_space<vmem_shared>> -> memref<10000x128xbf16, #tpu.memory_space<vmem_shared>>
      tpu.enqueue_indirect_dma source(%arg9 : memref<128x128xbf16, #tpu.memory_space<vmem>>) target(%dma_start3A_423 : memref<10000x128xbf16, #tpu.memory_space<vmem_shared>>) offsets(%dma_start3A_420 : memref<128xi32, #tpu.memory_space<vmem>>) semaphore(%arg25 : memref<!tpu.dma_semaphore, #tpu.memory_space<semaphore_mem>>) {add = true}
      %convert_element_type3A_424 = arith.extui %gt3A_340 : i1 to i32
      %cond3A_425 = arith.constant 0 : i32
      %cond3A_426 = arith.cmpi ne, %convert_element_type3A_424, %cond3A_425 : i32
      scf.if %cond3A_426 {
        %dma_wait3A_908 = arith.constant 6 : i32
        %dma_wait3A_909 = arith.constant 0 : i32
        %dma_wait3A_910 = tpu.memref_slice %arg5[%dma_wait3A_908, %dma_wait3A_909] : memref<12x128xi32, #tpu.memory_space<vmem>> -> memref<1x128xi32, #tpu.memory_space<vmem>>
        %dma_wait3A_911 = tpu.memref_squeeze %dma_wait3A_910 : memref<1x128xi32, #tpu.memory_space<vmem>> -> memref<128xi32, #tpu.memory_space<vmem>>
        %dma_wait3A_912 = arith.constant 0 : i32
        %dma_wait3A_913 = arith.constant 0 : i32
        %dma_wait3A_914 = tpu.memref_slice %arg14[%dma_wait3A_912, %dma_wait3A_913] : memref<10000x128xbf16, #tpu.memory_space<vmem_shared>> -> memref<10000x128xbf16, #tpu.memory_space<vmem_shared>>
        tpu.wait_indirect_dma semaphore(%arg28 : memref<!tpu.dma_semaphore, #tpu.memory_space<semaphore_mem>>) src(%arg12 : memref<128x128xbf16, #tpu.memory_space<vmem>>) dst(%dma_wait3A_914 : memref<10000x128xbf16, #tpu.memory_space<vmem_shared>>)
      } else {
      }
      %dma_start3A_427 = arith.constant 4 : i32
      %dma_start3A_428 = arith.constant 0 : i32
      %dma_start3A_429 = tpu.memref_slice %arg5[%dma_start3A_427, %dma_start3A_428] : memref<12x128xi32, #tpu.memory_space<vmem>> -> memref<1x128xi32, #tpu.memory_space<vmem>>
      %dma_start3A_430 = tpu.memref_squeeze %dma_start3A_429 : memref<1x128xi32, #tpu.memory_space<vmem>> -> memref<128xi32, #tpu.memory_space<vmem>>
      %dma_start3A_431 = arith.constant 0 : i32
      %dma_start3A_432 = arith.constant 0 : i32
      %dma_start3A_433 = tpu.memref_slice %arg2[%dma_start3A_431, %dma_start3A_432] : memref<10000x128xbf16, #tpu.memory_space<hbm>> -> memref<10000x128xbf16, #tpu.memory_space<hbm>>
      tpu.enqueue_indirect_dma source(%dma_start3A_433 : memref<10000x128xbf16, #tpu.memory_space<hbm>>) target(%arg12 : memref<128x128xbf16, #tpu.memory_space<vmem>>) offsets(%dma_start3A_430 : memref<128xi32, #tpu.memory_space<vmem>>) semaphore(%arg22 : memref<!tpu.dma_semaphore, #tpu.memory_space<semaphore_mem>>)
      %dma_wait3A_434 = arith.constant 0 : i32
      %dma_wait3A_435 = arith.constant 0 : i32
      %dma_wait3A_436 = tpu.memref_slice %arg5[%dma_wait3A_434, %dma_wait3A_435] : memref<12x128xi32, #tpu.memory_space<vmem>> -> memref<1x128xi32, #tpu.memory_space<vmem>>
      %dma_wait3A_437 = tpu.memref_squeeze %dma_wait3A_436 : memref<1x128xi32, #tpu.memory_space<vmem>> -> memref<128xi32, #tpu.memory_space<vmem>>
      %dma_wait3A_438 = arith.constant 0 : i32
      %dma_wait3A_439 = arith.constant 0 : i32
      %dma_wait3A_440 = tpu.memref_slice %arg2[%dma_wait3A_438, %dma_wait3A_439] : memref<10000x128xbf16, #tpu.memory_space<hbm>> -> memref<10000x128xbf16, #tpu.memory_space<hbm>>
      tpu.wait_indirect_dma semaphore(%arg20 : memref<!tpu.dma_semaphore, #tpu.memory_space<semaphore_mem>>) src(%dma_wait3A_440 : memref<10000x128xbf16, #tpu.memory_space<hbm>>) dst(%arg10 : memref<128x128xbf16, #tpu.memory_space<vmem>>)
      %dma_start3A_441 = arith.constant 8 : i32
      %dma_start3A_442 = arith.constant 0 : i32
      %dma_start3A_443 = tpu.memref_slice %arg5[%dma_start3A_441, %dma_start3A_442] : memref<12x128xi32, #tpu.memory_space<vmem>> -> memref<1x128xi32, #tpu.memory_space<vmem>>
      %dma_start3A_444 = tpu.memref_squeeze %dma_start3A_443 : memref<1x128xi32, #tpu.memory_space<vmem>> -> memref<128xi32, #tpu.memory_space<vmem>>
      %dma_start3A_445 = arith.constant 0 : i32
      %dma_start3A_446 = arith.constant 0 : i32
      %dma_start3A_447 = tpu.memref_slice %arg14[%dma_start3A_445, %dma_start3A_446] : memref<10000x128xbf16, #tpu.memory_space<vmem_shared>> -> memref<10000x128xbf16, #tpu.memory_space<vmem_shared>>
      tpu.enqueue_indirect_dma source(%arg10 : memref<128x128xbf16, #tpu.memory_space<vmem>>) target(%dma_start3A_447 : memref<10000x128xbf16, #tpu.memory_space<vmem_shared>>) offsets(%dma_start3A_444 : memref<128xi32, #tpu.memory_space<vmem>>) semaphore(%arg26 : memref<!tpu.dma_semaphore, #tpu.memory_space<semaphore_mem>>) {add = true}
      %convert_element_type3A_448 = arith.extui %gt3A_340 : i1 to i32
      %cond3A_449 = arith.constant 0 : i32
      %cond3A_450 = arith.cmpi ne, %convert_element_type3A_448, %cond3A_449 : i32
      scf.if %cond3A_450 {
        %dma_wait3A_908 = arith.constant 6 : i32
        %dma_wait3A_909 = arith.constant 0 : i32
        %dma_wait3A_910 = tpu.memref_slice %arg5[%dma_wait3A_908, %dma_wait3A_909] : memref<12x128xi32, #tpu.memory_space<vmem>> -> memref<1x128xi32, #tpu.memory_space<vmem>>
        %dma_wait3A_911 = tpu.memref_squeeze %dma_wait3A_910 : memref<1x128xi32, #tpu.memory_space<vmem>> -> memref<128xi32, #tpu.memory_space<vmem>>
        %dma_wait3A_912 = arith.constant 0 : i32
        %dma_wait3A_913 = arith.constant 0 : i32
        %dma_wait3A_914 = tpu.memref_slice %arg14[%dma_wait3A_912, %dma_wait3A_913] : memref<10000x128xbf16, #tpu.memory_space<vmem_shared>> -> memref<10000x128xbf16, #tpu.memory_space<vmem_shared>>
        tpu.wait_indirect_dma semaphore(%arg29 : memref<!tpu.dma_semaphore, #tpu.memory_space<semaphore_mem>>) src(%arg13 : memref<128x128xbf16, #tpu.memory_space<vmem>>) dst(%dma_wait3A_914 : memref<10000x128xbf16, #tpu.memory_space<vmem_shared>>)
      } else {
      }
      %dma_start3A_451 = arith.constant 5 : i32
      %dma_start3A_452 = arith.constant 0 : i32
      %dma_start3A_453 = tpu.memref_slice %arg5[%dma_start3A_451, %dma_start3A_452] : memref<12x128xi32, #tpu.memory_space<vmem>> -> memref<1x128xi32, #tpu.memory_space<vmem>>
      %dma_start3A_454 = tpu.memref_squeeze %dma_start3A_453 : memref<1x128xi32, #tpu.memory_space<vmem>> -> memref<128xi32, #tpu.memory_space<vmem>>
      %dma_start3A_455 = arith.constant 0 : i32
      %dma_start3A_456 = arith.constant 0 : i32
      %dma_start3A_457 = tpu.memref_slice %arg2[%dma_start3A_455, %dma_start3A_456] : memref<10000x128xbf16, #tpu.memory_space<hbm>> -> memref<10000x128xbf16, #tpu.memory_space<hbm>>
      tpu.enqueue_indirect_dma source(%dma_start3A_457 : memref<10000x128xbf16, #tpu.memory_space<hbm>>) target(%arg13 : memref<128x128xbf16, #tpu.memory_space<vmem>>) offsets(%dma_start3A_454 : memref<128xi32, #tpu.memory_space<vmem>>) semaphore(%arg23 : memref<!tpu.dma_semaphore, #tpu.memory_space<semaphore_mem>>)
      %dma_wait3A_458 = arith.constant 0 : i32
      %dma_wait3A_459 = arith.constant 0 : i32
      %dma_wait3A_460 = tpu.memref_slice %arg5[%dma_wait3A_458, %dma_wait3A_459] : memref<12x128xi32, #tpu.memory_space<vmem>> -> memref<1x128xi32, #tpu.memory_space<vmem>>
      %dma_wait3A_461 = tpu.memref_squeeze %dma_wait3A_460 : memref<1x128xi32, #tpu.memory_space<vmem>> -> memref<128xi32, #tpu.memory_space<vmem>>
      %dma_wait3A_462 = arith.constant 0 : i32
      %dma_wait3A_463 = arith.constant 0 : i32
      %dma_wait3A_464 = tpu.memref_slice %arg2[%dma_wait3A_462, %dma_wait3A_463] : memref<10000x128xbf16, #tpu.memory_space<hbm>> -> memref<10000x128xbf16, #tpu.memory_space<hbm>>
      tpu.wait_indirect_dma semaphore(%arg21 : memref<!tpu.dma_semaphore, #tpu.memory_space<semaphore_mem>>) src(%dma_wait3A_464 : memref<10000x128xbf16, #tpu.memory_space<hbm>>) dst(%arg11 : memref<128x128xbf16, #tpu.memory_space<vmem>>)
      %dma_start3A_465 = arith.constant 9 : i32
      %dma_start3A_466 = arith.constant 0 : i32
      %dma_start3A_467 = tpu.memref_slice %arg5[%dma_start3A_465, %dma_start3A_466] : memref<12x128xi32, #tpu.memory_space<vmem>> -> memref<1x128xi32, #tpu.memory_space<vmem>>
      %dma_start3A_468 = tpu.memref_squeeze %dma_start3A_467 : memref<1x128xi32, #tpu.memory_space<vmem>> -> memref<128xi32, #tpu.memory_space<vmem>>
      %dma_start3A_469 = arith.constant 0 : i32
      %dma_start3A_470 = arith.constant 0 : i32
      %dma_start3A_471 = tpu.memref_slice %arg14[%dma_start3A_469, %dma_start3A_470] : memref<10000x128xbf16, #tpu.memory_space<vmem_shared>> -> memref<10000x128xbf16, #tpu.memory_space<vmem_shared>>
      tpu.enqueue_indirect_dma source(%arg11 : memref<128x128xbf16, #tpu.memory_space<vmem>>) target(%dma_start3A_471 : memref<10000x128xbf16, #tpu.memory_space<vmem_shared>>) offsets(%dma_start3A_468 : memref<128xi32, #tpu.memory_space<vmem>>) semaphore(%arg27 : memref<!tpu.dma_semaphore, #tpu.memory_space<semaphore_mem>>) {add = true}
      %add3A_472 = arith.constant 2 : i32
      %add3A_473 = arith.addi %mul3A_339, %add3A_472 : i32
      %mul3A_474 = arith.constant 6 : i32
      %mul3A_475 = arith.muli %mul3A_474, %add3A_473 : i32
      %add3A_476 = arith.addi %mul3A_2, %mul3A_475 : i32
      %dma_start3A_477 = arith.constant 0 : i32
      %dma_start3A_478 = arith.constant 0 : i32
      %dma_start3A_479 = arith.constant 0 : i32
      %dma_start3A_480 = tpu.memref_slice %arg7[%dma_start3A_478, %dma_start3A_479] : memref<12x128xi32, #tpu.memory_space<vmem>> -> memref<6x128xi32, #tpu.memory_space<vmem>>
      %dma_start3A_481 = arith.constant 0 : i32
      %dma_start3A_482 = tpu.memref_slice %arg3[%dma_start3A_477, %add3A_476, %dma_start3A_481] : memref<2x2500x128xi32, #tpu.memory_space<hbm>> -> memref<1x6x128xi32, #tpu.memory_space<hbm>>
      %dma_start3A_483 = tpu.memref_squeeze %dma_start3A_482 : memref<1x6x128xi32, #tpu.memory_space<hbm>> -> memref<6x128xi32, #tpu.memory_space<hbm>>
      %dma_start3A_484 = arith.constant 0 : i32
      %dma_start3A_485 = arith.constant 0 : i32
      %dma_start3A_486 = tpu.memref_slice %arg7[%dma_start3A_484, %dma_start3A_485] : memref<12x128xi32, #tpu.memory_space<vmem>> -> memref<6x128xi32, #tpu.memory_space<vmem>>
      %dma_start3A_487 = arith.constant 0 : i32
      %dma_start3A_488 = tpu.memref_slice %arg3[%dma_start3A_477, %add3A_476, %dma_start3A_487] : memref<2x2500x128xi32, #tpu.memory_space<hbm>> -> memref<1x6x128xi32, #tpu.memory_space<hbm>>
      %dma_start3A_489 = tpu.memref_squeeze %dma_start3A_488 : memref<1x6x128xi32, #tpu.memory_space<hbm>> -> memref<6x128xi32, #tpu.memory_space<hbm>>
      tpu.enqueue_dma source(%dma_start3A_489 : memref<6x128xi32, #tpu.memory_space<hbm>>) target(%dma_start3A_486 : memref<6x128xi32, #tpu.memory_space<vmem>>) target_semaphore(%arg17 : memref<!tpu.dma_semaphore, #tpu.memory_space<semaphore_mem>>)
      %mul3A_490 = arith.constant 6 : i32
      %mul3A_491 = arith.muli %mul3A_490, %add3A_473 : i32
      %add3A_492 = arith.addi %mul3A_2, %mul3A_491 : i32
      %dma_start3A_493 = arith.constant 1 : i32
      %dma_start3A_494 = arith.constant 6 : i32
      %dma_start3A_495 = arith.constant 0 : i32
      %dma_start3A_496 = tpu.memref_slice %arg7[%dma_start3A_494, %dma_start3A_495] : memref<12x128xi32, #tpu.memory_space<vmem>> -> memref<6x128xi32, #tpu.memory_space<vmem>>
      %dma_start3A_497 = arith.constant 0 : i32
      %dma_start3A_498 = tpu.memref_slice %arg3[%dma_start3A_493, %add3A_492, %dma_start3A_497] : memref<2x2500x128xi32, #tpu.memory_space<hbm>> -> memref<1x6x128xi32, #tpu.memory_space<hbm>>
      %dma_start3A_499 = tpu.memref_squeeze %dma_start3A_498 : memref<1x6x128xi32, #tpu.memory_space<hbm>> -> memref<6x128xi32, #tpu.memory_space<hbm>>
      %dma_start3A_500 = arith.constant 6 : i32
      %dma_start3A_501 = arith.constant 0 : i32
      %dma_start3A_502 = tpu.memref_slice %arg7[%dma_start3A_500, %dma_start3A_501] : memref<12x128xi32, #tpu.memory_space<vmem>> -> memref<6x128xi32, #tpu.memory_space<vmem>>
      %dma_start3A_503 = arith.constant 0 : i32
      %dma_start3A_504 = tpu.memref_slice %arg3[%dma_start3A_493, %add3A_492, %dma_start3A_503] : memref<2x2500x128xi32, #tpu.memory_space<hbm>> -> memref<1x6x128xi32, #tpu.memory_space<hbm>>
      %dma_start3A_505 = tpu.memref_squeeze %dma_start3A_504 : memref<1x6x128xi32, #tpu.memory_space<hbm>> -> memref<6x128xi32, #tpu.memory_space<hbm>>
      tpu.enqueue_dma source(%dma_start3A_505 : memref<6x128xi32, #tpu.memory_space<hbm>>) target(%dma_start3A_502 : memref<6x128xi32, #tpu.memory_space<vmem>>) target_semaphore(%arg17 : memref<!tpu.dma_semaphore, #tpu.memory_space<semaphore_mem>>)
      %mul3A_506 = arith.constant 3 : i32
      %mul3A_507 = arith.muli %mul3A_506, %scan3A_336 : i32
      %add3A_508 = arith.constant 1 : i32
      %add3A_509 = arith.addi %mul3A_507, %add3A_508 : i32
      %dma_wait3A_510 = arith.constant 0 : i32
      %dma_wait3A_511 = arith.constant 0 : i32
      %dma_wait3A_512 = arith.constant 0 : i32
      %dma_wait3A_513 = tpu.memref_slice %arg3[%dma_wait3A_510, %dma_wait3A_511, %dma_wait3A_512] : memref<2x2500x128xi32, #tpu.memory_space<hbm>> -> memref<1x12x128xi32, #tpu.memory_space<hbm>>
      %dma_wait3A_514 = tpu.memref_squeeze %dma_wait3A_513 : memref<1x12x128xi32, #tpu.memory_space<hbm>> -> memref<12x128xi32, #tpu.memory_space<hbm>>
      %dma_wait3A_515 = arith.constant 0 : i32
      %dma_wait3A_516 = arith.constant 0 : i32
      %dma_wait3A_517 = tpu.memref_slice %arg3[%dma_wait3A_510, %dma_wait3A_515, %dma_wait3A_516] : memref<2x2500x128xi32, #tpu.memory_space<hbm>> -> memref<1x12x128xi32, #tpu.memory_space<hbm>>
      %dma_wait3A_518 = tpu.memref_squeeze %dma_wait3A_517 : memref<1x12x128xi32, #tpu.memory_space<hbm>> -> memref<12x128xi32, #tpu.memory_space<hbm>>
      tpu.wait_dma2 semaphore(%arg16 : memref<!tpu.dma_semaphore, #tpu.memory_space<semaphore_mem>>) src(%dma_wait3A_518 : memref<12x128xi32, #tpu.memory_space<hbm>>) dst(%arg6 : memref<12x128xi32, #tpu.memory_space<vmem>>)
      %dma_wait3A_519 = arith.constant 6 : i32
      %dma_wait3A_520 = arith.constant 0 : i32
      %dma_wait3A_521 = tpu.memref_slice %arg6[%dma_wait3A_519, %dma_wait3A_520] : memref<12x128xi32, #tpu.memory_space<vmem>> -> memref<1x128xi32, #tpu.memory_space<vmem>>
      %dma_wait3A_522 = tpu.memref_squeeze %dma_wait3A_521 : memref<1x128xi32, #tpu.memory_space<vmem>> -> memref<128xi32, #tpu.memory_space<vmem>>
      %dma_wait3A_523 = arith.constant 0 : i32
      %dma_wait3A_524 = arith.constant 0 : i32
      %dma_wait3A_525 = tpu.memref_slice %arg14[%dma_wait3A_523, %dma_wait3A_524] : memref<10000x128xbf16, #tpu.memory_space<vmem_shared>> -> memref<10000x128xbf16, #tpu.memory_space<vmem_shared>>
      tpu.wait_indirect_dma semaphore(%arg24 : memref<!tpu.dma_semaphore, #tpu.memory_space<semaphore_mem>>) src(%arg8 : memref<128x128xbf16, #tpu.memory_space<vmem>>) dst(%dma_wait3A_525 : memref<10000x128xbf16, #tpu.memory_space<vmem_shared>>)
      %dma_start3A_526 = arith.constant 0 : i32
      %dma_start3A_527 = arith.constant 0 : i32
      %dma_start3A_528 = tpu.memref_slice %arg6[%dma_start3A_526, %dma_start3A_527] : memref<12x128xi32, #tpu.memory_space<vmem>> -> memref<1x128xi32, #tpu.memory_space<vmem>>
      %dma_start3A_529 = tpu.memref_squeeze %dma_start3A_528 : memref<1x128xi32, #tpu.memory_space<vmem>> -> memref<128xi32, #tpu.memory_space<vmem>>
      %dma_start3A_530 = arith.constant 0 : i32
      %dma_start3A_531 = arith.constant 0 : i32
      %dma_start3A_532 = tpu.memref_slice %arg2[%dma_start3A_530, %dma_start3A_531] : memref<10000x128xbf16, #tpu.memory_space<hbm>> -> memref<10000x128xbf16, #tpu.memory_space<hbm>>
      tpu.enqueue_indirect_dma source(%dma_start3A_532 : memref<10000x128xbf16, #tpu.memory_space<hbm>>) target(%arg8 : memref<128x128xbf16, #tpu.memory_space<vmem>>) offsets(%dma_start3A_529 : memref<128xi32, #tpu.memory_space<vmem>>) semaphore(%arg18 : memref<!tpu.dma_semaphore, #tpu.memory_space<semaphore_mem>>)
      %dma_wait3A_533 = arith.constant 0 : i32
      %dma_wait3A_534 = arith.constant 0 : i32
      %dma_wait3A_535 = tpu.memref_slice %arg6[%dma_wait3A_533, %dma_wait3A_534] : memref<12x128xi32, #tpu.memory_space<vmem>> -> memref<1x128xi32, #tpu.memory_space<vmem>>
      %dma_wait3A_536 = tpu.memref_squeeze %dma_wait3A_535 : memref<1x128xi32, #tpu.memory_space<vmem>> -> memref<128xi32, #tpu.memory_space<vmem>>
      %dma_wait3A_537 = arith.constant 0 : i32
      %dma_wait3A_538 = arith.constant 0 : i32
      %dma_wait3A_539 = tpu.memref_slice %arg2[%dma_wait3A_537, %dma_wait3A_538] : memref<10000x128xbf16, #tpu.memory_space<hbm>> -> memref<10000x128xbf16, #tpu.memory_space<hbm>>
      tpu.wait_indirect_dma semaphore(%arg22 : memref<!tpu.dma_semaphore, #tpu.memory_space<semaphore_mem>>) src(%dma_wait3A_539 : memref<10000x128xbf16, #tpu.memory_space<hbm>>) dst(%arg12 : memref<128x128xbf16, #tpu.memory_space<vmem>>)
      %dma_start3A_540 = arith.constant 10 : i32
      %dma_start3A_541 = arith.constant 0 : i32
      %dma_start3A_542 = tpu.memref_slice %arg5[%dma_start3A_540, %dma_start3A_541] : memref<12x128xi32, #tpu.memory_space<vmem>> -> memref<1x128xi32, #tpu.memory_space<vmem>>
      %dma_start3A_543 = tpu.memref_squeeze %dma_start3A_542 : memref<1x128xi32, #tpu.memory_space<vmem>> -> memref<128xi32, #tpu.memory_space<vmem>>
      %dma_start3A_544 = arith.constant 0 : i32
      %dma_start3A_545 = arith.constant 0 : i32
      %dma_start3A_546 = tpu.memref_slice %arg14[%dma_start3A_544, %dma_start3A_545] : memref<10000x128xbf16, #tpu.memory_space<vmem_shared>> -> memref<10000x128xbf16, #tpu.memory_space<vmem_shared>>
      tpu.enqueue_indirect_dma source(%arg12 : memref<128x128xbf16, #tpu.memory_space<vmem>>) target(%dma_start3A_546 : memref<10000x128xbf16, #tpu.memory_space<vmem_shared>>) offsets(%dma_start3A_543 : memref<128xi32, #tpu.memory_space<vmem>>) semaphore(%arg28 : memref<!tpu.dma_semaphore, #tpu.memory_space<semaphore_mem>>) {add = true}
      %dma_wait3A_547 = arith.constant 6 : i32
      %dma_wait3A_548 = arith.constant 0 : i32
      %dma_wait3A_549 = tpu.memref_slice %arg6[%dma_wait3A_547, %dma_wait3A_548] : memref<12x128xi32, #tpu.memory_space<vmem>> -> memref<1x128xi32, #tpu.memory_space<vmem>>
      %dma_wait3A_550 = tpu.memref_squeeze %dma_wait3A_549 : memref<1x128xi32, #tpu.memory_space<vmem>> -> memref<128xi32, #tpu.memory_space<vmem>>
      %dma_wait3A_551 = arith.constant 0 : i32
      %dma_wait3A_552 = arith.constant 0 : i32
      %dma_wait3A_553 = tpu.memref_slice %arg14[%dma_wait3A_551, %dma_wait3A_552] : memref<10000x128xbf16, #tpu.memory_space<vmem_shared>> -> memref<10000x128xbf16, #tpu.memory_space<vmem_shared>>
      tpu.wait_indirect_dma semaphore(%arg25 : memref<!tpu.dma_semaphore, #tpu.memory_space<semaphore_mem>>) src(%arg9 : memref<128x128xbf16, #tpu.memory_space<vmem>>) dst(%dma_wait3A_553 : memref<10000x128xbf16, #tpu.memory_space<vmem_shared>>)
      %dma_start3A_554 = arith.constant 1 : i32
      %dma_start3A_555 = arith.constant 0 : i32
      %dma_start3A_556 = tpu.memref_slice %arg6[%dma_start3A_554, %dma_start3A_555] : memref<12x128xi32, #tpu.memory_space<vmem>> -> memref<1x128xi32, #tpu.memory_space<vmem>>
      %dma_start3A_557 = tpu.memref_squeeze %dma_start3A_556 : memref<1x128xi32, #tpu.memory_space<vmem>> -> memref<128xi32, #tpu.memory_space<vmem>>
      %dma_start3A_558 = arith.constant 0 : i32
      %dma_start3A_559 = arith.constant 0 : i32
      %dma_start3A_560 = tpu.memref_slice %arg2[%dma_start3A_558, %dma_start3A_559] : memref<10000x128xbf16, #tpu.memory_space<hbm>> -> memref<10000x128xbf16, #tpu.memory_space<hbm>>
      tpu.enqueue_indirect_dma source(%dma_start3A_560 : memref<10000x128xbf16, #tpu.memory_space<hbm>>) target(%arg9 : memref<128x128xbf16, #tpu.memory_space<vmem>>) offsets(%dma_start3A_557 : memref<128xi32, #tpu.memory_space<vmem>>) semaphore(%arg19 : memref<!tpu.dma_semaphore, #tpu.memory_space<semaphore_mem>>)
      %dma_wait3A_561 = arith.constant 0 : i32
      %dma_wait3A_562 = arith.constant 0 : i32
      %dma_wait3A_563 = tpu.memref_slice %arg6[%dma_wait3A_561, %dma_wait3A_562] : memref<12x128xi32, #tpu.memory_space<vmem>> -> memref<1x128xi32, #tpu.memory_space<vmem>>
      %dma_wait3A_564 = tpu.memref_squeeze %dma_wait3A_563 : memref<1x128xi32, #tpu.memory_space<vmem>> -> memref<128xi32, #tpu.memory_space<vmem>>
      %dma_wait3A_565 = arith.constant 0 : i32
      %dma_wait3A_566 = arith.constant 0 : i32
      %dma_wait3A_567 = tpu.memref_slice %arg2[%dma_wait3A_565, %dma_wait3A_566] : memref<10000x128xbf16, #tpu.memory_space<hbm>> -> memref<10000x128xbf16, #tpu.memory_space<hbm>>
      tpu.wait_indirect_dma semaphore(%arg23 : memref<!tpu.dma_semaphore, #tpu.memory_space<semaphore_mem>>) src(%dma_wait3A_567 : memref<10000x128xbf16, #tpu.memory_space<hbm>>) dst(%arg13 : memref<128x128xbf16, #tpu.memory_space<vmem>>)
      %dma_start3A_568 = arith.constant 11 : i32
      %dma_start3A_569 = arith.constant 0 : i32
      %dma_start3A_570 = tpu.memref_slice %arg5[%dma_start3A_568, %dma_start3A_569] : memref<12x128xi32, #tpu.memory_space<vmem>> -> memref<1x128xi32, #tpu.memory_space<vmem>>
      %dma_start3A_571 = tpu.memref_squeeze %dma_start3A_570 : memref<1x128xi32, #tpu.memory_space<vmem>> -> memref<128xi32, #tpu.memory_space<vmem>>
      %dma_start3A_572 = arith.constant 0 : i32
      %dma_start3A_573 = arith.constant 0 : i32
      %dma_start3A_574 = tpu.memref_slice %arg14[%dma_start3A_572, %dma_start3A_573] : memref<10000x128xbf16, #tpu.memory_space<vmem_shared>> -> memref<10000x128xbf16, #tpu.memory_space<vmem_shared>>
      tpu.enqueue_indirect_dma source(%arg13 : memref<128x128xbf16, #tpu.memory_space<vmem>>) target(%dma_start3A_574 : memref<10000x128xbf16, #tpu.memory_space<vmem_shared>>) offsets(%dma_start3A_571 : memref<128xi32, #tpu.memory_space<vmem>>) semaphore(%arg29 : memref<!tpu.dma_semaphore, #tpu.memory_space<semaphore_mem>>) {add = true}
      %dma_wait3A_575 = arith.constant 6 : i32
      %dma_wait3A_576 = arith.constant 0 : i32
      %dma_wait3A_577 = tpu.memref_slice %arg6[%dma_wait3A_575, %dma_wait3A_576] : memref<12x128xi32, #tpu.memory_space<vmem>> -> memref<1x128xi32, #tpu.memory_space<vmem>>
      %dma_wait3A_578 = tpu.memref_squeeze %dma_wait3A_577 : memref<1x128xi32, #tpu.memory_space<vmem>> -> memref<128xi32, #tpu.memory_space<vmem>>
      %dma_wait3A_579 = arith.constant 0 : i32
      %dma_wait3A_580 = arith.constant 0 : i32
      %dma_wait3A_581 = tpu.memref_slice %arg14[%dma_wait3A_579, %dma_wait3A_580] : memref<10000x128xbf16, #tpu.memory_space<vmem_shared>> -> memref<10000x128xbf16, #tpu.memory_space<vmem_shared>>
      tpu.wait_indirect_dma semaphore(%arg26 : memref<!tpu.dma_semaphore, #tpu.memory_space<semaphore_mem>>) src(%arg10 : memref<128x128xbf16, #tpu.memory_space<vmem>>) dst(%dma_wait3A_581 : memref<10000x128xbf16, #tpu.memory_space<vmem_shared>>)
      %dma_start3A_582 = arith.constant 2 : i32
      %dma_start3A_583 = arith.constant 0 : i32
      %dma_start3A_584 = tpu.memref_slice %arg6[%dma_start3A_582, %dma_start3A_583] : memref<12x128xi32, #tpu.memory_space<vmem>> -> memref<1x128xi32, #tpu.memory_space<vmem>>
      %dma_start3A_585 = tpu.memref_squeeze %dma_start3A_584 : memref<1x128xi32, #tpu.memory_space<vmem>> -> memref<128xi32, #tpu.memory_space<vmem>>
      %dma_start3A_586 = arith.constant 0 : i32
      %dma_start3A_587 = arith.constant 0 : i32
      %dma_start3A_588 = tpu.memref_slice %arg2[%dma_start3A_586, %dma_start3A_587] : memref<10000x128xbf16, #tpu.memory_space<hbm>> -> memref<10000x128xbf16, #tpu.memory_space<hbm>>
      tpu.enqueue_indirect_dma source(%dma_start3A_588 : memref<10000x128xbf16, #tpu.memory_space<hbm>>) target(%arg10 : memref<128x128xbf16, #tpu.memory_space<vmem>>) offsets(%dma_start3A_585 : memref<128xi32, #tpu.memory_space<vmem>>) semaphore(%arg20 : memref<!tpu.dma_semaphore, #tpu.memory_space<semaphore_mem>>)
      %dma_wait3A_589 = arith.constant 0 : i32
      %dma_wait3A_590 = arith.constant 0 : i32
      %dma_wait3A_591 = tpu.memref_slice %arg6[%dma_wait3A_589, %dma_wait3A_590] : memref<12x128xi32, #tpu.memory_space<vmem>> -> memref<1x128xi32, #tpu.memory_space<vmem>>
      %dma_wait3A_592 = tpu.memref_squeeze %dma_wait3A_591 : memref<1x128xi32, #tpu.memory_space<vmem>> -> memref<128xi32, #tpu.memory_space<vmem>>
      %dma_wait3A_593 = arith.constant 0 : i32
      %dma_wait3A_594 = arith.constant 0 : i32
      %dma_wait3A_595 = tpu.memref_slice %arg2[%dma_wait3A_593, %dma_wait3A_594] : memref<10000x128xbf16, #tpu.memory_space<hbm>> -> memref<10000x128xbf16, #tpu.memory_space<hbm>>
      tpu.wait_indirect_dma semaphore(%arg18 : memref<!tpu.dma_semaphore, #tpu.memory_space<semaphore_mem>>) src(%dma_wait3A_595 : memref<10000x128xbf16, #tpu.memory_space<hbm>>) dst(%arg8 : memref<128x128xbf16, #tpu.memory_space<vmem>>)
      %dma_start3A_596 = arith.constant 6 : i32
      %dma_start3A_597 = arith.constant 0 : i32
      %dma_start3A_598 = tpu.memref_slice %arg6[%dma_start3A_596, %dma_start3A_597] : memref<12x128xi32, #tpu.memory_space<vmem>> -> memref<1x128xi32, #tpu.memory_space<vmem>>
      %dma_start3A_599 = tpu.memref_squeeze %dma_start3A_598 : memref<1x128xi32, #tpu.memory_space<vmem>> -> memref<128xi32, #tpu.memory_space<vmem>>
      %dma_start3A_600 = arith.constant 0 : i32
      %dma_start3A_601 = arith.constant 0 : i32
      %dma_start3A_602 = tpu.memref_slice %arg14[%dma_start3A_600, %dma_start3A_601] : memref<10000x128xbf16, #tpu.memory_space<vmem_shared>> -> memref<10000x128xbf16, #tpu.memory_space<vmem_shared>>
      tpu.enqueue_indirect_dma source(%arg8 : memref<128x128xbf16, #tpu.memory_space<vmem>>) target(%dma_start3A_602 : memref<10000x128xbf16, #tpu.memory_space<vmem_shared>>) offsets(%dma_start3A_599 : memref<128xi32, #tpu.memory_space<vmem>>) semaphore(%arg24 : memref<!tpu.dma_semaphore, #tpu.memory_space<semaphore_mem>>) {add = true}
      %dma_wait3A_603 = arith.constant 6 : i32
      %dma_wait3A_604 = arith.constant 0 : i32
      %dma_wait3A_605 = tpu.memref_slice %arg6[%dma_wait3A_603, %dma_wait3A_604] : memref<12x128xi32, #tpu.memory_space<vmem>> -> memref<1x128xi32, #tpu.memory_space<vmem>>
      %dma_wait3A_606 = tpu.memref_squeeze %dma_wait3A_605 : memref<1x128xi32, #tpu.memory_space<vmem>> -> memref<128xi32, #tpu.memory_space<vmem>>
      %dma_wait3A_607 = arith.constant 0 : i32
      %dma_wait3A_608 = arith.constant 0 : i32
      %dma_wait3A_609 = tpu.memref_slice %arg14[%dma_wait3A_607, %dma_wait3A_608] : memref<10000x128xbf16, #tpu.memory_space<vmem_shared>> -> memref<10000x128xbf16, #tpu.memory_space<vmem_shared>>
      tpu.wait_indirect_dma semaphore(%arg27 : memref<!tpu.dma_semaphore, #tpu.memory_space<semaphore_mem>>) src(%arg11 : memref<128x128xbf16, #tpu.memory_space<vmem>>) dst(%dma_wait3A_609 : memref<10000x128xbf16, #tpu.memory_space<vmem_shared>>)
      %dma_start3A_610 = arith.constant 3 : i32
      %dma_start3A_611 = arith.constant 0 : i32
      %dma_start3A_612 = tpu.memref_slice %arg6[%dma_start3A_610, %dma_start3A_611] : memref<12x128xi32, #tpu.memory_space<vmem>> -> memref<1x128xi32, #tpu.memory_space<vmem>>
      %dma_start3A_613 = tpu.memref_squeeze %dma_start3A_612 : memref<1x128xi32, #tpu.memory_space<vmem>> -> memref<128xi32, #tpu.memory_space<vmem>>
      %dma_start3A_614 = arith.constant 0 : i32
      %dma_start3A_615 = arith.constant 0 : i32
      %dma_start3A_616 = tpu.memref_slice %arg2[%dma_start3A_614, %dma_start3A_615] : memref<10000x128xbf16, #tpu.memory_space<hbm>> -> memref<10000x128xbf16, #tpu.memory_space<hbm>>
      tpu.enqueue_indirect_dma source(%dma_start3A_616 : memref<10000x128xbf16, #tpu.memory_space<hbm>>) target(%arg11 : memref<128x128xbf16, #tpu.memory_space<vmem>>) offsets(%dma_start3A_613 : memref<128xi32, #tpu.memory_space<vmem>>) semaphore(%arg21 : memref<!tpu.dma_semaphore, #tpu.memory_space<semaphore_mem>>)
      %dma_wait3A_617 = arith.constant 0 : i32
      %dma_wait3A_618 = arith.constant 0 : i32
      %dma_wait3A_619 = tpu.memref_slice %arg6[%dma_wait3A_617, %dma_wait3A_618] : memref<12x128xi32, #tpu.memory_space<vmem>> -> memref<1x128xi32, #tpu.memory_space<vmem>>
      %dma_wait3A_620 = tpu.memref_squeeze %dma_wait3A_619 : memref<1x128xi32, #tpu.memory_space<vmem>> -> memref<128xi32, #tpu.memory_space<vmem>>
      %dma_wait3A_621 = arith.constant 0 : i32
      %dma_wait3A_622 = arith.constant 0 : i32
      %dma_wait3A_623 = tpu.memref_slice %arg2[%dma_wait3A_621, %dma_wait3A_622] : memref<10000x128xbf16, #tpu.memory_space<hbm>> -> memref<10000x128xbf16, #tpu.memory_space<hbm>>
      tpu.wait_indirect_dma semaphore(%arg19 : memref<!tpu.dma_semaphore, #tpu.memory_space<semaphore_mem>>) src(%dma_wait3A_623 : memref<10000x128xbf16, #tpu.memory_space<hbm>>) dst(%arg9 : memref<128x128xbf16, #tpu.memory_space<vmem>>)
      %dma_start3A_624 = arith.constant 7 : i32
      %dma_start3A_625 = arith.constant 0 : i32
      %dma_start3A_626 = tpu.memref_slice %arg6[%dma_start3A_624, %dma_start3A_625] : memref<12x128xi32, #tpu.memory_space<vmem>> -> memref<1x128xi32, #tpu.memory_space<vmem>>
      %dma_start3A_627 = tpu.memref_squeeze %dma_start3A_626 : memref<1x128xi32, #tpu.memory_space<vmem>> -> memref<128xi32, #tpu.memory_space<vmem>>
      %dma_start3A_628 = arith.constant 0 : i32
      %dma_start3A_629 = arith.constant 0 : i32
      %dma_start3A_630 = tpu.memref_slice %arg14[%dma_start3A_628, %dma_start3A_629] : memref<10000x128xbf16, #tpu.memory_space<vmem_shared>> -> memref<10000x128xbf16, #tpu.memory_space<vmem_shared>>
      tpu.enqueue_indirect_dma source(%arg9 : memref<128x128xbf16, #tpu.memory_space<vmem>>) target(%dma_start3A_630 : memref<10000x128xbf16, #tpu.memory_space<vmem_shared>>) offsets(%dma_start3A_627 : memref<128xi32, #tpu.memory_space<vmem>>) semaphore(%arg25 : memref<!tpu.dma_semaphore, #tpu.memory_space<semaphore_mem>>) {add = true}
      %dma_wait3A_631 = arith.constant 6 : i32
      %dma_wait3A_632 = arith.constant 0 : i32
      %dma_wait3A_633 = tpu.memref_slice %arg6[%dma_wait3A_631, %dma_wait3A_632] : memref<12x128xi32, #tpu.memory_space<vmem>> -> memref<1x128xi32, #tpu.memory_space<vmem>>
      %dma_wait3A_634 = tpu.memref_squeeze %dma_wait3A_633 : memref<1x128xi32, #tpu.memory_space<vmem>> -> memref<128xi32, #tpu.memory_space<vmem>>
      %dma_wait3A_635 = arith.constant 0 : i32
      %dma_wait3A_636 = arith.constant 0 : i32
      %dma_wait3A_637 = tpu.memref_slice %arg14[%dma_wait3A_635, %dma_wait3A_636] : memref<10000x128xbf16, #tpu.memory_space<vmem_shared>> -> memref<10000x128xbf16, #tpu.memory_space<vmem_shared>>
      tpu.wait_indirect_dma semaphore(%arg28 : memref<!tpu.dma_semaphore, #tpu.memory_space<semaphore_mem>>) src(%arg12 : memref<128x128xbf16, #tpu.memory_space<vmem>>) dst(%dma_wait3A_637 : memref<10000x128xbf16, #tpu.memory_space<vmem_shared>>)
      %dma_start3A_638 = arith.constant 4 : i32
      %dma_start3A_639 = arith.constant 0 : i32
      %dma_start3A_640 = tpu.memref_slice %arg6[%dma_start3A_638, %dma_start3A_639] : memref<12x128xi32, #tpu.memory_space<vmem>> -> memref<1x128xi32, #tpu.memory_space<vmem>>
      %dma_start3A_641 = tpu.memref_squeeze %dma_start3A_640 : memref<1x128xi32, #tpu.memory_space<vmem>> -> memref<128xi32, #tpu.memory_space<vmem>>
      %dma_start3A_642 = arith.constant 0 : i32
      %dma_start3A_643 = arith.constant 0 : i32
      %dma_start3A_644 = tpu.memref_slice %arg2[%dma_start3A_642, %dma_start3A_643] : memref<10000x128xbf16, #tpu.memory_space<hbm>> -> memref<10000x128xbf16, #tpu.memory_space<hbm>>
      tpu.enqueue_indirect_dma source(%dma_start3A_644 : memref<10000x128xbf16, #tpu.memory_space<hbm>>) target(%arg12 : memref<128x128xbf16, #tpu.memory_space<vmem>>) offsets(%dma_start3A_641 : memref<128xi32, #tpu.memory_space<vmem>>) semaphore(%arg22 : memref<!tpu.dma_semaphore, #tpu.memory_space<semaphore_mem>>)
      %dma_wait3A_645 = arith.constant 0 : i32
      %dma_wait3A_646 = arith.constant 0 : i32
      %dma_wait3A_647 = tpu.memref_slice %arg6[%dma_wait3A_645, %dma_wait3A_646] : memref<12x128xi32, #tpu.memory_space<vmem>> -> memref<1x128xi32, #tpu.memory_space<vmem>>
      %dma_wait3A_648 = tpu.memref_squeeze %dma_wait3A_647 : memref<1x128xi32, #tpu.memory_space<vmem>> -> memref<128xi32, #tpu.memory_space<vmem>>
      %dma_wait3A_649 = arith.constant 0 : i32
      %dma_wait3A_650 = arith.constant 0 : i32
      %dma_wait3A_651 = tpu.memref_slice %arg2[%dma_wait3A_649, %dma_wait3A_650] : memref<10000x128xbf16, #tpu.memory_space<hbm>> -> memref<10000x128xbf16, #tpu.memory_space<hbm>>
      tpu.wait_indirect_dma semaphore(%arg20 : memref<!tpu.dma_semaphore, #tpu.memory_space<semaphore_mem>>) src(%dma_wait3A_651 : memref<10000x128xbf16, #tpu.memory_space<hbm>>) dst(%arg10 : memref<128x128xbf16, #tpu.memory_space<vmem>>)
      %dma_start3A_652 = arith.constant 8 : i32
      %dma_start3A_653 = arith.constant 0 : i32
      %dma_start3A_654 = tpu.memref_slice %arg6[%dma_start3A_652, %dma_start3A_653] : memref<12x128xi32, #tpu.memory_space<vmem>> -> memref<1x128xi32, #tpu.memory_space<vmem>>
      %dma_start3A_655 = tpu.memref_squeeze %dma_start3A_654 : memref<1x128xi32, #tpu.memory_space<vmem>> -> memref<128xi32, #tpu.memory_space<vmem>>
      %dma_start3A_656 = arith.constant 0 : i32
      %dma_start3A_657 = arith.constant 0 : i32
      %dma_start3A_658 = tpu.memref_slice %arg14[%dma_start3A_656, %dma_start3A_657] : memref<10000x128xbf16, #tpu.memory_space<vmem_shared>> -> memref<10000x128xbf16, #tpu.memory_space<vmem_shared>>
      tpu.enqueue_indirect_dma source(%arg10 : memref<128x128xbf16, #tpu.memory_space<vmem>>) target(%dma_start3A_658 : memref<10000x128xbf16, #tpu.memory_space<vmem_shared>>) offsets(%dma_start3A_655 : memref<128xi32, #tpu.memory_space<vmem>>) semaphore(%arg26 : memref<!tpu.dma_semaphore, #tpu.memory_space<semaphore_mem>>) {add = true}
      %dma_wait3A_659 = arith.constant 6 : i32
      %dma_wait3A_660 = arith.constant 0 : i32
      %dma_wait3A_661 = tpu.memref_slice %arg6[%dma_wait3A_659, %dma_wait3A_660] : memref<12x128xi32, #tpu.memory_space<vmem>> -> memref<1x128xi32, #tpu.memory_space<vmem>>
      %dma_wait3A_662 = tpu.memref_squeeze %dma_wait3A_661 : memref<1x128xi32, #tpu.memory_space<vmem>> -> memref<128xi32, #tpu.memory_space<vmem>>
      %dma_wait3A_663 = arith.constant 0 : i32
      %dma_wait3A_664 = arith.constant 0 : i32
      %dma_wait3A_665 = tpu.memref_slice %arg14[%dma_wait3A_663, %dma_wait3A_664] : memref<10000x128xbf16, #tpu.memory_space<vmem_shared>> -> memref<10000x128xbf16, #tpu.memory_space<vmem_shared>>
      tpu.wait_indirect_dma semaphore(%arg29 : memref<!tpu.dma_semaphore, #tpu.memory_space<semaphore_mem>>) src(%arg13 : memref<128x128xbf16, #tpu.memory_space<vmem>>) dst(%dma_wait3A_665 : memref<10000x128xbf16, #tpu.memory_space<vmem_shared>>)
      %dma_start3A_666 = arith.constant 5 : i32
      %dma_start3A_667 = arith.constant 0 : i32
      %dma_start3A_668 = tpu.memref_slice %arg6[%dma_start3A_666, %dma_start3A_667] : memref<12x128xi32, #tpu.memory_space<vmem>> -> memref<1x128xi32, #tpu.memory_space<vmem>>
      %dma_start3A_669 = tpu.memref_squeeze %dma_start3A_668 : memref<1x128xi32, #tpu.memory_space<vmem>> -> memref<128xi32, #tpu.memory_space<vmem>>
      %dma_start3A_670 = arith.constant 0 : i32
      %dma_start3A_671 = arith.constant 0 : i32
      %dma_start3A_672 = tpu.memref_slice %arg2[%dma_start3A_670, %dma_start3A_671] : memref<10000x128xbf16, #tpu.memory_space<hbm>> -> memref<10000x128xbf16, #tpu.memory_space<hbm>>
      tpu.enqueue_indirect_dma source(%dma_start3A_672 : memref<10000x128xbf16, #tpu.memory_space<hbm>>) target(%arg13 : memref<128x128xbf16, #tpu.memory_space<vmem>>) offsets(%dma_start3A_669 : memref<128xi32, #tpu.memory_space<vmem>>) semaphore(%arg23 : memref<!tpu.dma_semaphore, #tpu.memory_space<semaphore_mem>>)
      %dma_wait3A_673 = arith.constant 0 : i32
      %dma_wait3A_674 = arith.constant 0 : i32
      %dma_wait3A_675 = tpu.memref_slice %arg6[%dma_wait3A_673, %dma_wait3A_674] : memref<12x128xi32, #tpu.memory_space<vmem>> -> memref<1x128xi32, #tpu.memory_space<vmem>>
      %dma_wait3A_676 = tpu.memref_squeeze %dma_wait3A_675 : memref<1x128xi32, #tpu.memory_space<vmem>> -> memref<128xi32, #tpu.memory_space<vmem>>
      %dma_wait3A_677 = arith.constant 0 : i32
      %dma_wait3A_678 = arith.constant 0 : i32
      %dma_wait3A_679 = tpu.memref_slice %arg2[%dma_wait3A_677, %dma_wait3A_678] : memref<10000x128xbf16, #tpu.memory_space<hbm>> -> memref<10000x128xbf16, #tpu.memory_space<hbm>>
      tpu.wait_indirect_dma semaphore(%arg21 : memref<!tpu.dma_semaphore, #tpu.memory_space<semaphore_mem>>) src(%dma_wait3A_679 : memref<10000x128xbf16, #tpu.memory_space<hbm>>) dst(%arg11 : memref<128x128xbf16, #tpu.memory_space<vmem>>)
      %dma_start3A_680 = arith.constant 9 : i32
      %dma_start3A_681 = arith.constant 0 : i32
      %dma_start3A_682 = tpu.memref_slice %arg6[%dma_start3A_680, %dma_start3A_681] : memref<12x128xi32, #tpu.memory_space<vmem>> -> memref<1x128xi32, #tpu.memory_space<vmem>>
      %dma_start3A_683 = tpu.memref_squeeze %dma_start3A_682 : memref<1x128xi32, #tpu.memory_space<vmem>> -> memref<128xi32, #tpu.memory_space<vmem>>
      %dma_start3A_684 = arith.constant 0 : i32
      %dma_start3A_685 = arith.constant 0 : i32
      %dma_start3A_686 = tpu.memref_slice %arg14[%dma_start3A_684, %dma_start3A_685] : memref<10000x128xbf16, #tpu.memory_space<vmem_shared>> -> memref<10000x128xbf16, #tpu.memory_space<vmem_shared>>
      tpu.enqueue_indirect_dma source(%arg11 : memref<128x128xbf16, #tpu.memory_space<vmem>>) target(%dma_start3A_686 : memref<10000x128xbf16, #tpu.memory_space<vmem_shared>>) offsets(%dma_start3A_683 : memref<128xi32, #tpu.memory_space<vmem>>) semaphore(%arg27 : memref<!tpu.dma_semaphore, #tpu.memory_space<semaphore_mem>>) {add = true}
      %add3A_687 = arith.constant 2 : i32
      %add3A_688 = arith.addi %add3A_509, %add3A_687 : i32
      %mul3A_689 = arith.constant 6 : i32
      %mul3A_690 = arith.muli %mul3A_689, %add3A_688 : i32
      %add3A_691 = arith.addi %mul3A_2, %mul3A_690 : i32
      %dma_start3A_692 = arith.constant 0 : i32
      %dma_start3A_693 = arith.constant 0 : i32
      %dma_start3A_694 = arith.constant 0 : i32
      %dma_start3A_695 = tpu.memref_slice %arg5[%dma_start3A_693, %dma_start3A_694] : memref<12x128xi32, #tpu.memory_space<vmem>> -> memref<6x128xi32, #tpu.memory_space<vmem>>
      %dma_start3A_696 = arith.constant 0 : i32
      %dma_start3A_697 = tpu.memref_slice %arg3[%dma_start3A_692, %add3A_691, %dma_start3A_696] : memref<2x2500x128xi32, #tpu.memory_space<hbm>> -> memref<1x6x128xi32, #tpu.memory_space<hbm>>
      %dma_start3A_698 = tpu.memref_squeeze %dma_start3A_697 : memref<1x6x128xi32, #tpu.memory_space<hbm>> -> memref<6x128xi32, #tpu.memory_space<hbm>>
      %dma_start3A_699 = arith.constant 0 : i32
      %dma_start3A_700 = arith.constant 0 : i32
      %dma_start3A_701 = tpu.memref_slice %arg5[%dma_start3A_699, %dma_start3A_700] : memref<12x128xi32, #tpu.memory_space<vmem>> -> memref<6x128xi32, #tpu.memory_space<vmem>>
      %dma_start3A_702 = arith.constant 0 : i32
      %dma_start3A_703 = tpu.memref_slice %arg3[%dma_start3A_692, %add3A_691, %dma_start3A_702] : memref<2x2500x128xi32, #tpu.memory_space<hbm>> -> memref<1x6x128xi32, #tpu.memory_space<hbm>>
      %dma_start3A_704 = tpu.memref_squeeze %dma_start3A_703 : memref<1x6x128xi32, #tpu.memory_space<hbm>> -> memref<6x128xi32, #tpu.memory_space<hbm>>
      tpu.enqueue_dma source(%dma_start3A_704 : memref<6x128xi32, #tpu.memory_space<hbm>>) target(%dma_start3A_701 : memref<6x128xi32, #tpu.memory_space<vmem>>) target_semaphore(%arg15 : memref<!tpu.dma_semaphore, #tpu.memory_space<semaphore_mem>>)
      %mul3A_705 = arith.constant 6 : i32
      %mul3A_706 = arith.muli %mul3A_705, %add3A_688 : i32
      %add3A_707 = arith.addi %mul3A_2, %mul3A_706 : i32
      %dma_start3A_708 = arith.constant 1 : i32
      %dma_start3A_709 = arith.constant 6 : i32
      %dma_start3A_710 = arith.constant 0 : i32
      %dma_start3A_711 = tpu.memref_slice %arg5[%dma_start3A_709, %dma_start3A_710] : memref<12x128xi32, #tpu.memory_space<vmem>> -> memref<6x128xi32, #tpu.memory_space<vmem>>
      %dma_start3A_712 = arith.constant 0 : i32
      %dma_start3A_713 = tpu.memref_slice %arg3[%dma_start3A_708, %add3A_707, %dma_start3A_712] : memref<2x2500x128xi32, #tpu.memory_space<hbm>> -> memref<1x6x128xi32, #tpu.memory_space<hbm>>
      %dma_start3A_714 = tpu.memref_squeeze %dma_start3A_713 : memref<1x6x128xi32, #tpu.memory_space<hbm>> -> memref<6x128xi32, #tpu.memory_space<hbm>>
      %dma_start3A_715 = arith.constant 6 : i32
      %dma_start3A_716 = arith.constant 0 : i32
      %dma_start3A_717 = tpu.memref_slice %arg5[%dma_start3A_715, %dma_start3A_716] : memref<12x128xi32, #tpu.memory_space<vmem>> -> memref<6x128xi32, #tpu.memory_space<vmem>>
      %dma_start3A_718 = arith.constant 0 : i32
      %dma_start3A_719 = tpu.memref_slice %arg3[%dma_start3A_708, %add3A_707, %dma_start3A_718] : memref<2x2500x128xi32, #tpu.memory_space<hbm>> -> memref<1x6x128xi32, #tpu.memory_space<hbm>>
      %dma_start3A_720 = tpu.memref_squeeze %dma_start3A_719 : memref<1x6x128xi32, #tpu.memory_space<hbm>> -> memref<6x128xi32, #tpu.memory_space<hbm>>
      tpu.enqueue_dma source(%dma_start3A_720 : memref<6x128xi32, #tpu.memory_space<hbm>>) target(%dma_start3A_717 : memref<6x128xi32, #tpu.memory_space<vmem>>) target_semaphore(%arg15 : memref<!tpu.dma_semaphore, #tpu.memory_space<semaphore_mem>>)
      %mul3A_721 = arith.constant 3 : i32
      %mul3A_722 = arith.muli %mul3A_721, %scan3A_336 : i32
      %add3A_723 = arith.constant 2 : i32
      %add3A_724 = arith.addi %mul3A_722, %add3A_723 : i32
      %lt3A_725 = arith.constant 3 : i32
      %lt3A_726 = arith.cmpi slt, %scan3A_336, %lt3A_725 : i32
      %dma_wait3A_727 = arith.constant 0 : i32
      %dma_wait3A_728 = arith.constant 0 : i32
      %dma_wait3A_729 = arith.constant 0 : i32
      %dma_wait3A_730 = tpu.memref_slice %arg3[%dma_wait3A_727, %dma_wait3A_728, %dma_wait3A_729] : memref<2x2500x128xi32, #tpu.memory_space<hbm>> -> memref<1x12x128xi32, #tpu.memory_space<hbm>>
      %dma_wait3A_731 = tpu.memref_squeeze %dma_wait3A_730 : memref<1x12x128xi32, #tpu.memory_space<hbm>> -> memref<12x128xi32, #tpu.memory_space<hbm>>
      %dma_wait3A_732 = arith.constant 0 : i32
      %dma_wait3A_733 = arith.constant 0 : i32
      %dma_wait3A_734 = tpu.memref_slice %arg3[%dma_wait3A_727, %dma_wait3A_732, %dma_wait3A_733] : memref<2x2500x128xi32, #tpu.memory_space<hbm>> -> memref<1x12x128xi32, #tpu.memory_space<hbm>>
      %dma_wait3A_735 = tpu.memref_squeeze %dma_wait3A_734 : memref<1x12x128xi32, #tpu.memory_space<hbm>> -> memref<12x128xi32, #tpu.memory_space<hbm>>
      tpu.wait_dma2 semaphore(%arg17 : memref<!tpu.dma_semaphore, #tpu.memory_space<semaphore_mem>>) src(%dma_wait3A_735 : memref<12x128xi32, #tpu.memory_space<hbm>>) dst(%arg7 : memref<12x128xi32, #tpu.memory_space<vmem>>)
      %dma_wait3A_736 = arith.constant 6 : i32
      %dma_wait3A_737 = arith.constant 0 : i32
      %dma_wait3A_738 = tpu.memref_slice %arg7[%dma_wait3A_736, %dma_wait3A_737] : memref<12x128xi32, #tpu.memory_space<vmem>> -> memref<1x128xi32, #tpu.memory_space<vmem>>
      %dma_wait3A_739 = tpu.memref_squeeze %dma_wait3A_738 : memref<1x128xi32, #tpu.memory_space<vmem>> -> memref<128xi32, #tpu.memory_space<vmem>>
      %dma_wait3A_740 = arith.constant 0 : i32
      %dma_wait3A_741 = arith.constant 0 : i32
      %dma_wait3A_742 = tpu.memref_slice %arg14[%dma_wait3A_740, %dma_wait3A_741] : memref<10000x128xbf16, #tpu.memory_space<vmem_shared>> -> memref<10000x128xbf16, #tpu.memory_space<vmem_shared>>
      tpu.wait_indirect_dma semaphore(%arg24 : memref<!tpu.dma_semaphore, #tpu.memory_space<semaphore_mem>>) src(%arg8 : memref<128x128xbf16, #tpu.memory_space<vmem>>) dst(%dma_wait3A_742 : memref<10000x128xbf16, #tpu.memory_space<vmem_shared>>)
      %dma_start3A_743 = arith.constant 0 : i32
      %dma_start3A_744 = arith.constant 0 : i32
      %dma_start3A_745 = tpu.memref_slice %arg7[%dma_start3A_743, %dma_start3A_744] : memref<12x128xi32, #tpu.memory_space<vmem>> -> memref<1x128xi32, #tpu.memory_space<vmem>>
      %dma_start3A_746 = tpu.memref_squeeze %dma_start3A_745 : memref<1x128xi32, #tpu.memory_space<vmem>> -> memref<128xi32, #tpu.memory_space<vmem>>
      %dma_start3A_747 = arith.constant 0 : i32
      %dma_start3A_748 = arith.constant 0 : i32
      %dma_start3A_749 = tpu.memref_slice %arg2[%dma_start3A_747, %dma_start3A_748] : memref<10000x128xbf16, #tpu.memory_space<hbm>> -> memref<10000x128xbf16, #tpu.memory_space<hbm>>
      tpu.enqueue_indirect_dma source(%dma_start3A_749 : memref<10000x128xbf16, #tpu.memory_space<hbm>>) target(%arg8 : memref<128x128xbf16, #tpu.memory_space<vmem>>) offsets(%dma_start3A_746 : memref<128xi32, #tpu.memory_space<vmem>>) semaphore(%arg18 : memref<!tpu.dma_semaphore, #tpu.memory_space<semaphore_mem>>)
      %dma_wait3A_750 = arith.constant 0 : i32
      %dma_wait3A_751 = arith.constant 0 : i32
      %dma_wait3A_752 = tpu.memref_slice %arg7[%dma_wait3A_750, %dma_wait3A_751] : memref<12x128xi32, #tpu.memory_space<vmem>> -> memref<1x128xi32, #tpu.memory_space<vmem>>
      %dma_wait3A_753 = tpu.memref_squeeze %dma_wait3A_752 : memref<1x128xi32, #tpu.memory_space<vmem>> -> memref<128xi32, #tpu.memory_space<vmem>>
      %dma_wait3A_754 = arith.constant 0 : i32
      %dma_wait3A_755 = arith.constant 0 : i32
      %dma_wait3A_756 = tpu.memref_slice %arg2[%dma_wait3A_754, %dma_wait3A_755] : memref<10000x128xbf16, #tpu.memory_space<hbm>> -> memref<10000x128xbf16, #tpu.memory_space<hbm>>
      tpu.wait_indirect_dma semaphore(%arg22 : memref<!tpu.dma_semaphore, #tpu.memory_space<semaphore_mem>>) src(%dma_wait3A_756 : memref<10000x128xbf16, #tpu.memory_space<hbm>>) dst(%arg12 : memref<128x128xbf16, #tpu.memory_space<vmem>>)
      %dma_start3A_757 = arith.constant 10 : i32
      %dma_start3A_758 = arith.constant 0 : i32
      %dma_start3A_759 = tpu.memref_slice %arg6[%dma_start3A_757, %dma_start3A_758] : memref<12x128xi32, #tpu.memory_space<vmem>> -> memref<1x128xi32, #tpu.memory_space<vmem>>
      %dma_start3A_760 = tpu.memref_squeeze %dma_start3A_759 : memref<1x128xi32, #tpu.memory_space<vmem>> -> memref<128xi32, #tpu.memory_space<vmem>>
      %dma_start3A_761 = arith.constant 0 : i32
      %dma_start3A_762 = arith.constant 0 : i32
      %dma_start3A_763 = tpu.memref_slice %arg14[%dma_start3A_761, %dma_start3A_762] : memref<10000x128xbf16, #tpu.memory_space<vmem_shared>> -> memref<10000x128xbf16, #tpu.memory_space<vmem_shared>>
      tpu.enqueue_indirect_dma source(%arg12 : memref<128x128xbf16, #tpu.memory_space<vmem>>) target(%dma_start3A_763 : memref<10000x128xbf16, #tpu.memory_space<vmem_shared>>) offsets(%dma_start3A_760 : memref<128xi32, #tpu.memory_space<vmem>>) semaphore(%arg28 : memref<!tpu.dma_semaphore, #tpu.memory_space<semaphore_mem>>) {add = true}
      %dma_wait3A_764 = arith.constant 6 : i32
      %dma_wait3A_765 = arith.constant 0 : i32
      %dma_wait3A_766 = tpu.memref_slice %arg7[%dma_wait3A_764, %dma_wait3A_765] : memref<12x128xi32, #tpu.memory_space<vmem>> -> memref<1x128xi32, #tpu.memory_space<vmem>>
      %dma_wait3A_767 = tpu.memref_squeeze %dma_wait3A_766 : memref<1x128xi32, #tpu.memory_space<vmem>> -> memref<128xi32, #tpu.memory_space<vmem>>
      %dma_wait3A_768 = arith.constant 0 : i32
      %dma_wait3A_769 = arith.constant 0 : i32
      %dma_wait3A_770 = tpu.memref_slice %arg14[%dma_wait3A_768, %dma_wait3A_769] : memref<10000x128xbf16, #tpu.memory_space<vmem_shared>> -> memref<10000x128xbf16, #tpu.memory_space<vmem_shared>>
      tpu.wait_indirect_dma semaphore(%arg25 : memref<!tpu.dma_semaphore, #tpu.memory_space<semaphore_mem>>) src(%arg9 : memref<128x128xbf16, #tpu.memory_space<vmem>>) dst(%dma_wait3A_770 : memref<10000x128xbf16, #tpu.memory_space<vmem_shared>>)
      %dma_start3A_771 = arith.constant 1 : i32
      %dma_start3A_772 = arith.constant 0 : i32
      %dma_start3A_773 = tpu.memref_slice %arg7[%dma_start3A_771, %dma_start3A_772] : memref<12x128xi32, #tpu.memory_space<vmem>> -> memref<1x128xi32, #tpu.memory_space<vmem>>
      %dma_start3A_774 = tpu.memref_squeeze %dma_start3A_773 : memref<1x128xi32, #tpu.memory_space<vmem>> -> memref<128xi32, #tpu.memory_space<vmem>>
      %dma_start3A_775 = arith.constant 0 : i32
      %dma_start3A_776 = arith.constant 0 : i32
      %dma_start3A_777 = tpu.memref_slice %arg2[%dma_start3A_775, %dma_start3A_776] : memref<10000x128xbf16, #tpu.memory_space<hbm>> -> memref<10000x128xbf16, #tpu.memory_space<hbm>>
      tpu.enqueue_indirect_dma source(%dma_start3A_777 : memref<10000x128xbf16, #tpu.memory_space<hbm>>) target(%arg9 : memref<128x128xbf16, #tpu.memory_space<vmem>>) offsets(%dma_start3A_774 : memref<128xi32, #tpu.memory_space<vmem>>) semaphore(%arg19 : memref<!tpu.dma_semaphore, #tpu.memory_space<semaphore_mem>>)
      %dma_wait3A_778 = arith.constant 0 : i32
      %dma_wait3A_779 = arith.constant 0 : i32
      %dma_wait3A_780 = tpu.memref_slice %arg7[%dma_wait3A_778, %dma_wait3A_779] : memref<12x128xi32, #tpu.memory_space<vmem>> -> memref<1x128xi32, #tpu.memory_space<vmem>>
      %dma_wait3A_781 = tpu.memref_squeeze %dma_wait3A_780 : memref<1x128xi32, #tpu.memory_space<vmem>> -> memref<128xi32, #tpu.memory_space<vmem>>
      %dma_wait3A_782 = arith.constant 0 : i32
      %dma_wait3A_783 = arith.constant 0 : i32
      %dma_wait3A_784 = tpu.memref_slice %arg2[%dma_wait3A_782, %dma_wait3A_783] : memref<10000x128xbf16, #tpu.memory_space<hbm>> -> memref<10000x128xbf16, #tpu.memory_space<hbm>>
      tpu.wait_indirect_dma semaphore(%arg23 : memref<!tpu.dma_semaphore, #tpu.memory_space<semaphore_mem>>) src(%dma_wait3A_784 : memref<10000x128xbf16, #tpu.memory_space<hbm>>) dst(%arg13 : memref<128x128xbf16, #tpu.memory_space<vmem>>)
      %dma_start3A_785 = arith.constant 11 : i32
      %dma_start3A_786 = arith.constant 0 : i32
      %dma_start3A_787 = tpu.memref_slice %arg6[%dma_start3A_785, %dma_start3A_786] : memref<12x128xi32, #tpu.memory_space<vmem>> -> memref<1x128xi32, #tpu.memory_space<vmem>>
      %dma_start3A_788 = tpu.memref_squeeze %dma_start3A_787 : memref<1x128xi32, #tpu.memory_space<vmem>> -> memref<128xi32, #tpu.memory_space<vmem>>
      %dma_start3A_789 = arith.constant 0 : i32
      %dma_start3A_790 = arith.constant 0 : i32
      %dma_start3A_791 = tpu.memref_slice %arg14[%dma_start3A_789, %dma_start3A_790] : memref<10000x128xbf16, #tpu.memory_space<vmem_shared>> -> memref<10000x128xbf16, #tpu.memory_space<vmem_shared>>
      tpu.enqueue_indirect_dma source(%arg13 : memref<128x128xbf16, #tpu.memory_space<vmem>>) target(%dma_start3A_791 : memref<10000x128xbf16, #tpu.memory_space<vmem_shared>>) offsets(%dma_start3A_788 : memref<128xi32, #tpu.memory_space<vmem>>) semaphore(%arg29 : memref<!tpu.dma_semaphore, #tpu.memory_space<semaphore_mem>>) {add = true}
      %dma_wait3A_792 = arith.constant 6 : i32
      %dma_wait3A_793 = arith.constant 0 : i32
      %dma_wait3A_794 = tpu.memref_slice %arg7[%dma_wait3A_792, %dma_wait3A_793] : memref<12x128xi32, #tpu.memory_space<vmem>> -> memref<1x128xi32, #tpu.memory_space<vmem>>
      %dma_wait3A_795 = tpu.memref_squeeze %dma_wait3A_794 : memref<1x128xi32, #tpu.memory_space<vmem>> -> memref<128xi32, #tpu.memory_space<vmem>>
      %dma_wait3A_796 = arith.constant 0 : i32
      %dma_wait3A_797 = arith.constant 0 : i32
      %dma_wait3A_798 = tpu.memref_slice %arg14[%dma_wait3A_796, %dma_wait3A_797] : memref<10000x128xbf16, #tpu.memory_space<vmem_shared>> -> memref<10000x128xbf16, #tpu.memory_space<vmem_shared>>
      tpu.wait_indirect_dma semaphore(%arg26 : memref<!tpu.dma_semaphore, #tpu.memory_space<semaphore_mem>>) src(%arg10 : memref<128x128xbf16, #tpu.memory_space<vmem>>) dst(%dma_wait3A_798 : memref<10000x128xbf16, #tpu.memory_space<vmem_shared>>)
      %dma_start3A_799 = arith.constant 2 : i32
      %dma_start3A_800 = arith.constant 0 : i32
      %dma_start3A_801 = tpu.memref_slice %arg7[%dma_start3A_799, %dma_start3A_800] : memref<12x128xi32, #tpu.memory_space<vmem>> -> memref<1x128xi32, #tpu.memory_space<vmem>>
      %dma_start3A_802 = tpu.memref_squeeze %dma_start3A_801 : memref<1x128xi32, #tpu.memory_space<vmem>> -> memref<128xi32, #tpu.memory_space<vmem>>
      %dma_start3A_803 = arith.constant 0 : i32
      %dma_start3A_804 = arith.constant 0 : i32
      %dma_start3A_805 = tpu.memref_slice %arg2[%dma_start3A_803, %dma_start3A_804] : memref<10000x128xbf16, #tpu.memory_space<hbm>> -> memref<10000x128xbf16, #tpu.memory_space<hbm>>
      tpu.enqueue_indirect_dma source(%dma_start3A_805 : memref<10000x128xbf16, #tpu.memory_space<hbm>>) target(%arg10 : memref<128x128xbf16, #tpu.memory_space<vmem>>) offsets(%dma_start3A_802 : memref<128xi32, #tpu.memory_space<vmem>>) semaphore(%arg20 : memref<!tpu.dma_semaphore, #tpu.memory_space<semaphore_mem>>)
      %dma_wait3A_806 = arith.constant 0 : i32
      %dma_wait3A_807 = arith.constant 0 : i32
      %dma_wait3A_808 = tpu.memref_slice %arg7[%dma_wait3A_806, %dma_wait3A_807] : memref<12x128xi32, #tpu.memory_space<vmem>> -> memref<1x128xi32, #tpu.memory_space<vmem>>
      %dma_wait3A_809 = tpu.memref_squeeze %dma_wait3A_808 : memref<1x128xi32, #tpu.memory_space<vmem>> -> memref<128xi32, #tpu.memory_space<vmem>>
      %dma_wait3A_810 = arith.constant 0 : i32
      %dma_wait3A_811 = arith.constant 0 : i32
      %dma_wait3A_812 = tpu.memref_slice %arg2[%dma_wait3A_810, %dma_wait3A_811] : memref<10000x128xbf16, #tpu.memory_space<hbm>> -> memref<10000x128xbf16, #tpu.memory_space<hbm>>
      tpu.wait_indirect_dma semaphore(%arg18 : memref<!tpu.dma_semaphore, #tpu.memory_space<semaphore_mem>>) src(%dma_wait3A_812 : memref<10000x128xbf16, #tpu.memory_space<hbm>>) dst(%arg8 : memref<128x128xbf16, #tpu.memory_space<vmem>>)
      %dma_start3A_813 = arith.constant 6 : i32
      %dma_start3A_814 = arith.constant 0 : i32
      %dma_start3A_815 = tpu.memref_slice %arg7[%dma_start3A_813, %dma_start3A_814] : memref<12x128xi32, #tpu.memory_space<vmem>> -> memref<1x128xi32, #tpu.memory_space<vmem>>
      %dma_start3A_816 = tpu.memref_squeeze %dma_start3A_815 : memref<1x128xi32, #tpu.memory_space<vmem>> -> memref<128xi32, #tpu.memory_space<vmem>>
      %dma_start3A_817 = arith.constant 0 : i32
      %dma_start3A_818 = arith.constant 0 : i32
      %dma_start3A_819 = tpu.memref_slice %arg14[%dma_start3A_817, %dma_start3A_818] : memref<10000x128xbf16, #tpu.memory_space<vmem_shared>> -> memref<10000x128xbf16, #tpu.memory_space<vmem_shared>>
      tpu.enqueue_indirect_dma source(%arg8 : memref<128x128xbf16, #tpu.memory_space<vmem>>) target(%dma_start3A_819 : memref<10000x128xbf16, #tpu.memory_space<vmem_shared>>) offsets(%dma_start3A_816 : memref<128xi32, #tpu.memory_space<vmem>>) semaphore(%arg24 : memref<!tpu.dma_semaphore, #tpu.memory_space<semaphore_mem>>) {add = true}
      %dma_wait3A_820 = arith.constant 6 : i32
      %dma_wait3A_821 = arith.constant 0 : i32
      %dma_wait3A_822 = tpu.memref_slice %arg7[%dma_wait3A_820, %dma_wait3A_821] : memref<12x128xi32, #tpu.memory_space<vmem>> -> memref<1x128xi32, #tpu.memory_space<vmem>>
      %dma_wait3A_823 = tpu.memref_squeeze %dma_wait3A_822 : memref<1x128xi32, #tpu.memory_space<vmem>> -> memref<128xi32, #tpu.memory_space<vmem>>
      %dma_wait3A_824 = arith.constant 0 : i32
      %dma_wait3A_825 = arith.constant 0 : i32
      %dma_wait3A_826 = tpu.memref_slice %arg14[%dma_wait3A_824, %dma_wait3A_825] : memref<10000x128xbf16, #tpu.memory_space<vmem_shared>> -> memref<10000x128xbf16, #tpu.memory_space<vmem_shared>>
      tpu.wait_indirect_dma semaphore(%arg27 : memref<!tpu.dma_semaphore, #tpu.memory_space<semaphore_mem>>) src(%arg11 : memref<128x128xbf16, #tpu.memory_space<vmem>>) dst(%dma_wait3A_826 : memref<10000x128xbf16, #tpu.memory_space<vmem_shared>>)
      %dma_start3A_827 = arith.constant 3 : i32
      %dma_start3A_828 = arith.constant 0 : i32
      %dma_start3A_829 = tpu.memref_slice %arg7[%dma_start3A_827, %dma_start3A_828] : memref<12x128xi32, #tpu.memory_space<vmem>> -> memref<1x128xi32, #tpu.memory_space<vmem>>
      %dma_start3A_830 = tpu.memref_squeeze %dma_start3A_829 : memref<1x128xi32, #tpu.memory_space<vmem>> -> memref<128xi32, #tpu.memory_space<vmem>>
      %dma_start3A_831 = arith.constant 0 : i32
      %dma_start3A_832 = arith.constant 0 : i32
      %dma_start3A_833 = tpu.memref_slice %arg2[%dma_start3A_831, %dma_start3A_832] : memref<10000x128xbf16, #tpu.memory_space<hbm>> -> memref<10000x128xbf16, #tpu.memory_space<hbm>>
      tpu.enqueue_indirect_dma source(%dma_start3A_833 : memref<10000x128xbf16, #tpu.memory_space<hbm>>) target(%arg11 : memref<128x128xbf16, #tpu.memory_space<vmem>>) offsets(%dma_start3A_830 : memref<128xi32, #tpu.memory_space<vmem>>) semaphore(%arg21 : memref<!tpu.dma_semaphore, #tpu.memory_space<semaphore_mem>>)
      %dma_wait3A_834 = arith.constant 0 : i32
      %dma_wait3A_835 = arith.constant 0 : i32
      %dma_wait3A_836 = tpu.memref_slice %arg7[%dma_wait3A_834, %dma_wait3A_835] : memref<12x128xi32, #tpu.memory_space<vmem>> -> memref<1x128xi32, #tpu.memory_space<vmem>>
      %dma_wait3A_837 = tpu.memref_squeeze %dma_wait3A_836 : memref<1x128xi32, #tpu.memory_space<vmem>> -> memref<128xi32, #tpu.memory_space<vmem>>
      %dma_wait3A_838 = arith.constant 0 : i32
      %dma_wait3A_839 = arith.constant 0 : i32
      %dma_wait3A_840 = tpu.memref_slice %arg2[%dma_wait3A_838, %dma_wait3A_839] : memref<10000x128xbf16, #tpu.memory_space<hbm>> -> memref<10000x128xbf16, #tpu.memory_space<hbm>>
      tpu.wait_indirect_dma semaphore(%arg19 : memref<!tpu.dma_semaphore, #tpu.memory_space<semaphore_mem>>) src(%dma_wait3A_840 : memref<10000x128xbf16, #tpu.memory_space<hbm>>) dst(%arg9 : memref<128x128xbf16, #tpu.memory_space<vmem>>)
      %dma_start3A_841 = arith.constant 7 : i32
      %dma_start3A_842 = arith.constant 0 : i32
      %dma_start3A_843 = tpu.memref_slice %arg7[%dma_start3A_841, %dma_start3A_842] : memref<12x128xi32, #tpu.memory_space<vmem>> -> memref<1x128xi32, #tpu.memory_space<vmem>>
      %dma_start3A_844 = tpu.memref_squeeze %dma_start3A_843 : memref<1x128xi32, #tpu.memory_space<vmem>> -> memref<128xi32, #tpu.memory_space<vmem>>
      %dma_start3A_845 = arith.constant 0 : i32
      %dma_start3A_846 = arith.constant 0 : i32
      %dma_start3A_847 = tpu.memref_slice %arg14[%dma_start3A_845, %dma_start3A_846] : memref<10000x128xbf16, #tpu.memory_space<vmem_shared>> -> memref<10000x128xbf16, #tpu.memory_space<vmem_shared>>
      tpu.enqueue_indirect_dma source(%arg9 : memref<128x128xbf16, #tpu.memory_space<vmem>>) target(%dma_start3A_847 : memref<10000x128xbf16, #tpu.memory_space<vmem_shared>>) offsets(%dma_start3A_844 : memref<128xi32, #tpu.memory_space<vmem>>) semaphore(%arg25 : memref<!tpu.dma_semaphore, #tpu.memory_space<semaphore_mem>>) {add = true}
      %dma_wait3A_848 = arith.constant 6 : i32
      %dma_wait3A_849 = arith.constant 0 : i32
      %dma_wait3A_850 = tpu.memref_slice %arg7[%dma_wait3A_848, %dma_wait3A_849] : memref<12x128xi32, #tpu.memory_space<vmem>> -> memref<1x128xi32, #tpu.memory_space<vmem>>
      %dma_wait3A_851 = tpu.memref_squeeze %dma_wait3A_850 : memref<1x128xi32, #tpu.memory_space<vmem>> -> memref<128xi32, #tpu.memory_space<vmem>>
      %dma_wait3A_852 = arith.constant 0 : i32
      %dma_wait3A_853 = arith.constant 0 : i32
      %dma_wait3A_854 = tpu.memref_slice %arg14[%dma_wait3A_852, %dma_wait3A_853] : memref<10000x128xbf16, #tpu.memory_space<vmem_shared>> -> memref<10000x128xbf16, #tpu.memory_space<vmem_shared>>
      tpu.wait_indirect_dma semaphore(%arg28 : memref<!tpu.dma_semaphore, #tpu.memory_space<semaphore_mem>>) src(%arg12 : memref<128x128xbf16, #tpu.memory_space<vmem>>) dst(%dma_wait3A_854 : memref<10000x128xbf16, #tpu.memory_space<vmem_shared>>)
      %dma_start3A_855 = arith.constant 4 : i32
      %dma_start3A_856 = arith.constant 0 : i32
      %dma_start3A_857 = tpu.memref_slice %arg7[%dma_start3A_855, %dma_start3A_856] : memref<12x128xi32, #tpu.memory_space<vmem>> -> memref<1x128xi32, #tpu.memory_space<vmem>>
      %dma_start3A_858 = tpu.memref_squeeze %dma_start3A_857 : memref<1x128xi32, #tpu.memory_space<vmem>> -> memref<128xi32, #tpu.memory_space<vmem>>
      %dma_start3A_859 = arith.constant 0 : i32
      %dma_start3A_860 = arith.constant 0 : i32
      %dma_start3A_861 = tpu.memref_slice %arg2[%dma_start3A_859, %dma_start3A_860] : memref<10000x128xbf16, #tpu.memory_space<hbm>> -> memref<10000x128xbf16, #tpu.memory_space<hbm>>
      tpu.enqueue_indirect_dma source(%dma_start3A_861 : memref<10000x128xbf16, #tpu.memory_space<hbm>>) target(%arg12 : memref<128x128xbf16, #tpu.memory_space<vmem>>) offsets(%dma_start3A_858 : memref<128xi32, #tpu.memory_space<vmem>>) semaphore(%arg22 : memref<!tpu.dma_semaphore, #tpu.memory_space<semaphore_mem>>)
      %dma_wait3A_862 = arith.constant 0 : i32
      %dma_wait3A_863 = arith.constant 0 : i32
      %dma_wait3A_864 = tpu.memref_slice %arg7[%dma_wait3A_862, %dma_wait3A_863] : memref<12x128xi32, #tpu.memory_space<vmem>> -> memref<1x128xi32, #tpu.memory_space<vmem>>
      %dma_wait3A_865 = tpu.memref_squeeze %dma_wait3A_864 : memref<1x128xi32, #tpu.memory_space<vmem>> -> memref<128xi32, #tpu.memory_space<vmem>>
      %dma_wait3A_866 = arith.constant 0 : i32
      %dma_wait3A_867 = arith.constant 0 : i32
      %dma_wait3A_868 = tpu.memref_slice %arg2[%dma_wait3A_866, %dma_wait3A_867] : memref<10000x128xbf16, #tpu.memory_space<hbm>> -> memref<10000x128xbf16, #tpu.memory_space<hbm>>
      tpu.wait_indirect_dma semaphore(%arg20 : memref<!tpu.dma_semaphore, #tpu.memory_space<semaphore_mem>>) src(%dma_wait3A_868 : memref<10000x128xbf16, #tpu.memory_space<hbm>>) dst(%arg10 : memref<128x128xbf16, #tpu.memory_space<vmem>>)
      %dma_start3A_869 = arith.constant 8 : i32
      %dma_start3A_870 = arith.constant 0 : i32
      %dma_start3A_871 = tpu.memref_slice %arg7[%dma_start3A_869, %dma_start3A_870] : memref<12x128xi32, #tpu.memory_space<vmem>> -> memref<1x128xi32, #tpu.memory_space<vmem>>
      %dma_start3A_872 = tpu.memref_squeeze %dma_start3A_871 : memref<1x128xi32, #tpu.memory_space<vmem>> -> memref<128xi32, #tpu.memory_space<vmem>>
      %dma_start3A_873 = arith.constant 0 : i32
      %dma_start3A_874 = arith.constant 0 : i32
      %dma_start3A_875 = tpu.memref_slice %arg14[%dma_start3A_873, %dma_start3A_874] : memref<10000x128xbf16, #tpu.memory_space<vmem_shared>> -> memref<10000x128xbf16, #tpu.memory_space<vmem_shared>>
      tpu.enqueue_indirect_dma source(%arg10 : memref<128x128xbf16, #tpu.memory_space<vmem>>) target(%dma_start3A_875 : memref<10000x128xbf16, #tpu.memory_space<vmem_shared>>) offsets(%dma_start3A_872 : memref<128xi32, #tpu.memory_space<vmem>>) semaphore(%arg26 : memref<!tpu.dma_semaphore, #tpu.memory_space<semaphore_mem>>) {add = true}
      %dma_wait3A_876 = arith.constant 6 : i32
      %dma_wait3A_877 = arith.constant 0 : i32
      %dma_wait3A_878 = tpu.memref_slice %arg7[%dma_wait3A_876, %dma_wait3A_877] : memref<12x128xi32, #tpu.memory_space<vmem>> -> memref<1x128xi32, #tpu.memory_space<vmem>>
      %dma_wait3A_879 = tpu.memref_squeeze %dma_wait3A_878 : memref<1x128xi32, #tpu.memory_space<vmem>> -> memref<128xi32, #tpu.memory_space<vmem>>
      %dma_wait3A_880 = arith.constant 0 : i32
      %dma_wait3A_881 = arith.constant 0 : i32
      %dma_wait3A_882 = tpu.memref_slice %arg14[%dma_wait3A_880, %dma_wait3A_881] : memref<10000x128xbf16, #tpu.memory_space<vmem_shared>> -> memref<10000x128xbf16, #tpu.memory_space<vmem_shared>>
      tpu.wait_indirect_dma semaphore(%arg29 : memref<!tpu.dma_semaphore, #tpu.memory_space<semaphore_mem>>) src(%arg13 : memref<128x128xbf16, #tpu.memory_space<vmem>>) dst(%dma_wait3A_882 : memref<10000x128xbf16, #tpu.memory_space<vmem_shared>>)
      %dma_start3A_883 = arith.constant 5 : i32
      %dma_start3A_884 = arith.constant 0 : i32
      %dma_start3A_885 = tpu.memref_slice %arg7[%dma_start3A_883, %dma_start3A_884] : memref<12x128xi32, #tpu.memory_space<vmem>> -> memref<1x128xi32, #tpu.memory_space<vmem>>
      %dma_start3A_886 = tpu.memref_squeeze %dma_start3A_885 : memref<1x128xi32, #tpu.memory_space<vmem>> -> memref<128xi32, #tpu.memory_space<vmem>>
      %dma_start3A_887 = arith.constant 0 : i32
      %dma_start3A_888 = arith.constant 0 : i32
      %dma_start3A_889 = tpu.memref_slice %arg2[%dma_start3A_887, %dma_start3A_888] : memref<10000x128xbf16, #tpu.memory_space<hbm>> -> memref<10000x128xbf16, #tpu.memory_space<hbm>>
      tpu.enqueue_indirect_dma source(%dma_start3A_889 : memref<10000x128xbf16, #tpu.memory_space<hbm>>) target(%arg13 : memref<128x128xbf16, #tpu.memory_space<vmem>>) offsets(%dma_start3A_886 : memref<128xi32, #tpu.memory_space<vmem>>) semaphore(%arg23 : memref<!tpu.dma_semaphore, #tpu.memory_space<semaphore_mem>>)
      %dma_wait3A_890 = arith.constant 0 : i32
      %dma_wait3A_891 = arith.constant 0 : i32
      %dma_wait3A_892 = tpu.memref_slice %arg7[%dma_wait3A_890, %dma_wait3A_891] : memref<12x128xi32, #tpu.memory_space<vmem>> -> memref<1x128xi32, #tpu.memory_space<vmem>>
      %dma_wait3A_893 = tpu.memref_squeeze %dma_wait3A_892 : memref<1x128xi32, #tpu.memory_space<vmem>> -> memref<128xi32, #tpu.memory_space<vmem>>
      %dma_wait3A_894 = arith.constant 0 : i32
      %dma_wait3A_895 = arith.constant 0 : i32
      %dma_wait3A_896 = tpu.memref_slice %arg2[%dma_wait3A_894, %dma_wait3A_895] : memref<10000x128xbf16, #tpu.memory_space<hbm>> -> memref<10000x128xbf16, #tpu.memory_space<hbm>>
      tpu.wait_indirect_dma semaphore(%arg21 : memref<!tpu.dma_semaphore, #tpu.memory_space<semaphore_mem>>) src(%dma_wait3A_896 : memref<10000x128xbf16, #tpu.memory_space<hbm>>) dst(%arg11 : memref<128x128xbf16, #tpu.memory_space<vmem>>)
      %dma_start3A_897 = arith.constant 9 : i32
      %dma_start3A_898 = arith.constant 0 : i32
      %dma_start3A_899 = tpu.memref_slice %arg7[%dma_start3A_897, %dma_start3A_898] : memref<12x128xi32, #tpu.memory_space<vmem>> -> memref<1x128xi32, #tpu.memory_space<vmem>>
      %dma_start3A_900 = tpu.memref_squeeze %dma_start3A_899 : memref<1x128xi32, #tpu.memory_space<vmem>> -> memref<128xi32, #tpu.memory_space<vmem>>
      %dma_start3A_901 = arith.constant 0 : i32
      %dma_start3A_902 = arith.constant 0 : i32
      %dma_start3A_903 = tpu.memref_slice %arg14[%dma_start3A_901, %dma_start3A_902] : memref<10000x128xbf16, #tpu.memory_space<vmem_shared>> -> memref<10000x128xbf16, #tpu.memory_space<vmem_shared>>
      tpu.enqueue_indirect_dma source(%arg11 : memref<128x128xbf16, #tpu.memory_space<vmem>>) target(%dma_start3A_903 : memref<10000x128xbf16, #tpu.memory_space<vmem_shared>>) offsets(%dma_start3A_900 : memref<128xi32, #tpu.memory_space<vmem>>) semaphore(%arg27 : memref<!tpu.dma_semaphore, #tpu.memory_space<semaphore_mem>>) {add = true}
      %convert_element_type3A_904 = arith.extui %lt3A_726 : i1 to i32
      %cond3A_905 = arith.constant 0 : i32
      %cond3A_906 = arith.cmpi ne, %convert_element_type3A_904, %cond3A_905 : i32
      scf.if %cond3A_906 {
        %add3A_908 = arith.constant 2 : i32
        %add3A_909 = arith.addi %add3A_724, %add3A_908 : i32
        %mul3A_910 = arith.constant 6 : i32
        %mul3A_911 = arith.muli %mul3A_910, %add3A_909 : i32
        %add3A_912 = arith.addi %mul3A_2, %mul3A_911 : i32
        %dma_start3A_913 = arith.constant 0 : i32
        %dma_start3A_914 = arith.constant 0 : i32
        %dma_start3A_915 = arith.constant 0 : i32
        %dma_start3A_916 = tpu.memref_slice %arg6[%dma_start3A_914, %dma_start3A_915] : memref<12x128xi32, #tpu.memory_space<vmem>> -> memref<6x128xi32, #tpu.memory_space<vmem>>
        %dma_start3A_917 = arith.constant 0 : i32
        %dma_start3A_918 = tpu.memref_slice %arg3[%dma_start3A_913, %add3A_912, %dma_start3A_917] : memref<2x2500x128xi32, #tpu.memory_space<hbm>> -> memref<1x6x128xi32, #tpu.memory_space<hbm>>
        %dma_start3A_919 = tpu.memref_squeeze %dma_start3A_918 : memref<1x6x128xi32, #tpu.memory_space<hbm>> -> memref<6x128xi32, #tpu.memory_space<hbm>>
        %dma_start3A_920 = arith.constant 0 : i32
        %dma_start3A_921 = arith.constant 0 : i32
        %dma_start3A_922 = tpu.memref_slice %arg6[%dma_start3A_920, %dma_start3A_921] : memref<12x128xi32, #tpu.memory_space<vmem>> -> memref<6x128xi32, #tpu.memory_space<vmem>>
        %dma_start3A_923 = arith.constant 0 : i32
        %dma_start3A_924 = tpu.memref_slice %arg3[%dma_start3A_913, %add3A_912, %dma_start3A_923] : memref<2x2500x128xi32, #tpu.memory_space<hbm>> -> memref<1x6x128xi32, #tpu.memory_space<hbm>>
        %dma_start3A_925 = tpu.memref_squeeze %dma_start3A_924 : memref<1x6x128xi32, #tpu.memory_space<hbm>> -> memref<6x128xi32, #tpu.memory_space<hbm>>
        tpu.enqueue_dma source(%dma_start3A_925 : memref<6x128xi32, #tpu.memory_space<hbm>>) target(%dma_start3A_922 : memref<6x128xi32, #tpu.memory_space<vmem>>) target_semaphore(%arg16 : memref<!tpu.dma_semaphore, #tpu.memory_space<semaphore_mem>>)
        %mul3A_926 = arith.constant 6 : i32
        %mul3A_927 = arith.muli %mul3A_926, %add3A_909 : i32
        %add3A_928 = arith.addi %mul3A_2, %mul3A_927 : i32
        %dma_start3A_929 = arith.constant 1 : i32
        %dma_start3A_930 = arith.constant 6 : i32
        %dma_start3A_931 = arith.constant 0 : i32
        %dma_start3A_932 = tpu.memref_slice %arg6[%dma_start3A_930, %dma_start3A_931] : memref<12x128xi32, #tpu.memory_space<vmem>> -> memref<6x128xi32, #tpu.memory_space<vmem>>
        %dma_start3A_933 = arith.constant 0 : i32
        %dma_start3A_934 = tpu.memref_slice %arg3[%dma_start3A_929, %add3A_928, %dma_start3A_933] : memref<2x2500x128xi32, #tpu.memory_space<hbm>> -> memref<1x6x128xi32, #tpu.memory_space<hbm>>
        %dma_start3A_935 = tpu.memref_squeeze %dma_start3A_934 : memref<1x6x128xi32, #tpu.memory_space<hbm>> -> memref<6x128xi32, #tpu.memory_space<hbm>>
        %dma_start3A_936 = arith.constant 6 : i32
        %dma_start3A_937 = arith.constant 0 : i32
        %dma_start3A_938 = tpu.memref_slice %arg6[%dma_start3A_936, %dma_start3A_937] : memref<12x128xi32, #tpu.memory_space<vmem>> -> memref<6x128xi32, #tpu.memory_space<vmem>>
        %dma_start3A_939 = arith.constant 0 : i32
        %dma_start3A_940 = tpu.memref_slice %arg3[%dma_start3A_929, %add3A_928, %dma_start3A_939] : memref<2x2500x128xi32, #tpu.memory_space<hbm>> -> memref<1x6x128xi32, #tpu.memory_space<hbm>>
        %dma_start3A_941 = tpu.memref_squeeze %dma_start3A_940 : memref<1x6x128xi32, #tpu.memory_space<hbm>> -> memref<6x128xi32, #tpu.memory_space<hbm>>
        tpu.enqueue_dma source(%dma_start3A_941 : memref<6x128xi32, #tpu.memory_space<hbm>>) target(%dma_start3A_938 : memref<6x128xi32, #tpu.memory_space<vmem>>) target_semaphore(%arg16 : memref<!tpu.dma_semaphore, #tpu.memory_space<semaphore_mem>>)
      } else {
      }
      %scan3A_907 = arith.constant 0 : i32
      scf.yield %scan3A_907 : i32
    }
    %scan3A_86 = arith.constant 4 : i32
    %dma_wait3A = arith.constant 0 : i32
    %dma_wait3A_87 = arith.constant 0 : i32
    %dma_wait3A_88 = arith.constant 0 : i32
    %dma_wait3A_89 = tpu.memref_slice %arg3[%dma_wait3A, %dma_wait3A_87, %dma_wait3A_88] : memref<2x2500x128xi32, #tpu.memory_space<hbm>> -> memref<1x12x128xi32, #tpu.memory_space<hbm>>
    %dma_wait3A_90 = tpu.memref_squeeze %dma_wait3A_89 : memref<1x12x128xi32, #tpu.memory_space<hbm>> -> memref<12x128xi32, #tpu.memory_space<hbm>>
    %dma_wait3A_91 = arith.constant 0 : i32
    %dma_wait3A_92 = arith.constant 0 : i32
    %dma_wait3A_93 = tpu.memref_slice %arg3[%dma_wait3A, %dma_wait3A_91, %dma_wait3A_92] : memref<2x2500x128xi32, #tpu.memory_space<hbm>> -> memref<1x12x128xi32, #tpu.memory_space<hbm>>
    %dma_wait3A_94 = tpu.memref_squeeze %dma_wait3A_93 : memref<1x12x128xi32, #tpu.memory_space<hbm>> -> memref<12x128xi32, #tpu.memory_space<hbm>>
    tpu.wait_dma2 semaphore(%arg15 : memref<!tpu.dma_semaphore, #tpu.memory_space<semaphore_mem>>) src(%dma_wait3A_94 : memref<12x128xi32, #tpu.memory_space<hbm>>) dst(%arg5 : memref<12x128xi32, #tpu.memory_space<vmem>>)
    %dma_wait3A_95 = arith.constant 6 : i32
    %dma_wait3A_96 = arith.constant 0 : i32
    %dma_wait3A_97 = tpu.memref_slice %arg5[%dma_wait3A_95, %dma_wait3A_96] : memref<12x128xi32, #tpu.memory_space<vmem>> -> memref<1x128xi32, #tpu.memory_space<vmem>>
    %dma_wait3A_98 = tpu.memref_squeeze %dma_wait3A_97 : memref<1x128xi32, #tpu.memory_space<vmem>> -> memref<128xi32, #tpu.memory_space<vmem>>
    %dma_wait3A_99 = arith.constant 0 : i32
    %dma_wait3A_100 = arith.constant 0 : i32
    %dma_wait3A_101 = tpu.memref_slice %arg14[%dma_wait3A_99, %dma_wait3A_100] : memref<10000x128xbf16, #tpu.memory_space<vmem_shared>> -> memref<10000x128xbf16, #tpu.memory_space<vmem_shared>>
    tpu.wait_indirect_dma semaphore(%arg24 : memref<!tpu.dma_semaphore, #tpu.memory_space<semaphore_mem>>) src(%arg8 : memref<128x128xbf16, #tpu.memory_space<vmem>>) dst(%dma_wait3A_101 : memref<10000x128xbf16, #tpu.memory_space<vmem_shared>>)
    %dma_start3A_102 = arith.constant 0 : i32
    %dma_start3A_103 = arith.constant 0 : i32
    %dma_start3A_104 = tpu.memref_slice %arg5[%dma_start3A_102, %dma_start3A_103] : memref<12x128xi32, #tpu.memory_space<vmem>> -> memref<1x128xi32, #tpu.memory_space<vmem>>
    %dma_start3A_105 = tpu.memref_squeeze %dma_start3A_104 : memref<1x128xi32, #tpu.memory_space<vmem>> -> memref<128xi32, #tpu.memory_space<vmem>>
    %dma_start3A_106 = arith.constant 0 : i32
    %dma_start3A_107 = arith.constant 0 : i32
    %dma_start3A_108 = tpu.memref_slice %arg2[%dma_start3A_106, %dma_start3A_107] : memref<10000x128xbf16, #tpu.memory_space<hbm>> -> memref<10000x128xbf16, #tpu.memory_space<hbm>>
    tpu.enqueue_indirect_dma source(%dma_start3A_108 : memref<10000x128xbf16, #tpu.memory_space<hbm>>) target(%arg8 : memref<128x128xbf16, #tpu.memory_space<vmem>>) offsets(%dma_start3A_105 : memref<128xi32, #tpu.memory_space<vmem>>) semaphore(%arg18 : memref<!tpu.dma_semaphore, #tpu.memory_space<semaphore_mem>>)
    %dma_wait3A_109 = arith.constant 0 : i32
    %dma_wait3A_110 = arith.constant 0 : i32
    %dma_wait3A_111 = tpu.memref_slice %arg5[%dma_wait3A_109, %dma_wait3A_110] : memref<12x128xi32, #tpu.memory_space<vmem>> -> memref<1x128xi32, #tpu.memory_space<vmem>>
    %dma_wait3A_112 = tpu.memref_squeeze %dma_wait3A_111 : memref<1x128xi32, #tpu.memory_space<vmem>> -> memref<128xi32, #tpu.memory_space<vmem>>
    %dma_wait3A_113 = arith.constant 0 : i32
    %dma_wait3A_114 = arith.constant 0 : i32
    %dma_wait3A_115 = tpu.memref_slice %arg2[%dma_wait3A_113, %dma_wait3A_114] : memref<10000x128xbf16, #tpu.memory_space<hbm>> -> memref<10000x128xbf16, #tpu.memory_space<hbm>>
    tpu.wait_indirect_dma semaphore(%arg22 : memref<!tpu.dma_semaphore, #tpu.memory_space<semaphore_mem>>) src(%dma_wait3A_115 : memref<10000x128xbf16, #tpu.memory_space<hbm>>) dst(%arg12 : memref<128x128xbf16, #tpu.memory_space<vmem>>)
    %dma_start3A_116 = arith.constant 10 : i32
    %dma_start3A_117 = arith.constant 0 : i32
    %dma_start3A_118 = tpu.memref_slice %arg7[%dma_start3A_116, %dma_start3A_117] : memref<12x128xi32, #tpu.memory_space<vmem>> -> memref<1x128xi32, #tpu.memory_space<vmem>>
    %dma_start3A_119 = tpu.memref_squeeze %dma_start3A_118 : memref<1x128xi32, #tpu.memory_space<vmem>> -> memref<128xi32, #tpu.memory_space<vmem>>
    %dma_start3A_120 = arith.constant 0 : i32
    %dma_start3A_121 = arith.constant 0 : i32
    %dma_start3A_122 = tpu.memref_slice %arg14[%dma_start3A_120, %dma_start3A_121] : memref<10000x128xbf16, #tpu.memory_space<vmem_shared>> -> memref<10000x128xbf16, #tpu.memory_space<vmem_shared>>
    tpu.enqueue_indirect_dma source(%arg12 : memref<128x128xbf16, #tpu.memory_space<vmem>>) target(%dma_start3A_122 : memref<10000x128xbf16, #tpu.memory_space<vmem_shared>>) offsets(%dma_start3A_119 : memref<128xi32, #tpu.memory_space<vmem>>) semaphore(%arg28 : memref<!tpu.dma_semaphore, #tpu.memory_space<semaphore_mem>>) {add = true}
    %dma_wait3A_123 = arith.constant 6 : i32
    %dma_wait3A_124 = arith.constant 0 : i32
    %dma_wait3A_125 = tpu.memref_slice %arg5[%dma_wait3A_123, %dma_wait3A_124] : memref<12x128xi32, #tpu.memory_space<vmem>> -> memref<1x128xi32, #tpu.memory_space<vmem>>
    %dma_wait3A_126 = tpu.memref_squeeze %dma_wait3A_125 : memref<1x128xi32, #tpu.memory_space<vmem>> -> memref<128xi32, #tpu.memory_space<vmem>>
    %dma_wait3A_127 = arith.constant 0 : i32
    %dma_wait3A_128 = arith.constant 0 : i32
    %dma_wait3A_129 = tpu.memref_slice %arg14[%dma_wait3A_127, %dma_wait3A_128] : memref<10000x128xbf16, #tpu.memory_space<vmem_shared>> -> memref<10000x128xbf16, #tpu.memory_space<vmem_shared>>
    tpu.wait_indirect_dma semaphore(%arg25 : memref<!tpu.dma_semaphore, #tpu.memory_space<semaphore_mem>>) src(%arg9 : memref<128x128xbf16, #tpu.memory_space<vmem>>) dst(%dma_wait3A_129 : memref<10000x128xbf16, #tpu.memory_space<vmem_shared>>)
    %dma_start3A_130 = arith.constant 1 : i32
    %dma_start3A_131 = arith.constant 0 : i32
    %dma_start3A_132 = tpu.memref_slice %arg5[%dma_start3A_130, %dma_start3A_131] : memref<12x128xi32, #tpu.memory_space<vmem>> -> memref<1x128xi32, #tpu.memory_space<vmem>>
    %dma_start3A_133 = tpu.memref_squeeze %dma_start3A_132 : memref<1x128xi32, #tpu.memory_space<vmem>> -> memref<128xi32, #tpu.memory_space<vmem>>
    %dma_start3A_134 = arith.constant 0 : i32
    %dma_start3A_135 = arith.constant 0 : i32
    %dma_start3A_136 = tpu.memref_slice %arg2[%dma_start3A_134, %dma_start3A_135] : memref<10000x128xbf16, #tpu.memory_space<hbm>> -> memref<10000x128xbf16, #tpu.memory_space<hbm>>
    tpu.enqueue_indirect_dma source(%dma_start3A_136 : memref<10000x128xbf16, #tpu.memory_space<hbm>>) target(%arg9 : memref<128x128xbf16, #tpu.memory_space<vmem>>) offsets(%dma_start3A_133 : memref<128xi32, #tpu.memory_space<vmem>>) semaphore(%arg19 : memref<!tpu.dma_semaphore, #tpu.memory_space<semaphore_mem>>)
    %dma_wait3A_137 = arith.constant 0 : i32
    %dma_wait3A_138 = arith.constant 0 : i32
    %dma_wait3A_139 = tpu.memref_slice %arg5[%dma_wait3A_137, %dma_wait3A_138] : memref<12x128xi32, #tpu.memory_space<vmem>> -> memref<1x128xi32, #tpu.memory_space<vmem>>
    %dma_wait3A_140 = tpu.memref_squeeze %dma_wait3A_139 : memref<1x128xi32, #tpu.memory_space<vmem>> -> memref<128xi32, #tpu.memory_space<vmem>>
    %dma_wait3A_141 = arith.constant 0 : i32
    %dma_wait3A_142 = arith.constant 0 : i32
    %dma_wait3A_143 = tpu.memref_slice %arg2[%dma_wait3A_141, %dma_wait3A_142] : memref<10000x128xbf16, #tpu.memory_space<hbm>> -> memref<10000x128xbf16, #tpu.memory_space<hbm>>
    tpu.wait_indirect_dma semaphore(%arg23 : memref<!tpu.dma_semaphore, #tpu.memory_space<semaphore_mem>>) src(%dma_wait3A_143 : memref<10000x128xbf16, #tpu.memory_space<hbm>>) dst(%arg13 : memref<128x128xbf16, #tpu.memory_space<vmem>>)
    %dma_start3A_144 = arith.constant 11 : i32
    %dma_start3A_145 = arith.constant 0 : i32
    %dma_start3A_146 = tpu.memref_slice %arg7[%dma_start3A_144, %dma_start3A_145] : memref<12x128xi32, #tpu.memory_space<vmem>> -> memref<1x128xi32, #tpu.memory_space<vmem>>
    %dma_start3A_147 = tpu.memref_squeeze %dma_start3A_146 : memref<1x128xi32, #tpu.memory_space<vmem>> -> memref<128xi32, #tpu.memory_space<vmem>>
    %dma_start3A_148 = arith.constant 0 : i32
    %dma_start3A_149 = arith.constant 0 : i32
    %dma_start3A_150 = tpu.memref_slice %arg14[%dma_start3A_148, %dma_start3A_149] : memref<10000x128xbf16, #tpu.memory_space<vmem_shared>> -> memref<10000x128xbf16, #tpu.memory_space<vmem_shared>>
    tpu.enqueue_indirect_dma source(%arg13 : memref<128x128xbf16, #tpu.memory_space<vmem>>) target(%dma_start3A_150 : memref<10000x128xbf16, #tpu.memory_space<vmem_shared>>) offsets(%dma_start3A_147 : memref<128xi32, #tpu.memory_space<vmem>>) semaphore(%arg29 : memref<!tpu.dma_semaphore, #tpu.memory_space<semaphore_mem>>) {add = true}
    %dma_wait3A_151 = arith.constant 6 : i32
    %dma_wait3A_152 = arith.constant 0 : i32
    %dma_wait3A_153 = tpu.memref_slice %arg5[%dma_wait3A_151, %dma_wait3A_152] : memref<12x128xi32, #tpu.memory_space<vmem>> -> memref<1x128xi32, #tpu.memory_space<vmem>>
    %dma_wait3A_154 = tpu.memref_squeeze %dma_wait3A_153 : memref<1x128xi32, #tpu.memory_space<vmem>> -> memref<128xi32, #tpu.memory_space<vmem>>
    %dma_wait3A_155 = arith.constant 0 : i32
    %dma_wait3A_156 = arith.constant 0 : i32
    %dma_wait3A_157 = tpu.memref_slice %arg14[%dma_wait3A_155, %dma_wait3A_156] : memref<10000x128xbf16, #tpu.memory_space<vmem_shared>> -> memref<10000x128xbf16, #tpu.memory_space<vmem_shared>>
    tpu.wait_indirect_dma semaphore(%arg26 : memref<!tpu.dma_semaphore, #tpu.memory_space<semaphore_mem>>) src(%arg10 : memref<128x128xbf16, #tpu.memory_space<vmem>>) dst(%dma_wait3A_157 : memref<10000x128xbf16, #tpu.memory_space<vmem_shared>>)
    %dma_start3A_158 = arith.constant 2 : i32
    %dma_start3A_159 = arith.constant 0 : i32
    %dma_start3A_160 = tpu.memref_slice %arg5[%dma_start3A_158, %dma_start3A_159] : memref<12x128xi32, #tpu.memory_space<vmem>> -> memref<1x128xi32, #tpu.memory_space<vmem>>
    %dma_start3A_161 = tpu.memref_squeeze %dma_start3A_160 : memref<1x128xi32, #tpu.memory_space<vmem>> -> memref<128xi32, #tpu.memory_space<vmem>>
    %dma_start3A_162 = arith.constant 0 : i32
    %dma_start3A_163 = arith.constant 0 : i32
    %dma_start3A_164 = tpu.memref_slice %arg2[%dma_start3A_162, %dma_start3A_163] : memref<10000x128xbf16, #tpu.memory_space<hbm>> -> memref<10000x128xbf16, #tpu.memory_space<hbm>>
    tpu.enqueue_indirect_dma source(%dma_start3A_164 : memref<10000x128xbf16, #tpu.memory_space<hbm>>) target(%arg10 : memref<128x128xbf16, #tpu.memory_space<vmem>>) offsets(%dma_start3A_161 : memref<128xi32, #tpu.memory_space<vmem>>) semaphore(%arg20 : memref<!tpu.dma_semaphore, #tpu.memory_space<semaphore_mem>>)
    %dma_wait3A_165 = arith.constant 0 : i32
    %dma_wait3A_166 = arith.constant 0 : i32
    %dma_wait3A_167 = tpu.memref_slice %arg5[%dma_wait3A_165, %dma_wait3A_166] : memref<12x128xi32, #tpu.memory_space<vmem>> -> memref<1x128xi32, #tpu.memory_space<vmem>>
    %dma_wait3A_168 = tpu.memref_squeeze %dma_wait3A_167 : memref<1x128xi32, #tpu.memory_space<vmem>> -> memref<128xi32, #tpu.memory_space<vmem>>
    %dma_wait3A_169 = arith.constant 0 : i32
    %dma_wait3A_170 = arith.constant 0 : i32
    %dma_wait3A_171 = tpu.memref_slice %arg2[%dma_wait3A_169, %dma_wait3A_170] : memref<10000x128xbf16, #tpu.memory_space<hbm>> -> memref<10000x128xbf16, #tpu.memory_space<hbm>>
    tpu.wait_indirect_dma semaphore(%arg18 : memref<!tpu.dma_semaphore, #tpu.memory_space<semaphore_mem>>) src(%dma_wait3A_171 : memref<10000x128xbf16, #tpu.memory_space<hbm>>) dst(%arg8 : memref<128x128xbf16, #tpu.memory_space<vmem>>)
    %dma_start3A_172 = arith.constant 6 : i32
    %dma_start3A_173 = arith.constant 0 : i32
    %dma_start3A_174 = tpu.memref_slice %arg5[%dma_start3A_172, %dma_start3A_173] : memref<12x128xi32, #tpu.memory_space<vmem>> -> memref<1x128xi32, #tpu.memory_space<vmem>>
    %dma_start3A_175 = tpu.memref_squeeze %dma_start3A_174 : memref<1x128xi32, #tpu.memory_space<vmem>> -> memref<128xi32, #tpu.memory_space<vmem>>
    %dma_start3A_176 = arith.constant 0 : i32
    %dma_start3A_177 = arith.constant 0 : i32
    %dma_start3A_178 = tpu.memref_slice %arg14[%dma_start3A_176, %dma_start3A_177] : memref<10000x128xbf16, #tpu.memory_space<vmem_shared>> -> memref<10000x128xbf16, #tpu.memory_space<vmem_shared>>
    tpu.enqueue_indirect_dma source(%arg8 : memref<128x128xbf16, #tpu.memory_space<vmem>>) target(%dma_start3A_178 : memref<10000x128xbf16, #tpu.memory_space<vmem_shared>>) offsets(%dma_start3A_175 : memref<128xi32, #tpu.memory_space<vmem>>) semaphore(%arg24 : memref<!tpu.dma_semaphore, #tpu.memory_space<semaphore_mem>>) {add = true}
    %dma_wait3A_179 = arith.constant 6 : i32
    %dma_wait3A_180 = arith.constant 0 : i32
    %dma_wait3A_181 = tpu.memref_slice %arg5[%dma_wait3A_179, %dma_wait3A_180] : memref<12x128xi32, #tpu.memory_space<vmem>> -> memref<1x128xi32, #tpu.memory_space<vmem>>
    %dma_wait3A_182 = tpu.memref_squeeze %dma_wait3A_181 : memref<1x128xi32, #tpu.memory_space<vmem>> -> memref<128xi32, #tpu.memory_space<vmem>>
    %dma_wait3A_183 = arith.constant 0 : i32
    %dma_wait3A_184 = arith.constant 0 : i32
    %dma_wait3A_185 = tpu.memref_slice %arg14[%dma_wait3A_183, %dma_wait3A_184] : memref<10000x128xbf16, #tpu.memory_space<vmem_shared>> -> memref<10000x128xbf16, #tpu.memory_space<vmem_shared>>
    tpu.wait_indirect_dma semaphore(%arg27 : memref<!tpu.dma_semaphore, #tpu.memory_space<semaphore_mem>>) src(%arg11 : memref<128x128xbf16, #tpu.memory_space<vmem>>) dst(%dma_wait3A_185 : memref<10000x128xbf16, #tpu.memory_space<vmem_shared>>)
    %dma_start3A_186 = arith.constant 3 : i32
    %dma_start3A_187 = arith.constant 0 : i32
    %dma_start3A_188 = tpu.memref_slice %arg5[%dma_start3A_186, %dma_start3A_187] : memref<12x128xi32, #tpu.memory_space<vmem>> -> memref<1x128xi32, #tpu.memory_space<vmem>>
    %dma_start3A_189 = tpu.memref_squeeze %dma_start3A_188 : memref<1x128xi32, #tpu.memory_space<vmem>> -> memref<128xi32, #tpu.memory_space<vmem>>
    %dma_start3A_190 = arith.constant 0 : i32
    %dma_start3A_191 = arith.constant 0 : i32
    %dma_start3A_192 = tpu.memref_slice %arg2[%dma_start3A_190, %dma_start3A_191] : memref<10000x128xbf16, #tpu.memory_space<hbm>> -> memref<10000x128xbf16, #tpu.memory_space<hbm>>
    tpu.enqueue_indirect_dma source(%dma_start3A_192 : memref<10000x128xbf16, #tpu.memory_space<hbm>>) target(%arg11 : memref<128x128xbf16, #tpu.memory_space<vmem>>) offsets(%dma_start3A_189 : memref<128xi32, #tpu.memory_space<vmem>>) semaphore(%arg21 : memref<!tpu.dma_semaphore, #tpu.memory_space<semaphore_mem>>)
    %dma_wait3A_193 = arith.constant 0 : i32
    %dma_wait3A_194 = arith.constant 0 : i32
    %dma_wait3A_195 = tpu.memref_slice %arg5[%dma_wait3A_193, %dma_wait3A_194] : memref<12x128xi32, #tpu.memory_space<vmem>> -> memref<1x128xi32, #tpu.memory_space<vmem>>
    %dma_wait3A_196 = tpu.memref_squeeze %dma_wait3A_195 : memref<1x128xi32, #tpu.memory_space<vmem>> -> memref<128xi32, #tpu.memory_space<vmem>>
    %dma_wait3A_197 = arith.constant 0 : i32
    %dma_wait3A_198 = arith.constant 0 : i32
    %dma_wait3A_199 = tpu.memref_slice %arg2[%dma_wait3A_197, %dma_wait3A_198] : memref<10000x128xbf16, #tpu.memory_space<hbm>> -> memref<10000x128xbf16, #tpu.memory_space<hbm>>
    tpu.wait_indirect_dma semaphore(%arg19 : memref<!tpu.dma_semaphore, #tpu.memory_space<semaphore_mem>>) src(%dma_wait3A_199 : memref<10000x128xbf16, #tpu.memory_space<hbm>>) dst(%arg9 : memref<128x128xbf16, #tpu.memory_space<vmem>>)
    %dma_start3A_200 = arith.constant 7 : i32
    %dma_start3A_201 = arith.constant 0 : i32
    %dma_start3A_202 = tpu.memref_slice %arg5[%dma_start3A_200, %dma_start3A_201] : memref<12x128xi32, #tpu.memory_space<vmem>> -> memref<1x128xi32, #tpu.memory_space<vmem>>
    %dma_start3A_203 = tpu.memref_squeeze %dma_start3A_202 : memref<1x128xi32, #tpu.memory_space<vmem>> -> memref<128xi32, #tpu.memory_space<vmem>>
    %dma_start3A_204 = arith.constant 0 : i32
    %dma_start3A_205 = arith.constant 0 : i32
    %dma_start3A_206 = tpu.memref_slice %arg14[%dma_start3A_204, %dma_start3A_205] : memref<10000x128xbf16, #tpu.memory_space<vmem_shared>> -> memref<10000x128xbf16, #tpu.memory_space<vmem_shared>>
    tpu.enqueue_indirect_dma source(%arg9 : memref<128x128xbf16, #tpu.memory_space<vmem>>) target(%dma_start3A_206 : memref<10000x128xbf16, #tpu.memory_space<vmem_shared>>) offsets(%dma_start3A_203 : memref<128xi32, #tpu.memory_space<vmem>>) semaphore(%arg25 : memref<!tpu.dma_semaphore, #tpu.memory_space<semaphore_mem>>) {add = true}
    %dma_wait3A_207 = arith.constant 6 : i32
    %dma_wait3A_208 = arith.constant 0 : i32
    %dma_wait3A_209 = tpu.memref_slice %arg5[%dma_wait3A_207, %dma_wait3A_208] : memref<12x128xi32, #tpu.memory_space<vmem>> -> memref<1x128xi32, #tpu.memory_space<vmem>>
    %dma_wait3A_210 = tpu.memref_squeeze %dma_wait3A_209 : memref<1x128xi32, #tpu.memory_space<vmem>> -> memref<128xi32, #tpu.memory_space<vmem>>
    %dma_wait3A_211 = arith.constant 0 : i32
    %dma_wait3A_212 = arith.constant 0 : i32
    %dma_wait3A_213 = tpu.memref_slice %arg14[%dma_wait3A_211, %dma_wait3A_212] : memref<10000x128xbf16, #tpu.memory_space<vmem_shared>> -> memref<10000x128xbf16, #tpu.memory_space<vmem_shared>>
    tpu.wait_indirect_dma semaphore(%arg28 : memref<!tpu.dma_semaphore, #tpu.memory_space<semaphore_mem>>) src(%arg12 : memref<128x128xbf16, #tpu.memory_space<vmem>>) dst(%dma_wait3A_213 : memref<10000x128xbf16, #tpu.memory_space<vmem_shared>>)
    %dma_start3A_214 = arith.constant 4 : i32
    %dma_start3A_215 = arith.constant 0 : i32
    %dma_start3A_216 = tpu.memref_slice %arg5[%dma_start3A_214, %dma_start3A_215] : memref<12x128xi32, #tpu.memory_space<vmem>> -> memref<1x128xi32, #tpu.memory_space<vmem>>
    %dma_start3A_217 = tpu.memref_squeeze %dma_start3A_216 : memref<1x128xi32, #tpu.memory_space<vmem>> -> memref<128xi32, #tpu.memory_space<vmem>>
    %dma_start3A_218 = arith.constant 0 : i32
    %dma_start3A_219 = arith.constant 0 : i32
    %dma_start3A_220 = tpu.memref_slice %arg2[%dma_start3A_218, %dma_start3A_219] : memref<10000x128xbf16, #tpu.memory_space<hbm>> -> memref<10000x128xbf16, #tpu.memory_space<hbm>>
    tpu.enqueue_indirect_dma source(%dma_start3A_220 : memref<10000x128xbf16, #tpu.memory_space<hbm>>) target(%arg12 : memref<128x128xbf16, #tpu.memory_space<vmem>>) offsets(%dma_start3A_217 : memref<128xi32, #tpu.memory_space<vmem>>) semaphore(%arg22 : memref<!tpu.dma_semaphore, #tpu.memory_space<semaphore_mem>>)
    %dma_wait3A_221 = arith.constant 0 : i32
    %dma_wait3A_222 = arith.constant 0 : i32
    %dma_wait3A_223 = tpu.memref_slice %arg5[%dma_wait3A_221, %dma_wait3A_222] : memref<12x128xi32, #tpu.memory_space<vmem>> -> memref<1x128xi32, #tpu.memory_space<vmem>>
    %dma_wait3A_224 = tpu.memref_squeeze %dma_wait3A_223 : memref<1x128xi32, #tpu.memory_space<vmem>> -> memref<128xi32, #tpu.memory_space<vmem>>
    %dma_wait3A_225 = arith.constant 0 : i32
    %dma_wait3A_226 = arith.constant 0 : i32
    %dma_wait3A_227 = tpu.memref_slice %arg2[%dma_wait3A_225, %dma_wait3A_226] : memref<10000x128xbf16, #tpu.memory_space<hbm>> -> memref<10000x128xbf16, #tpu.memory_space<hbm>>
    tpu.wait_indirect_dma semaphore(%arg20 : memref<!tpu.dma_semaphore, #tpu.memory_space<semaphore_mem>>) src(%dma_wait3A_227 : memref<10000x128xbf16, #tpu.memory_space<hbm>>) dst(%arg10 : memref<128x128xbf16, #tpu.memory_space<vmem>>)
    %dma_start3A_228 = arith.constant 8 : i32
    %dma_start3A_229 = arith.constant 0 : i32
    %dma_start3A_230 = tpu.memref_slice %arg5[%dma_start3A_228, %dma_start3A_229] : memref<12x128xi32, #tpu.memory_space<vmem>> -> memref<1x128xi32, #tpu.memory_space<vmem>>
    %dma_start3A_231 = tpu.memref_squeeze %dma_start3A_230 : memref<1x128xi32, #tpu.memory_space<vmem>> -> memref<128xi32, #tpu.memory_space<vmem>>
    %dma_start3A_232 = arith.constant 0 : i32
    %dma_start3A_233 = arith.constant 0 : i32
    %dma_start3A_234 = tpu.memref_slice %arg14[%dma_start3A_232, %dma_start3A_233] : memref<10000x128xbf16, #tpu.memory_space<vmem_shared>> -> memref<10000x128xbf16, #tpu.memory_space<vmem_shared>>
    tpu.enqueue_indirect_dma source(%arg10 : memref<128x128xbf16, #tpu.memory_space<vmem>>) target(%dma_start3A_234 : memref<10000x128xbf16, #tpu.memory_space<vmem_shared>>) offsets(%dma_start3A_231 : memref<128xi32, #tpu.memory_space<vmem>>) semaphore(%arg26 : memref<!tpu.dma_semaphore, #tpu.memory_space<semaphore_mem>>) {add = true}
    %dma_wait3A_235 = arith.constant 6 : i32
    %dma_wait3A_236 = arith.constant 0 : i32
    %dma_wait3A_237 = tpu.memref_slice %arg5[%dma_wait3A_235, %dma_wait3A_236] : memref<12x128xi32, #tpu.memory_space<vmem>> -> memref<1x128xi32, #tpu.memory_space<vmem>>
    %dma_wait3A_238 = tpu.memref_squeeze %dma_wait3A_237 : memref<1x128xi32, #tpu.memory_space<vmem>> -> memref<128xi32, #tpu.memory_space<vmem>>
    %dma_wait3A_239 = arith.constant 0 : i32
    %dma_wait3A_240 = arith.constant 0 : i32
    %dma_wait3A_241 = tpu.memref_slice %arg14[%dma_wait3A_239, %dma_wait3A_240] : memref<10000x128xbf16, #tpu.memory_space<vmem_shared>> -> memref<10000x128xbf16, #tpu.memory_space<vmem_shared>>
    tpu.wait_indirect_dma semaphore(%arg29 : memref<!tpu.dma_semaphore, #tpu.memory_space<semaphore_mem>>) src(%arg13 : memref<128x128xbf16, #tpu.memory_space<vmem>>) dst(%dma_wait3A_241 : memref<10000x128xbf16, #tpu.memory_space<vmem_shared>>)
    %dma_start3A_242 = arith.constant 5 : i32
    %dma_start3A_243 = arith.constant 0 : i32
    %dma_start3A_244 = tpu.memref_slice %arg5[%dma_start3A_242, %dma_start3A_243] : memref<12x128xi32, #tpu.memory_space<vmem>> -> memref<1x128xi32, #tpu.memory_space<vmem>>
    %dma_start3A_245 = tpu.memref_squeeze %dma_start3A_244 : memref<1x128xi32, #tpu.memory_space<vmem>> -> memref<128xi32, #tpu.memory_space<vmem>>
    %dma_start3A_246 = arith.constant 0 : i32
    %dma_start3A_247 = arith.constant 0 : i32
    %dma_start3A_248 = tpu.memref_slice %arg2[%dma_start3A_246, %dma_start3A_247] : memref<10000x128xbf16, #tpu.memory_space<hbm>> -> memref<10000x128xbf16, #tpu.memory_space<hbm>>
    tpu.enqueue_indirect_dma source(%dma_start3A_248 : memref<10000x128xbf16, #tpu.memory_space<hbm>>) target(%arg13 : memref<128x128xbf16, #tpu.memory_space<vmem>>) offsets(%dma_start3A_245 : memref<128xi32, #tpu.memory_space<vmem>>) semaphore(%arg23 : memref<!tpu.dma_semaphore, #tpu.memory_space<semaphore_mem>>)
    %dma_wait3A_249 = arith.constant 0 : i32
    %dma_wait3A_250 = arith.constant 0 : i32
    %dma_wait3A_251 = tpu.memref_slice %arg5[%dma_wait3A_249, %dma_wait3A_250] : memref<12x128xi32, #tpu.memory_space<vmem>> -> memref<1x128xi32, #tpu.memory_space<vmem>>
    %dma_wait3A_252 = tpu.memref_squeeze %dma_wait3A_251 : memref<1x128xi32, #tpu.memory_space<vmem>> -> memref<128xi32, #tpu.memory_space<vmem>>
    %dma_wait3A_253 = arith.constant 0 : i32
    %dma_wait3A_254 = arith.constant 0 : i32
    %dma_wait3A_255 = tpu.memref_slice %arg2[%dma_wait3A_253, %dma_wait3A_254] : memref<10000x128xbf16, #tpu.memory_space<hbm>> -> memref<10000x128xbf16, #tpu.memory_space<hbm>>
    tpu.wait_indirect_dma semaphore(%arg21 : memref<!tpu.dma_semaphore, #tpu.memory_space<semaphore_mem>>) src(%dma_wait3A_255 : memref<10000x128xbf16, #tpu.memory_space<hbm>>) dst(%arg11 : memref<128x128xbf16, #tpu.memory_space<vmem>>)
    %dma_start3A_256 = arith.constant 9 : i32
    %dma_start3A_257 = arith.constant 0 : i32
    %dma_start3A_258 = tpu.memref_slice %arg5[%dma_start3A_256, %dma_start3A_257] : memref<12x128xi32, #tpu.memory_space<vmem>> -> memref<1x128xi32, #tpu.memory_space<vmem>>
    %dma_start3A_259 = tpu.memref_squeeze %dma_start3A_258 : memref<1x128xi32, #tpu.memory_space<vmem>> -> memref<128xi32, #tpu.memory_space<vmem>>
    %dma_start3A_260 = arith.constant 0 : i32
    %dma_start3A_261 = arith.constant 0 : i32
    %dma_start3A_262 = tpu.memref_slice %arg14[%dma_start3A_260, %dma_start3A_261] : memref<10000x128xbf16, #tpu.memory_space<vmem_shared>> -> memref<10000x128xbf16, #tpu.memory_space<vmem_shared>>
    tpu.enqueue_indirect_dma source(%arg11 : memref<128x128xbf16, #tpu.memory_space<vmem>>) target(%dma_start3A_262 : memref<10000x128xbf16, #tpu.memory_space<vmem_shared>>) offsets(%dma_start3A_259 : memref<128xi32, #tpu.memory_space<vmem>>) semaphore(%arg27 : memref<!tpu.dma_semaphore, #tpu.memory_space<semaphore_mem>>) {add = true}
    %dma_wait3A_263 = arith.constant 0 : i32
    %dma_wait3A_264 = arith.constant 0 : i32
    %dma_wait3A_265 = tpu.memref_slice %arg5[%dma_wait3A_263, %dma_wait3A_264] : memref<12x128xi32, #tpu.memory_space<vmem>> -> memref<1x128xi32, #tpu.memory_space<vmem>>
    %dma_wait3A_266 = tpu.memref_squeeze %dma_wait3A_265 : memref<1x128xi32, #tpu.memory_space<vmem>> -> memref<128xi32, #tpu.memory_space<vmem>>
    %dma_wait3A_267 = arith.constant 0 : i32
    %dma_wait3A_268 = arith.constant 0 : i32
    %dma_wait3A_269 = tpu.memref_slice %arg2[%dma_wait3A_267, %dma_wait3A_268] : memref<10000x128xbf16, #tpu.memory_space<hbm>> -> memref<10000x128xbf16, #tpu.memory_space<hbm>>
    tpu.wait_indirect_dma semaphore(%arg22 : memref<!tpu.dma_semaphore, #tpu.memory_space<semaphore_mem>>) src(%dma_wait3A_269 : memref<10000x128xbf16, #tpu.memory_space<hbm>>) dst(%arg12 : memref<128x128xbf16, #tpu.memory_space<vmem>>)
    %dma_start3A_270 = arith.constant 10 : i32
    %dma_start3A_271 = arith.constant 0 : i32
    %dma_start3A_272 = tpu.memref_slice %arg5[%dma_start3A_270, %dma_start3A_271] : memref<12x128xi32, #tpu.memory_space<vmem>> -> memref<1x128xi32, #tpu.memory_space<vmem>>
    %dma_start3A_273 = tpu.memref_squeeze %dma_start3A_272 : memref<1x128xi32, #tpu.memory_space<vmem>> -> memref<128xi32, #tpu.memory_space<vmem>>
    %dma_start3A_274 = arith.constant 0 : i32
    %dma_start3A_275 = arith.constant 0 : i32
    %dma_start3A_276 = tpu.memref_slice %arg14[%dma_start3A_274, %dma_start3A_275] : memref<10000x128xbf16, #tpu.memory_space<vmem_shared>> -> memref<10000x128xbf16, #tpu.memory_space<vmem_shared>>
    tpu.enqueue_indirect_dma source(%arg12 : memref<128x128xbf16, #tpu.memory_space<vmem>>) target(%dma_start3A_276 : memref<10000x128xbf16, #tpu.memory_space<vmem_shared>>) offsets(%dma_start3A_273 : memref<128xi32, #tpu.memory_space<vmem>>) semaphore(%arg28 : memref<!tpu.dma_semaphore, #tpu.memory_space<semaphore_mem>>) {add = true}
    %dma_wait3A_277 = arith.constant 0 : i32
    %dma_wait3A_278 = arith.constant 0 : i32
    %dma_wait3A_279 = tpu.memref_slice %arg5[%dma_wait3A_277, %dma_wait3A_278] : memref<12x128xi32, #tpu.memory_space<vmem>> -> memref<1x128xi32, #tpu.memory_space<vmem>>
    %dma_wait3A_280 = tpu.memref_squeeze %dma_wait3A_279 : memref<1x128xi32, #tpu.memory_space<vmem>> -> memref<128xi32, #tpu.memory_space<vmem>>
    %dma_wait3A_281 = arith.constant 0 : i32
    %dma_wait3A_282 = arith.constant 0 : i32
    %dma_wait3A_283 = tpu.memref_slice %arg2[%dma_wait3A_281, %dma_wait3A_282] : memref<10000x128xbf16, #tpu.memory_space<hbm>> -> memref<10000x128xbf16, #tpu.memory_space<hbm>>
    tpu.wait_indirect_dma semaphore(%arg23 : memref<!tpu.dma_semaphore, #tpu.memory_space<semaphore_mem>>) src(%dma_wait3A_283 : memref<10000x128xbf16, #tpu.memory_space<hbm>>) dst(%arg13 : memref<128x128xbf16, #tpu.memory_space<vmem>>)
    %dma_start3A_284 = arith.constant 11 : i32
    %dma_start3A_285 = arith.constant 0 : i32
    %dma_start3A_286 = tpu.memref_slice %arg5[%dma_start3A_284, %dma_start3A_285] : memref<12x128xi32, #tpu.memory_space<vmem>> -> memref<1x128xi32, #tpu.memory_space<vmem>>
    %dma_start3A_287 = tpu.memref_squeeze %dma_start3A_286 : memref<1x128xi32, #tpu.memory_space<vmem>> -> memref<128xi32, #tpu.memory_space<vmem>>
    %dma_start3A_288 = arith.constant 0 : i32
    %dma_start3A_289 = arith.constant 0 : i32
    %dma_start3A_290 = tpu.memref_slice %arg14[%dma_start3A_288, %dma_start3A_289] : memref<10000x128xbf16, #tpu.memory_space<vmem_shared>> -> memref<10000x128xbf16, #tpu.memory_space<vmem_shared>>
    tpu.enqueue_indirect_dma source(%arg13 : memref<128x128xbf16, #tpu.memory_space<vmem>>) target(%dma_start3A_290 : memref<10000x128xbf16, #tpu.memory_space<vmem_shared>>) offsets(%dma_start3A_287 : memref<128xi32, #tpu.memory_space<vmem>>) semaphore(%arg29 : memref<!tpu.dma_semaphore, #tpu.memory_space<semaphore_mem>>) {add = true}
    %dma_wait3A_291 = arith.constant 6 : i32
    %dma_wait3A_292 = arith.constant 0 : i32
    %dma_wait3A_293 = tpu.memref_slice %arg5[%dma_wait3A_291, %dma_wait3A_292] : memref<12x128xi32, #tpu.memory_space<vmem>> -> memref<1x128xi32, #tpu.memory_space<vmem>>
    %dma_wait3A_294 = tpu.memref_squeeze %dma_wait3A_293 : memref<1x128xi32, #tpu.memory_space<vmem>> -> memref<128xi32, #tpu.memory_space<vmem>>
    %dma_wait3A_295 = arith.constant 0 : i32
    %dma_wait3A_296 = arith.constant 0 : i32
    %dma_wait3A_297 = tpu.memref_slice %arg14[%dma_wait3A_295, %dma_wait3A_296] : memref<10000x128xbf16, #tpu.memory_space<vmem_shared>> -> memref<10000x128xbf16, #tpu.memory_space<vmem_shared>>
    tpu.wait_indirect_dma semaphore(%arg24 : memref<!tpu.dma_semaphore, #tpu.memory_space<semaphore_mem>>) src(%arg8 : memref<128x128xbf16, #tpu.memory_space<vmem>>) dst(%dma_wait3A_297 : memref<10000x128xbf16, #tpu.memory_space<vmem_shared>>)
    %dma_wait3A_298 = arith.constant 6 : i32
    %dma_wait3A_299 = arith.constant 0 : i32
    %dma_wait3A_300 = tpu.memref_slice %arg5[%dma_wait3A_298, %dma_wait3A_299] : memref<12x128xi32, #tpu.memory_space<vmem>> -> memref<1x128xi32, #tpu.memory_space<vmem>>
    %dma_wait3A_301 = tpu.memref_squeeze %dma_wait3A_300 : memref<1x128xi32, #tpu.memory_space<vmem>> -> memref<128xi32, #tpu.memory_space<vmem>>
    %dma_wait3A_302 = arith.constant 0 : i32
    %dma_wait3A_303 = arith.constant 0 : i32
    %dma_wait3A_304 = tpu.memref_slice %arg14[%dma_wait3A_302, %dma_wait3A_303] : memref<10000x128xbf16, #tpu.memory_space<vmem_shared>> -> memref<10000x128xbf16, #tpu.memory_space<vmem_shared>>
    tpu.wait_indirect_dma semaphore(%arg25 : memref<!tpu.dma_semaphore, #tpu.memory_space<semaphore_mem>>) src(%arg9 : memref<128x128xbf16, #tpu.memory_space<vmem>>) dst(%dma_wait3A_304 : memref<10000x128xbf16, #tpu.memory_space<vmem_shared>>)
    %dma_wait3A_305 = arith.constant 6 : i32
    %dma_wait3A_306 = arith.constant 0 : i32
    %dma_wait3A_307 = tpu.memref_slice %arg5[%dma_wait3A_305, %dma_wait3A_306] : memref<12x128xi32, #tpu.memory_space<vmem>> -> memref<1x128xi32, #tpu.memory_space<vmem>>
    %dma_wait3A_308 = tpu.memref_squeeze %dma_wait3A_307 : memref<1x128xi32, #tpu.memory_space<vmem>> -> memref<128xi32, #tpu.memory_space<vmem>>
    %dma_wait3A_309 = arith.constant 0 : i32
    %dma_wait3A_310 = arith.constant 0 : i32
    %dma_wait3A_311 = tpu.memref_slice %arg14[%dma_wait3A_309, %dma_wait3A_310] : memref<10000x128xbf16, #tpu.memory_space<vmem_shared>> -> memref<10000x128xbf16, #tpu.memory_space<vmem_shared>>
    tpu.wait_indirect_dma semaphore(%arg26 : memref<!tpu.dma_semaphore, #tpu.memory_space<semaphore_mem>>) src(%arg10 : memref<128x128xbf16, #tpu.memory_space<vmem>>) dst(%dma_wait3A_311 : memref<10000x128xbf16, #tpu.memory_space<vmem_shared>>)
    %dma_wait3A_312 = arith.constant 6 : i32
    %dma_wait3A_313 = arith.constant 0 : i32
    %dma_wait3A_314 = tpu.memref_slice %arg5[%dma_wait3A_312, %dma_wait3A_313] : memref<12x128xi32, #tpu.memory_space<vmem>> -> memref<1x128xi32, #tpu.memory_space<vmem>>
    %dma_wait3A_315 = tpu.memref_squeeze %dma_wait3A_314 : memref<1x128xi32, #tpu.memory_space<vmem>> -> memref<128xi32, #tpu.memory_space<vmem>>
    %dma_wait3A_316 = arith.constant 0 : i32
    %dma_wait3A_317 = arith.constant 0 : i32
    %dma_wait3A_318 = tpu.memref_slice %arg14[%dma_wait3A_316, %dma_wait3A_317] : memref<10000x128xbf16, #tpu.memory_space<vmem_shared>> -> memref<10000x128xbf16, #tpu.memory_space<vmem_shared>>
    tpu.wait_indirect_dma semaphore(%arg27 : memref<!tpu.dma_semaphore, #tpu.memory_space<semaphore_mem>>) src(%arg11 : memref<128x128xbf16, #tpu.memory_space<vmem>>) dst(%dma_wait3A_318 : memref<10000x128xbf16, #tpu.memory_space<vmem_shared>>)
    %dma_wait3A_319 = arith.constant 6 : i32
    %dma_wait3A_320 = arith.constant 0 : i32
    %dma_wait3A_321 = tpu.memref_slice %arg5[%dma_wait3A_319, %dma_wait3A_320] : memref<12x128xi32, #tpu.memory_space<vmem>> -> memref<1x128xi32, #tpu.memory_space<vmem>>
    %dma_wait3A_322 = tpu.memref_squeeze %dma_wait3A_321 : memref<1x128xi32, #tpu.memory_space<vmem>> -> memref<128xi32, #tpu.memory_space<vmem>>
    %dma_wait3A_323 = arith.constant 0 : i32
    %dma_wait3A_324 = arith.constant 0 : i32
    %dma_wait3A_325 = tpu.memref_slice %arg14[%dma_wait3A_323, %dma_wait3A_324] : memref<10000x128xbf16, #tpu.memory_space<vmem_shared>> -> memref<10000x128xbf16, #tpu.memory_space<vmem_shared>>
    tpu.wait_indirect_dma semaphore(%arg28 : memref<!tpu.dma_semaphore, #tpu.memory_space<semaphore_mem>>) src(%arg12 : memref<128x128xbf16, #tpu.memory_space<vmem>>) dst(%dma_wait3A_325 : memref<10000x128xbf16, #tpu.memory_space<vmem_shared>>)
    %dma_wait3A_326 = arith.constant 6 : i32
    %dma_wait3A_327 = arith.constant 0 : i32
    %dma_wait3A_328 = tpu.memref_slice %arg5[%dma_wait3A_326, %dma_wait3A_327] : memref<12x128xi32, #tpu.memory_space<vmem>> -> memref<1x128xi32, #tpu.memory_space<vmem>>
    %dma_wait3A_329 = tpu.memref_squeeze %dma_wait3A_328 : memref<1x128xi32, #tpu.memory_space<vmem>> -> memref<128xi32, #tpu.memory_space<vmem>>
    %dma_wait3A_330 = arith.constant 0 : i32
    %dma_wait3A_331 = arith.constant 0 : i32
    %dma_wait3A_332 = tpu.memref_slice %arg14[%dma_wait3A_330, %dma_wait3A_331] : memref<10000x128xbf16, #tpu.memory_space<vmem_shared>> -> memref<10000x128xbf16, #tpu.memory_space<vmem_shared>>
    tpu.wait_indirect_dma semaphore(%arg29 : memref<!tpu.dma_semaphore, #tpu.memory_space<semaphore_mem>>) src(%arg13 : memref<128x128xbf16, #tpu.memory_space<vmem>>) dst(%dma_wait3A_332 : memref<10000x128xbf16, #tpu.memory_space<vmem_shared>>)
    %lt3A = arith.constant 4 : i32
    %lt3A_333 = arith.cmpi slt, %add3A, %lt3A : i32
    %convert_element_type3A = arith.extui %lt3A_333 : i1 to i32
    %cond3A = arith.constant 0 : i32
    %cond3A_334 = arith.cmpi ne, %convert_element_type3A, %cond3A : i32
    scf.if %cond3A_334 {
      %add3A_336 = arith.constant 2496 : i32
      %add3A_337 = arith.addi %add3A_336, %add3A : i32
      %run_scoped3A = arith.constant 0 : i32
      %run_scoped3A_338 = arith.constant 0 : i32
      "tpu.region"() ({
        %run_scoped3A_356 = tpu.sem_alloc : memref<!tpu.dma_semaphore, #tpu.memory_space<semaphore_mem>>
        %dma_start3A_357 = arith.constant 0 : i32
        %dma_start3A_358 = tpu.memref_slice %arg5[%run_scoped3A_338, %dma_start3A_357] : memref<12x128xi32, #tpu.memory_space<vmem>> -> memref<1x128xi32, #tpu.memory_space<vmem>>
        %dma_start3A_359 = tpu.memref_squeeze %dma_start3A_358 : memref<1x128xi32, #tpu.memory_space<vmem>> -> memref<128xi32, #tpu.memory_space<vmem>>
        %dma_start3A_360 = arith.constant 0 : i32
        %dma_start3A_361 = tpu.memref_slice %arg3[%run_scoped3A, %add3A_337, %dma_start3A_360] : memref<2x2500x128xi32, #tpu.memory_space<hbm>> -> memref<1x1x128xi32, #tpu.memory_space<hbm>>
        %dma_start3A_362 = tpu.memref_squeeze %dma_start3A_361 : memref<1x1x128xi32, #tpu.memory_space<hbm>> -> memref<128xi32, #tpu.memory_space<hbm>>
        %dma_start3A_363 = arith.constant 0 : i32
        %dma_start3A_364 = tpu.memref_slice %arg5[%run_scoped3A_338, %dma_start3A_363] : memref<12x128xi32, #tpu.memory_space<vmem>> -> memref<1x128xi32, #tpu.memory_space<vmem>>
        %dma_start3A_365 = tpu.memref_squeeze %dma_start3A_364 : memref<1x128xi32, #tpu.memory_space<vmem>> -> memref<128xi32, #tpu.memory_space<vmem>>
        %dma_start3A_366 = arith.constant 0 : i32
        %dma_start3A_367 = tpu.memref_slice %arg3[%run_scoped3A, %add3A_337, %dma_start3A_366] : memref<2x2500x128xi32, #tpu.memory_space<hbm>> -> memref<1x1x128xi32, #tpu.memory_space<hbm>>
        %dma_start3A_368 = tpu.memref_squeeze %dma_start3A_367 : memref<1x1x128xi32, #tpu.memory_space<hbm>> -> memref<128xi32, #tpu.memory_space<hbm>>
        tpu.enqueue_dma source(%dma_start3A_368 : memref<128xi32, #tpu.memory_space<hbm>>) target(%dma_start3A_365 : memref<128xi32, #tpu.memory_space<vmem>>) target_semaphore(%run_scoped3A_356 : memref<!tpu.dma_semaphore, #tpu.memory_space<semaphore_mem>>)
        %dma_wait3A_369 = arith.constant 0 : i32
        %dma_wait3A_370 = tpu.memref_slice %arg5[%run_scoped3A_338, %dma_wait3A_369] : memref<12x128xi32, #tpu.memory_space<vmem>> -> memref<1x128xi32, #tpu.memory_space<vmem>>
        %dma_wait3A_371 = tpu.memref_squeeze %dma_wait3A_370 : memref<1x128xi32, #tpu.memory_space<vmem>> -> memref<128xi32, #tpu.memory_space<vmem>>
        %dma_wait3A_372 = arith.constant 0 : i32
        %dma_wait3A_373 = tpu.memref_slice %arg3[%run_scoped3A, %add3A_337, %dma_wait3A_372] : memref<2x2500x128xi32, #tpu.memory_space<hbm>> -> memref<1x1x128xi32, #tpu.memory_space<hbm>>
        %dma_wait3A_374 = tpu.memref_squeeze %dma_wait3A_373 : memref<1x1x128xi32, #tpu.memory_space<hbm>> -> memref<128xi32, #tpu.memory_space<hbm>>
        %dma_wait3A_375 = arith.constant 0 : i32
        %dma_wait3A_376 = tpu.memref_slice %arg5[%run_scoped3A_338, %dma_wait3A_375] : memref<12x128xi32, #tpu.memory_space<vmem>> -> memref<1x128xi32, #tpu.memory_space<vmem>>
        %dma_wait3A_377 = tpu.memref_squeeze %dma_wait3A_376 : memref<1x128xi32, #tpu.memory_space<vmem>> -> memref<128xi32, #tpu.memory_space<vmem>>
        %dma_wait3A_378 = arith.constant 0 : i32
        %dma_wait3A_379 = tpu.memref_slice %arg3[%run_scoped3A, %add3A_337, %dma_wait3A_378] : memref<2x2500x128xi32, #tpu.memory_space<hbm>> -> memref<1x1x128xi32, #tpu.memory_space<hbm>>
        %dma_wait3A_380 = tpu.memref_squeeze %dma_wait3A_379 : memref<1x1x128xi32, #tpu.memory_space<hbm>> -> memref<128xi32, #tpu.memory_space<hbm>>
        tpu.wait_dma2 semaphore(%run_scoped3A_356 : memref<!tpu.dma_semaphore, #tpu.memory_space<semaphore_mem>>) src(%dma_wait3A_380 : memref<128xi32, #tpu.memory_space<hbm>>) dst(%dma_wait3A_377 : memref<128xi32, #tpu.memory_space<vmem>>)
        tpu.yield
      }) : () -> ()
      %run_scoped3A_339 = arith.constant 1 : i32
      %run_scoped3A_340 = arith.constant 1 : i32
      "tpu.region"() ({
        %run_scoped3A_356 = tpu.sem_alloc : memref<!tpu.dma_semaphore, #tpu.memory_space<semaphore_mem>>
        %dma_start3A_357 = arith.constant 0 : i32
        %dma_start3A_358 = tpu.memref_slice %arg5[%run_scoped3A_340, %dma_start3A_357] : memref<12x128xi32, #tpu.memory_space<vmem>> -> memref<1x128xi32, #tpu.memory_space<vmem>>
        %dma_start3A_359 = tpu.memref_squeeze %dma_start3A_358 : memref<1x128xi32, #tpu.memory_space<vmem>> -> memref<128xi32, #tpu.memory_space<vmem>>
        %dma_start3A_360 = arith.constant 0 : i32
        %dma_start3A_361 = tpu.memref_slice %arg3[%run_scoped3A_339, %add3A_337, %dma_start3A_360] : memref<2x2500x128xi32, #tpu.memory_space<hbm>> -> memref<1x1x128xi32, #tpu.memory_space<hbm>>
        %dma_start3A_362 = tpu.memref_squeeze %dma_start3A_361 : memref<1x1x128xi32, #tpu.memory_space<hbm>> -> memref<128xi32, #tpu.memory_space<hbm>>
        %dma_start3A_363 = arith.constant 0 : i32
        %dma_start3A_364 = tpu.memref_slice %arg5[%run_scoped3A_340, %dma_start3A_363] : memref<12x128xi32, #tpu.memory_space<vmem>> -> memref<1x128xi32, #tpu.memory_space<vmem>>
        %dma_start3A_365 = tpu.memref_squeeze %dma_start3A_364 : memref<1x128xi32, #tpu.memory_space<vmem>> -> memref<128xi32, #tpu.memory_space<vmem>>
        %dma_start3A_366 = arith.constant 0 : i32
        %dma_start3A_367 = tpu.memref_slice %arg3[%run_scoped3A_339, %add3A_337, %dma_start3A_366] : memref<2x2500x128xi32, #tpu.memory_space<hbm>> -> memref<1x1x128xi32, #tpu.memory_space<hbm>>
        %dma_start3A_368 = tpu.memref_squeeze %dma_start3A_367 : memref<1x1x128xi32, #tpu.memory_space<hbm>> -> memref<128xi32, #tpu.memory_space<hbm>>
        tpu.enqueue_dma source(%dma_start3A_368 : memref<128xi32, #tpu.memory_space<hbm>>) target(%dma_start3A_365 : memref<128xi32, #tpu.memory_space<vmem>>) target_semaphore(%run_scoped3A_356 : memref<!tpu.dma_semaphore, #tpu.memory_space<semaphore_mem>>)
        %dma_wait3A_369 = arith.constant 0 : i32
        %dma_wait3A_370 = tpu.memref_slice %arg5[%run_scoped3A_340, %dma_wait3A_369] : memref<12x128xi32, #tpu.memory_space<vmem>> -> memref<1x128xi32, #tpu.memory_space<vmem>>
        %dma_wait3A_371 = tpu.memref_squeeze %dma_wait3A_370 : memref<1x128xi32, #tpu.memory_space<vmem>> -> memref<128xi32, #tpu.memory_space<vmem>>
        %dma_wait3A_372 = arith.constant 0 : i32
        %dma_wait3A_373 = tpu.memref_slice %arg3[%run_scoped3A_339, %add3A_337, %dma_wait3A_372] : memref<2x2500x128xi32, #tpu.memory_space<hbm>> -> memref<1x1x128xi32, #tpu.memory_space<hbm>>
        %dma_wait3A_374 = tpu.memref_squeeze %dma_wait3A_373 : memref<1x1x128xi32, #tpu.memory_space<hbm>> -> memref<128xi32, #tpu.memory_space<hbm>>
        %dma_wait3A_375 = arith.constant 0 : i32
        %dma_wait3A_376 = tpu.memref_slice %arg5[%run_scoped3A_340, %dma_wait3A_375] : memref<12x128xi32, #tpu.memory_space<vmem>> -> memref<1x128xi32, #tpu.memory_space<vmem>>
        %dma_wait3A_377 = tpu.memref_squeeze %dma_wait3A_376 : memref<1x128xi32, #tpu.memory_space<vmem>> -> memref<128xi32, #tpu.memory_space<vmem>>
        %dma_wait3A_378 = arith.constant 0 : i32
        %dma_wait3A_379 = tpu.memref_slice %arg3[%run_scoped3A_339, %add3A_337, %dma_wait3A_378] : memref<2x2500x128xi32, #tpu.memory_space<hbm>> -> memref<1x1x128xi32, #tpu.memory_space<hbm>>
        %dma_wait3A_380 = tpu.memref_squeeze %dma_wait3A_379 : memref<1x1x128xi32, #tpu.memory_space<hbm>> -> memref<128xi32, #tpu.memory_space<hbm>>
        tpu.wait_dma2 semaphore(%run_scoped3A_356 : memref<!tpu.dma_semaphore, #tpu.memory_space<semaphore_mem>>) src(%dma_wait3A_380 : memref<128xi32, #tpu.memory_space<hbm>>) dst(%dma_wait3A_377 : memref<128xi32, #tpu.memory_space<vmem>>)
        tpu.yield
      }) : () -> ()
      %dma_start3A_341 = arith.constant 0 : i32
      %dma_start3A_342 = arith.constant 0 : i32
      %dma_start3A_343 = tpu.memref_slice %arg5[%dma_start3A_341, %dma_start3A_342] : memref<12x128xi32, #tpu.memory_space<vmem>> -> memref<1x128xi32, #tpu.memory_space<vmem>>
      %dma_start3A_344 = tpu.memref_squeeze %dma_start3A_343 : memref<1x128xi32, #tpu.memory_space<vmem>> -> memref<128xi32, #tpu.memory_space<vmem>>
      %dma_start3A_345 = arith.constant 0 : i32
      %dma_start3A_346 = arith.constant 0 : i32
      %dma_start3A_347 = tpu.memref_slice %arg2[%dma_start3A_345, %dma_start3A_346] : memref<10000x128xbf16, #tpu.memory_space<hbm>> -> memref<10000x128xbf16, #tpu.memory_space<hbm>>
      tpu.enqueue_indirect_dma source(%dma_start3A_347 : memref<10000x128xbf16, #tpu.memory_space<hbm>>) target(%arg8 : memref<128x128xbf16, #tpu.memory_space<vmem>>) offsets(%dma_start3A_344 : memref<128xi32, #tpu.memory_space<vmem>>) semaphore(%arg18 : memref<!tpu.dma_semaphore, #tpu.memory_space<semaphore_mem>>)
      %dma_wait3A_348 = arith.constant 0 : i32
      %dma_wait3A_349 = arith.constant 0 : i32
      %dma_wait3A_350 = tpu.memref_slice %arg5[%dma_wait3A_348, %dma_wait3A_349] : memref<12x128xi32, #tpu.memory_space<vmem>> -> memref<1x128xi32, #tpu.memory_space<vmem>>
      %dma_wait3A_351 = tpu.memref_squeeze %dma_wait3A_350 : memref<1x128xi32, #tpu.memory_space<vmem>> -> memref<128xi32, #tpu.memory_space<vmem>>
      %dma_wait3A_352 = arith.constant 0 : i32
      %dma_wait3A_353 = arith.constant 0 : i32
      %dma_wait3A_354 = tpu.memref_slice %arg2[%dma_wait3A_352, %dma_wait3A_353] : memref<10000x128xbf16, #tpu.memory_space<hbm>> -> memref<10000x128xbf16, #tpu.memory_space<hbm>>
      tpu.wait_indirect_dma semaphore(%arg18 : memref<!tpu.dma_semaphore, #tpu.memory_space<semaphore_mem>>) src(%dma_wait3A_354 : memref<10000x128xbf16, #tpu.memory_space<hbm>>) dst(%arg8 : memref<128x128xbf16, #tpu.memory_space<vmem>>)
      %run_scoped3A_355 = arith.constant 1 : i32
      "tpu.region"() ({
        %run_scoped3A_356 = tpu.sem_alloc : memref<!tpu.dma_semaphore, #tpu.memory_space<semaphore_mem>>
        %dma_start3A_357 = arith.constant 0 : i32
        %dma_start3A_358 = tpu.memref_slice %arg5[%run_scoped3A_355, %dma_start3A_357] : memref<12x128xi32, #tpu.memory_space<vmem>> -> memref<1x128xi32, #tpu.memory_space<vmem>>
        %dma_start3A_359 = tpu.memref_squeeze %dma_start3A_358 : memref<1x128xi32, #tpu.memory_space<vmem>> -> memref<128xi32, #tpu.memory_space<vmem>>
        %dma_start3A_360 = arith.constant 0 : i32
        %dma_start3A_361 = arith.constant 0 : i32
        %dma_start3A_362 = tpu.memref_slice %arg14[%dma_start3A_360, %dma_start3A_361] : memref<10000x128xbf16, #tpu.memory_space<vmem_shared>> -> memref<10000x128xbf16, #tpu.memory_space<vmem_shared>>
        tpu.enqueue_indirect_dma source(%arg8 : memref<128x128xbf16, #tpu.memory_space<vmem>>) target(%dma_start3A_362 : memref<10000x128xbf16, #tpu.memory_space<vmem_shared>>) offsets(%dma_start3A_359 : memref<128xi32, #tpu.memory_space<vmem>>) semaphore(%run_scoped3A_356 : memref<!tpu.dma_semaphore, #tpu.memory_space<semaphore_mem>>) {add = true}
        %dma_wait3A_363 = arith.constant 0 : i32
        %dma_wait3A_364 = tpu.memref_slice %arg5[%run_scoped3A_355, %dma_wait3A_363] : memref<12x128xi32, #tpu.memory_space<vmem>> -> memref<1x128xi32, #tpu.memory_space<vmem>>
        %dma_wait3A_365 = tpu.memref_squeeze %dma_wait3A_364 : memref<1x128xi32, #tpu.memory_space<vmem>> -> memref<128xi32, #tpu.memory_space<vmem>>
        %dma_wait3A_366 = arith.constant 0 : i32
        %dma_wait3A_367 = arith.constant 0 : i32
        %dma_wait3A_368 = tpu.memref_slice %arg14[%dma_wait3A_366, %dma_wait3A_367] : memref<10000x128xbf16, #tpu.memory_space<vmem_shared>> -> memref<10000x128xbf16, #tpu.memory_space<vmem_shared>>
        tpu.wait_indirect_dma semaphore(%run_scoped3A_356 : memref<!tpu.dma_semaphore, #tpu.memory_space<semaphore_mem>>) src(%arg8 : memref<128x128xbf16, #tpu.memory_space<vmem>>) dst(%dma_wait3A_368 : memref<10000x128xbf16, #tpu.memory_space<vmem_shared>>)
        tpu.yield
      }) : () -> ()
    } else {
    }
    %barrier3A_335 = arith.constant 0 : index
    tpu.barrier barrier_id(%barrier3A_335)
    "tpu.region"() ({
      %run_scoped3A = tpu.sem_alloc : memref<!tpu.dma_semaphore, #tpu.memory_space<semaphore_mem>>
      %dma_start3A_336 = arith.constant 0 : i32
      %dma_start3A_337 = tpu.memref_slice %arg4[%arg0, %mul3A_69, %dma_start3A_336] : memref<2x10000x128xbf16, #tpu.memory_space<hbm>> -> memref<1x625x128xbf16, #tpu.memory_space<hbm>>
      %dma_start3A_338 = tpu.memref_squeeze %dma_start3A_337 : memref<1x625x128xbf16, #tpu.memory_space<hbm>> -> memref<625x128xbf16, #tpu.memory_space<hbm>>
      %dma_start3A_339 = arith.constant 0 : i32
      %dma_start3A_340 = tpu.memref_slice %arg14[%mul3A_69, %dma_start3A_339] : memref<10000x128xbf16, #tpu.memory_space<vmem_shared>> -> memref<625x128xbf16, #tpu.memory_space<vmem_shared>>
      tpu.enqueue_dma source(%dma_start3A_340 : memref<625x128xbf16, #tpu.memory_space<vmem_shared>>) target(%dma_start3A_338 : memref<625x128xbf16, #tpu.memory_space<hbm>>) target_semaphore(%run_scoped3A : memref<!tpu.dma_semaphore, #tpu.memory_space<semaphore_mem>>)
      %dma_wait3A_341 = arith.constant 0 : i32
      %dma_wait3A_342 = tpu.memref_slice %arg4[%arg0, %mul3A_69, %dma_wait3A_341] : memref<2x10000x128xbf16, #tpu.memory_space<hbm>> -> memref<1x625x128xbf16, #tpu.memory_space<hbm>>
      %dma_wait3A_343 = tpu.memref_squeeze %dma_wait3A_342 : memref<1x625x128xbf16, #tpu.memory_space<hbm>> -> memref<625x128xbf16, #tpu.memory_space<hbm>>
      %dma_wait3A_344 = arith.constant 0 : i32
      %dma_wait3A_345 = tpu.memref_slice %arg14[%mul3A_69, %dma_wait3A_344] : memref<10000x128xbf16, #tpu.memory_space<vmem_shared>> -> memref<625x128xbf16, #tpu.memory_space<vmem_shared>>
      tpu.wait_dma2 semaphore(%run_scoped3A : memref<!tpu.dma_semaphore, #tpu.memory_space<semaphore_mem>>) src(%dma_wait3A_345 : memref<625x128xbf16, #tpu.memory_space<vmem_shared>>) dst(%dma_wait3A_343 : memref<625x128xbf16, #tpu.memory_space<hbm>>)
      tpu.yield
    }) : () -> ()
    return
  }
}

module attributes {stable_mosaic.version = 14 : i64} {
  func.func @_tc_linear_body(%arg0: i32, %arg1: memref<2000x128xbf16, #tpu.memory_space<vmem>>, %arg2: memref<2000x128xbf16, #tpu.memory_space<vmem>>, %arg3: memref<128x128xf32, #tpu.memory_space<vmem>>, %arg4: memref<1x128xf32, #tpu.memory_space<vmem>>, %arg5: memref<2000x128xf32, #tpu.memory_space<vmem>>) attributes {dimension_semantics = [#tpu.dimension_semantics<arbitrary>], iteration_bounds = array<i64: 5>, scalar_prefetch = 0 : i64, scratch_operands = 0 : i64, tpu.core_type = #tpu.core_type<tc>, window_params = [{transform_indices = @transform_0, window_bounds = array<i64: 2000, 128>}, {transform_indices = @transform_1, window_bounds = array<i64: 2000, 128>}, {pipeline_mode = #tpu.pipeline_mode<synchronous>, transform_indices = @transform_2, window_bounds = array<i64: 128, 128>}, {pipeline_mode = #tpu.pipeline_mode<synchronous>, transform_indices = @transform_3, window_bounds = array<i64: 1, 128>}, {transform_indices = @transform_4, window_bounds = array<i64: 2000, 128>}]} {
    %get3A = arith.constant 0 : index
    %get3A_0 = arith.constant 0 : index
    %get3A_1 = vector.load %arg1[%get3A, %get3A_0] : memref<2000x128xbf16, #tpu.memory_space<vmem>>, vector<2000x128xbf16>
    %convert_element_type3A = arith.extf %get3A_1 : vector<2000x128xbf16> to vector<2000x128xf32>
    %get3A_2 = arith.constant 0 : index
    %get3A_3 = arith.constant 0 : index
    %get3A_4 = vector.load %arg2[%get3A_2, %get3A_3] : memref<2000x128xbf16, #tpu.memory_space<vmem>>, vector<2000x128xbf16>
    %convert_element_type3A_5 = arith.extf %get3A_4 : vector<2000x128xbf16> to vector<2000x128xf32>
    %add3A = arith.addf %convert_element_type3A, %convert_element_type3A_5 : vector<2000x128xf32>
    %get3A_6 = arith.constant 0 : index
    %get3A_7 = arith.constant 0 : index
    %get3A_8 = vector.load %arg3[%get3A_6, %get3A_7] : memref<128x128xf32, #tpu.memory_space<vmem>>, vector<128x128xf32>
    %dot_general3A = arith.constant dense<0.000000e+00> : vector<2000x128xf32>
    %dot_general3A_9 = tpu.matmul %add3A, %get3A_8, %dot_general3A {dimension_numbers = #tpu.dot_dimension_numbers<[1], [1], [0], [0], [0, 0, 1, 0], [], []>, transpose_lhs_hint = false} : vector<2000x128xf32>, vector<128x128xf32>, vector<2000x128xf32> -> vector<2000x128xf32>
    %get3A_10 = arith.constant 0 : index
    %get3A_11 = arith.constant 0 : index
    %get3A_12 = vector.load %arg4[%get3A_10, %get3A_11] : memref<1x128xf32, #tpu.memory_space<vmem>>, vector<1x128xf32>
    %add3A_13 = vector.broadcast %get3A_12 : vector<1x128xf32> to vector<2000x128xf32>
    %add3A_14 = arith.addf %dot_general3A_9, %add3A_13 : vector<2000x128xf32>
    %swap3A = arith.constant 0 : index
    %swap3A_15 = arith.constant 0 : index
    %swap3A_16 = vector.load %arg5[%swap3A, %swap3A_15] : memref<2000x128xf32, #tpu.memory_space<vmem>>, vector<2000x128xf32>
    tpu.vector_store %arg5[%swap3A, %swap3A_15], %add3A_14 {strides = array<i32>} : memref<2000x128xf32, #tpu.memory_space<vmem>>, vector<2000x128xf32>,
    return
  }
  func.func @transform_0(%arg0: i32) -> (i32, i32) {
    %c0_i32 = arith.constant 0 : i32
    %c0_i32_0 = arith.constant 0 : i32
    return %arg0, %c0_i32 : i32, i32
  }
  func.func @transform_1(%arg0: i32) -> (i32, i32) {
    %c0_i32 = arith.constant 0 : i32
    %c0_i32_0 = arith.constant 0 : i32
    return %arg0, %c0_i32 : i32, i32
  }
  func.func @transform_2(%arg0: i32) -> (i32, i32) {
    %c0_i32 = arith.constant 0 : i32
    %c0_i32_0 = arith.constant 0 : i32
    %c0_i32_1 = arith.constant 0 : i32
    return %c0_i32, %c0_i32_0 : i32, i32
  }
  func.func @transform_3(%arg0: i32) -> (i32, i32) {
    %c0_i32 = arith.constant 0 : i32
    %c0_i32_0 = arith.constant 0 : i32
    %c0_i32_1 = arith.constant 0 : i32
    return %c0_i32, %c0_i32_0 : i32, i32
  }
  func.func @transform_4(%arg0: i32) -> (i32, i32) {
    %c0_i32 = arith.constant 0 : i32
    %c0_i32_0 = arith.constant 0 : i32
    return %arg0, %c0_i32 : i32, i32
  }
}

</mosaic_0001>

<sc_bundles>
// kernel: kernel.4.cloned.1.call-start
scs
__scs_entry_jumppad:
0x0: {  	(pc) =	sbr.rel $0x88, $3  }
0x1: {  	(tag) =	ssettag $0x0;
	lr =	simm.s32 $0x1  }
0x2: {  	[smem:$0x3F9D] =	sst lr;
	_ =	strace $0xD0000000  }
0x3: {  	_ = 	snop  }
0x4: {  	_ = 	snop  }
0x5: {  	_ = 	snop  }
0x6: {  	_ = 	snop  }
0x7: {  	_ = 	snop  }
__scs_overlays_trampoline_lowered:
0x8: {  	[smem:$0x3FAC] =	sst s0  }
0x9: {  	[smem:$0x3FAD] =	sst s1  }
0xa: {  	[smem:$0x3FAE] =	sst s2  }
0xb: {  	[smem:$0x3FAF] =	sst s3  }
0xc: {  	[smem:$0x3FB0] =	sst s4  }
0xd: {  	[smem:$0x3FB1] =	sst s5  }
0xe: {  	[smem:$0x3FB2] =	sst s6  }
0xf: {  	[smem:$0x3FB3] =	sst s7  }
0x10: {  	[smem:$0x3FB4] =	sst s8  }
0x11: {  	[smem:$0x3FB5] =	sst s9;
	s0 =	simm.s32 @!p0 $0x0  }
0x12: {  	s1 =	sld [smem:$0x3F9B];
	s0 =	simm.s32 @p0 $0x1  }
0x13: {  	[smem:$0x3FB6] =	sst s0;
	s0 =	simm.s32 @!p1 $0x0  }
0x14: {  	s2 =	sld [smem:$0x3F9A];
	s0 =	simm.s32 @p1 $0x1  }
0x15: {  	[smem:$0x3FB7] =	sst s0;
	s0 =	simm.s32 @!p2 $0x0  }
0x16: {  	s3 =	sld [smem:$0x3FDB];
	s0 =	simm.s32 @p2 $0x1  }
0x17: {  	s4 =	simm.s32 $0x1BF5;
	[smem:$0x3FB9] =	sst s0  }
0x18: {  	s0 =	sld [smem:$0x3F9C];
	_ =	swait.ge [sflag:s4], $0x0  }
0x19: {  	s7 =	sld [smem:$0x3F9D]  }
0x1a: {  	s8 =	sadd.s32 $0xFFFFE003, lr  }
0x1b: {  	s9 =	sadd.s32 $0xFFFFFEF7, lr;
	s5 =	simm.s32 $0xFFFFFFFF;
	p2 =	slt.u32 s8, $0xFFFFF086  }
0x1c: {  	p1 =	slt.u32 s9, $0xF7A;
	s5 =	simm.s32 @!p2 $0x0  }
0x1d: {  	s5 =	simm.s32 @p1 $0x1;
	p0 =	seq.s32 s7, s2  }
0x1e: {  	s7 =	smul.u32 @!p0 $0xF7A, s2;
	p2 =	seq.s32 @!p0 s5, $0x0  }
0x1f: {  	s9 =	smul.u32 $0xF7A, s1;
	s8 =	simm.s32 @!p0 $0x1BF5;
	p2 =	por !p2, p0  }
0x20: {  	[sflag:s8] =	ssyncset.s32 @!p0 $0xFFFFF086;
	s6 =	sadd.s32 @!p0 s3, s7;
	s7 =	simm.s32 @!p0 $0x108  }
0x21: {  	s3 =	sadd.s32 s3, s9;
	s6 =	sadd.s32 @!p0 $0x88, s6;
	s7 =	simm.s32 @p2 $0x1082  }
0x22: {  	[simem:s7], [sflag:s8] =	dma.local @!p0 [hbm:s6], $0xF7A  }
0x23: {  	s9 =	sor.u32 $0xD0000000, s2;
	s6 =	simm.s32 $0x108;
	_ =	swait.ge @!p0 [sflag:s8], $0x0  }
0x24: {  	s3 =	sadd.s32 $0x88, s3;
	s6 =	simm.s32 @!p1 $0x1082;
	[sflag:s4] =	ssyncset.s32 $0xFFFFF086  }
0x25: {  	[simem:s6], [sflag:s4] =	dma.local [hbm:s3], $0xF7A  }
0x26: {  	[smem:$0x3F9D] =	sst s1;
	(tag) =	ssettag s2;
	_ =	strace s9  }
0x27: {  	s1 =	sld [smem:$0x3FAD]  }
0x28: {  	s2 =	sld [smem:$0x3FAE]  }
0x29: {  	s4 =	sld [smem:$0x3FB0]  }
0x2a: {  	p0 =	seq.s32 s5, $0x0;
	s5 =	sld [smem:$0x3FB1]  }
0x2b: {  	s6 =	sld [smem:$0x3FB2]  }
0x2c: {  	s7 =	sld [smem:$0x3FB3]  }
0x2d: {  	s3 =	simm.s32 $0x108;
	s8 =	sld [smem:$0x3FB4]  }
0x2e: {  	s3 =	simm.s32 @!p0 $0x1082;
	s9 =	sld [smem:$0x3FB5]  }
0x2f: {  	lr =	sadd.s32 s0, s3;
	s0 =	sld [smem:$0x3FAC]  }
0x30: {  	s3 =	sld [smem:$0x3FAF]  }
0x31: {  	[smem:$0x3FB8] =	sst s10  }
0x32: {  	s10 =	sld [smem:$0x3FB6];
	_ =	sdelay $0x3  }
0x33: {  	p0 =	seq.s32 s10, $0x1;
	s10 =	sld [smem:$0x3FB8];
	_ =	sdelay $0x3  }
0x34: {  	[smem:$0x3FB8] =	sst s10  }
0x35: {  	s10 =	sld [smem:$0x3FB7];
	_ =	sdelay $0x3  }
0x36: {  	p1 =	seq.s32 s10, $0x1;
	s10 =	sld [smem:$0x3FB8];
	_ =	sdelay $0x3  }
0x37: {  	[smem:$0x3FB8] =	sst s10  }
0x38: {  	s10 =	sld [smem:$0x3FB9]  }
0x39: {  	_ = 	snop;
	(pc) =	sbr.ind lr, $3  }
0x3a: {  	_ = 	snop  }
0x3b: {  	_ = 	snop  }
0x3c: {  	p2 =	seq.s32 s10, $0x1;
	s10 =	sld [smem:$0x3FB8]  }
0x3d: {  	_ =	shalt  }
0x3e: {  	_ =	shalt  }
0x3f: {  	_ =	shalt  }
0x40: {  	_ =	shalt  }
0x41: {  	_ =	shalt  }
0x42: {  	_ =	shalt  }
0x43: {  	_ =	shalt  }
0x44: {  	_ =	shalt  }
0x45: {  	_ =	shalt  }
0x46: {  	_ =	shalt  }
0x47: {  	_ =	shalt  }
0x48: {  	_ =	shalt  }
0x49: {  	_ =	shalt  }
0x4a: {  	_ =	shalt  }
0x4b: {  	_ =	shalt  }
0x4c: {  	_ =	shalt  }
0x4d: {  	_ =	shalt  }
0x4e: {  	_ =	shalt  }
0x4f: {  	_ =	shalt  }
0x50: {  	_ =	shalt  }
0x51: {  	_ =	shalt  }
0x52: {  	_ =	shalt  }
0x53: {  	_ =	shalt  }
0x54: {  	_ =	shalt  }
0x55: {  	_ =	shalt  }
0x56: {  	_ =	shalt  }
0x57: {  	_ =	shalt  }
0x58: {  	_ =	shalt  }
0x59: {  	_ =	shalt  }
0x5a: {  	_ =	shalt  }
0x5b: {  	_ =	shalt  }
0x5c: {  	_ =	shalt  }
0x5d: {  	_ =	shalt  }
0x5e: {  	_ =	shalt  }
0x5f: {  	_ =	shalt  }
0x60: {  	_ =	shalt  }
0x61: {  	_ =	shalt  }
0x62: {  	_ =	shalt  }
0x63: {  	_ =	shalt  }
0x64: {  	_ =	shalt  }
0x65: {  	_ =	shalt  }
0x66: {  	_ =	shalt  }
0x67: {  	_ =	shalt  }
0x68: {  	_ =	shalt  }
0x69: {  	_ =	shalt  }
0x6a: {  	_ =	shalt  }
0x6b: {  	_ =	shalt  }
0x6c: {  	_ =	shalt  }
0x6d: {  	_ =	shalt  }
0x6e: {  	_ =	shalt  }
0x6f: {  	_ =	shalt  }
0x70: {  	_ =	shalt  }
0x71: {  	_ =	shalt  }
0x72: {  	_ =	shalt  }
0x73: {  	_ =	shalt  }
0x74: {  	_ =	shalt  }
0x75: {  	_ =	shalt  }
0x76: {  	_ =	shalt  }
0x77: {  	_ =	shalt  }
0x78: {  	_ =	shalt  }
0x79: {  	_ =	shalt  }
0x7a: {  	_ =	shalt  }
0x7b: {  	_ =	shalt  }
0x7c: {  	_ =	shalt  }
0x7d: {  	_ =	shalt  }
0x7e: {  	_ =	shalt  }
0x7f: {  	_ =	shalt  }
0x80: {  	_ =	shalt  }
0x81: {  	_ =	shalt  }
0x82: {  	_ =	shalt  }
0x83: {  	_ =	shalt  }
0x84: {  	_ =	shalt  }
0x85: {  	_ =	shalt  }
0x86: {  	_ =	shalt  }
0x87: {  	_ =	shalt  }
.Lfunc_end0:
.L_simem_size_0:
called_computation_lowered:
.L_overlay_start_0:
0x88: {  	s2 =	sld [smem:$0x3FD9]  }
0x89: {  	s3 =	sld [smem:$0x3FFE];
	_ =	sdelay $0x1  }
0x8a: {  	s1 =	srdreg.scid  }
0x8b: {  	s0 =	sand.u32 $0x1, s1  }
0x8c: {  	s17 =	sshll.u32 s0, $0xA;
	s2 =	sadd.s32 s3, s2  }
0x8d: {  	s2 =	sadd.s32 s2, s17  }
0x8e: {  	[smem:$0x3FC4] =	sst s2  }
0x8f: {  	_ = 	snop  }
0x90: {  	s2 =	sld [smem:$0x3FD0];
	(tm) =	ssettm $0x1  }
0x91: {  	s18 =	sld [smem:$0x3FFB];
	_ =	sdelay $0x3  }
0x92: {  	_ =	strace s18  }
0x93: {  	s3 =	sld [smem:$0x3FFC];
	_ =	sdelay $0x3  }
0x94: {  	_ =	strace s3  }
0x95: {  	s3 =	sld [smem:$0x3FFD];
	_ =	sdelay $0x3  }
0x96: {  	_ =	strace s3  }
0x97: {  	_ =	strace $0x8FFFFFFF  }
0x98: {  	s19 =	sld [smem:$0x3FDB];
	_ =	sdelay $0x1  }
0x99: {  	s4 =	simm.s32 $_scs_section_size  }
0x9a: {  	s5 =	simm.s32 $_size__tile_overlayer_lowered;
	s6 =	simm.s32 $_tile_overlayer_lowered  }
0x9b: {  	s22 =	simm.s32 $0x1BFF;
	s21 =	sshll.u32 s6, $0x1;
	s3 =	sadd.s32 s4, s19  }
0x9c: {  	s7 =	simm.s32 $0x0;
	s20 =	sshll.u32 s5, $0x1;
	s5 =	sadd.s32 s21, s3  }
0x9d: {  	[timem:s7], [sflag:s22] =	dma.local [hbm:s5], s20  }
0x9e: {  	_ =	swait.ge [sflag:s22], s20  }
0x9f: {  	s4 =	ssub.s32 $0x0, s20;
	[sflag:s22] =	ssyncset.done $0x0  }
0xa0: {  	[sflag:s22] =	ssyncadd.s32 s4;
	_ =	sdelay $0x1  }
0xa1: {  	s23 =	simm.s32 $0x1B8B  }
0xa2: {  	_ =	swait.ge [sflag:s23], $0x1  }
0xa3: {  	[sflag:s23] =	ssyncset.done $0x0  }
0xa4: {  	s25 =	simm.s32 $0x1B8E;
	s24 =	sld [smem:$0x3FFE];
	[sflag:s23] =	ssyncadd.s32 $0xFFFFFFFF  }
0xa5: {  	s26 =	simm.s32 $execute0_lowered;
	[smem:$0x3FD2] =	sst s25  }
0xa6: {  	s5 =	sshll.u32 s26, $0x1;
	_ =	strace $0x80000046;
	[dreg:$0x1] =	wrdreg $0xFFFFFFFF  }
0xa7: {  	s28 =	simm.s32 $_size_execute0_lowered;
	s3 =	sadd.s32 s3, s5;
	[dreg:$0x0] =	wrdreg $0x0  }
0xa8: {  	s5 =	sshll.u32 s28, $0x1;
	[dreg:$0x2] =	wrdreg s3  }
0xa9: {  	[dreg:$0x3] =	wrdreg s5  }
0xaa: {  	[dreg:$0x4] =	wrdreg $0xC0  }
0xab: {  	_ =	task [dreg:s7], $0x5FFFF  }
0xac: {  	[dreg:$0x1] =	wrdreg $0xFFFFFFFF  }
0xad: {  	[dreg:$0x0] =	wrdreg $0x60  }
0xae: {  	[dreg:$0x2] =	wrdreg s24  }
0xaf: {  	[dreg:$0x3] =	wrdreg s2  }
0xb0: {  	[dreg:$0x4] =	wrdreg $0xD2000  }
0xb1: {  	[dreg:$0x5] =	wrdreg $0x9  }
0xb2: {  	_ =	task.clear_ibuf [dreg:s7], $0x6FFFF;
	_ =	strace $0x90000046  }
0xb3: {  	s29 =	simm.s32 $0x9;
	_ =	strace $0x80000048  }
0xb4: {  	_ =	swait.ge [sflag:s29], $0x1  }
0xb5: {  	[sflag:s29] =	ssyncadd.s32 $0xFFFFFFFF  }
0xb6: {  	_ =	strace $0x90000048  }
0xb7: {  	_ =	sfence  }
0xb8: {  	s30 =	sld [smem:$0x0];
	_ =	sdelay $0x2  }
0xb9: {  	s31 =	sshll.u32 s1, $0xD;
	s1 =	sshrl.u32 s1, $0x2  }
0xba: {  	s3 =	sand.u32 $0x4000, s31;
	s1 =	sadd.s32 s1, s30  }
0xbb: {  	s0 =	sor.u32 s3, s0;
	s1 =	sshll.u32 s1, $0x11  }
0xbc: {  	s0 =	sor.u32 s1, s0  }
0xbd: {  	s0 =	sadd.s32 $0x8F2B, s0  }
0xbe: {  	[sflag:s0] =	ssyncadd.remote.s32 $0x1  }
0xbf: {  	_ =	sfence.sel $0xFFFF  }
0xc0: {  	[dreg:$0x0] =	wrdreg $0xFFFFFFFF;
	(pc) =	sbr.abs _section_cstart, $3  }
0xc1: {  	[dreg:$0x1] =	wrdreg $0xFFFFFFFF  }
0xc2: {  	_ =	task.clear_ibuf [dreg:s7], $0x2FFFF;
	_ =	strace $0x9FFFFFFF  }
0xc3: {  	(tm) =	ssettm $0x7FFFFFFF  }
tec
execute0_lowered:
.L_overlay_start_1:
0x0: {  	(tag) =	ssettag $0x1  }
0x1: {  	s0 =	rddreg [dreg:$0x0]  }
0x2: {  	s1 =	rddreg [dreg:$0x1];
	s3 =	srdreg.scid  }
0x3: {  	s11 =	stileid.u32;
	s2 =	rddreg [dreg:$0x2];
	s28 =	simm.s32 $0x7200  }
0x4: {  	s29 =	simm.s32 $0x5;
	s31 =	simm.s32 $0x3200;
	s13 =	simm.s32 $0x8  }
0x5: {  	s30 =	simm.s32 $0x5200;
	s5 =	sand.u32 $0x1, s3;
	s9 =	smul.u32 $0x27100, s11  }
0x6: {  	s4 =	sshll.u32 s11, $0x1;
	s3 =	simm.s32 $0x0;
	s14 =	smul.u32 $0x13880, s11  }
0x7: {  	s24 =	smul.u32 $0x9C0, s11;
	p0 =	sgt.u32 s11, $0x1;
	s11 =	simm.s32 $0x0  }
0x8: {  	s6 =	sor.u32 s5, s4;
	[smem:$0x7FF] =	sst s3;
	s20 =	smul.u32 $0x138800, s5  }
0x9: {  	s4 =	sadd.s32 $0xC00, s0;
	s8 =	ssub.s32 $0x2, s5;
	s5 =	smul.u32 $0x4E0, s5  }
0xa: {  	s0 =	sadd.s32 $0x14600, s0;
	s7 =	smul.u32 $0x2700, s6;
	_ =	strace $0x80000047  }
0xb: {  	s10 =	sshrl.u32 s8, $0x1;
	s9 =	sshrl.u32 s9, $0x2;
	s17 =	sshrl.u32 s14, $0x1  }
0xc: {  	s6 =	sshll.u32 s6, $0x4;
	s9 =	sadd.s32 s9, s2;
	s21 =	sadd.s32 s17, s2  }
0xd: {  	s8 =	ssub.s32 s8, s10;
	s18 =	sadd.s32 $0x1F40, s9;
	[dreg:$0x8] =	wrdreg s21  }
0xe: {  	s6 =	sadd.s32 s6, s0;
	s19 =	sadd.s32 $0x3E80, s9;
	[dreg:$0x9] =	wrdreg s18  }
0xf: {  	s10 =	simm.s32 $0x10;
	s22 =	sadd.s32 $0x5DC0, s9;
	[dreg:$0xa] =	wrdreg s19  }
0x10: {  	s17 =	simm.s32 $0x4;
	s9 =	sadd.s32 $0x7D00, s9;
	[dreg:$0xb] =	wrdreg s22  }
0x11: {  	s7 =	sshrl.u32 s7, $0x3;
	s23 =	sadd.s32 $0x9C00, s6;
	[dreg:$0xc] =	wrdreg s9  }
0x12: {  	s6 =	sadd.s32 $0x13840, s6;
	s26 =	smax.u32 s8, $0x1;
	[dreg:$0xd] =	wrdreg s23  }
0x13: {  	s12 =	sadd.s32 s0, s7;
	s7 =	sadd.s32 s14, s20;
	[dreg:$0xe] =	wrdreg s6  }
0x14: {  	[dreg:$0x10] =	wrdreg s26;
	s0 =	sadd.s32 s24, s0;
	s20 =	simm.s32 $0x300  }
0x15: {  	s24 =	simm.s32 $0x600;
	s9 =	simm.s32 $0x900;
	s6 =	simm.s32 $0x7  }
0x16: {  	s23 =	simm.s32 $0xC;
	s26 =	simm.s32 $0x6;
	s19 =	simm.s32 $0xF  }
0x17: {  	s15 =	sadd.s32 $0x9C40, s12;
	s16 =	sadd.s32 $0x60, s12;
	[dreg:$0x4] =	wrdreg s12  }
0x18: {  	s12 =	sadd.s32 $0x9CA0, s12;
	s25 =	sshrl.u32 s7, $0x4;
	[dreg:$0x5] =	wrdreg s15  }
.Ltmp0:
0x19: {  	s0 =	sadd.s32 s5, s0;
	[dreg:$0x6] =	wrdreg s16;
	(pc) =	sbr.rel .LBB2_1-.Ltmp0, $4  }
0x1a: {  	s5 =	simm.s32 $0x9;
	s7 =	simm.s32 $0xE;
	[dreg:$0x7] =	wrdreg s12  }
0x1b: {  	s1 =	sadd.s32 s1, s25;
	[dreg:$0x11] =	wrdreg s0;
	s25 =	simm.s32 $0x80  }
0x1c: {  	s0 =	simm.s32 $0xB200;
	s12 =	simm.s32 $0xA;
	s15 =	simm.s32 $0x9200  }
0x1d: {  	v0 =	vimm.bf16 $0.0e+00;
	s16 =	simm.s32 $0xB;
	[dreg:$0xf] =	wrdreg s1;
	s1 =	simm.s32 $0xD  }
.LBB2_6:
0x1e: {  	s8 =	simm.s32 $0x1  }
0x1f: {  	_ =	swait.ge [sflag:s8], $0x600  }
0x20: {  	[sflag:s8] =	ssyncset.done $0x0  }
0x21: {  	[sflag:s8] =	ssyncadd.s32 $0xFFFFFA00  }
0x22: {  	_ =	swait.ge [sflag:s12], $0x2000  }
0x23: {  	[sflag:s12] =	ssyncset.done $0x0  }
0x24: {  	s11 =	simm.s32 $0x1200;
	[sflag:s12] =	ssyncadd.s32 $0xFFFFE000  }
0x25: {  	[tilespmem:s11], [sflag:$0x4] =	stream.indirect.gather [hbm4b:s4+s25], $0x40, s3, s25, $0xb8;
	[tilespmem:$0x16E40] =	vst v63  }
0x26: {  	_ =	swait.ge [sflag:s13], $0x2000  }
0x27: {  	[sflag:s13] =	ssyncset.done $0x0  }
0x28: {  	s10 =	simm.s32 $0x1100;
	[sflag:s13] =	ssyncadd.s32 $0xFFFFE000  }
0x29: {  	[spmem:s2] =	stream.indirect.scatter.add.bf16 [tilespmem:s15], [sflag:$0xE], $0x40, s10, s25, $0xb8;
	[tilespmem:$0x16E40] =	vst v63  }
0x2a: {  	_ =	swait.ge [sflag:s16], $0x2000  }
0x2b: {  	[sflag:s16] =	ssyncset.done $0x0  }
0x2c: {  	[sflag:s16] =	ssyncadd.s32 $0xFFFFE000  }
0x2d: {  	[tilespmem:s31], [sflag:$0x5] =	stream.indirect.gather [hbm4b:s4+s25], $0x40, s25, s25, $0xb8;
	[tilespmem:$0x16E40] =	vst v63  }
0x2e: {  	_ =	swait.ge [sflag:s5], $0x2000  }
0x2f: {  	[sflag:s5] =	ssyncset.done $0x0  }
0x30: {  	s14 =	simm.s32 $0x1180;
	[sflag:s5] =	ssyncadd.s32 $0xFFFFE000  }
0x31: {  	[spmem:s2] =	stream.indirect.scatter.add.bf16 [tilespmem:s0], [sflag:$0xF], $0x40, s14, s25, $0xb8;
	[tilespmem:$0x16E40] =	vst v63  }
0x32: {  	_ =	swait.ge [sflag:s23], $0x2000  }
0x33: {  	[sflag:s23] =	ssyncset.done $0x0  }
0x34: {  	s18 =	simm.s32 $0x100;
	[sflag:s23] =	ssyncadd.s32 $0xFFFFE000  }
0x35: {  	[tilespmem:s30], [sflag:$0x6] =	stream.indirect.gather [hbm4b:s4+s25], $0x40, s18, s25, $0xb8;
	[tilespmem:$0x16E40] =	vst v63  }
0x36: {  	_ =	swait.ge [sflag:s17], $0x2000  }
0x37: {  	[sflag:s17] =	ssyncset.done $0x0  }
0x38: {  	[sflag:s17] =	ssyncadd.s32 $0xFFFFE000  }
0x39: {  	[spmem:s2] =	stream.indirect.scatter.add.bf16 [tilespmem:s11], [sflag:$0xA], $0x40, s20, s25, $0xb8;
	[tilespmem:$0x16E40] =	vst v63  }
0x3a: {  	_ =	swait.ge [sflag:s1], $0x2000  }
0x3b: {  	[sflag:s1] =	ssyncset.done $0x0  }
0x3c: {  	s21 =	simm.s32 $0x180;
	[sflag:s1] =	ssyncadd.s32 $0xFFFFE000  }
0x3d: {  	[tilespmem:s28], [sflag:$0x7] =	stream.indirect.gather [hbm4b:s4+s25], $0x40, s21, s25, $0xb8;
	[tilespmem:$0x16E40] =	vst v63  }
0x3e: {  	_ =	swait.ge [sflag:s29], $0x2000  }
0x3f: {  	[sflag:s29] =	ssyncset.done $0x0  }
0x40: {  	s22 =	simm.s32 $0x380;
	[sflag:s29] =	ssyncadd.s32 $0xFFFFE000  }
0x41: {  	[spmem:s2] =	stream.indirect.scatter.add.bf16 [tilespmem:s31], [sflag:$0xB], $0x40, s22, s25, $0xb8;
	[tilespmem:$0x16E40] =	vst v63  }
0x42: {  	_ =	swait.ge [sflag:s7], $0x2000  }
0x43: {  	[sflag:s7] =	ssyncset.done $0x0  }
0x44: {  	s10 =	simm.s32 $0x200;
	[sflag:s7] =	ssyncadd.s32 $0xFFFFE000  }
0x45: {  	[tilespmem:s15], [sflag:$0x8] =	stream.indirect.gather [hbm4b:s4+s25], $0x40, s10, s25, $0xb8;
	[tilespmem:$0x16E40] =	vst v63  }
0x46: {  	_ =	swait.ge [sflag:s26], $0x2000  }
0x47: {  	[sflag:s26] =	ssyncset.done $0x0  }
0x48: {  	s11 =	simm.s32 $0x400;
	[sflag:s26] =	ssyncadd.s32 $0xFFFFE000  }
0x49: {  	[spmem:s2] =	stream.indirect.scatter.add.bf16 [tilespmem:s30], [sflag:$0xC], $0x40, s11, s25, $0xb8;
	[tilespmem:$0x16E40] =	vst v63  }
0x4a: {  	_ =	swait.ge [sflag:s19], $0x2000  }
0x4b: {  	[sflag:s19] =	ssyncset.done $0x0  }
0x4c: {  	s14 =	simm.s32 $0x280;
	[sflag:s19] =	ssyncadd.s32 $0xFFFFE000  }
0x4d: {  	[tilespmem:s0], [sflag:$0x9] =	stream.indirect.gather [hbm4b:s4+s25], $0x40, s14, s25, $0xb8;
	[tilespmem:$0x16E40] =	vst v63  }
0x4e: {  	_ =	swait.ge [sflag:s6], $0x2000  }
0x4f: {  	[sflag:s6] =	ssyncset.done $0x0  }
0x50: {  	s18 =	simm.s32 $0x480;
	[sflag:s6] =	ssyncadd.s32 $0xFFFFE000  }
0x51: {  	[spmem:s2] =	stream.indirect.scatter.add.bf16 [tilespmem:s28], [sflag:$0xD], $0x40, s18, s25, $0xb8;
	[tilespmem:$0x16E40] =	vst v63  }
0x52: {  	_ =	swait.ge [sflag:s13], $0x2000  }
0x53: {  	[sflag:s13] =	ssyncset.done $0x0  }
0x54: {  	s21 =	simm.s32 $0x500;
	[sflag:s13] =	ssyncadd.s32 $0xFFFFE000  }
0x55: {  	[spmem:s2] =	stream.indirect.scatter.add.bf16 [tilespmem:s15], [sflag:$0xE], $0x40, s21, s25, $0xb8;
	[tilespmem:$0x16E40] =	vst v63  }
0x56: {  	_ =	swait.ge [sflag:s5], $0x2000  }
0x57: {  	[sflag:s5] =	ssyncset.done $0x0  }
0x58: {  	s22 =	simm.s32 $0x580;
	[sflag:s5] =	ssyncadd.s32 $0xFFFFE000  }
0x59: {  	[spmem:s2] =	stream.indirect.scatter.add.bf16 [tilespmem:s0], [sflag:$0xF], $0x40, s22, s25, $0xb8;
	[tilespmem:$0x16E40] =	vst v63  }
0x5a: {  	_ =	swait.ge [sflag:s12], $0x2000  }
0x5b: {  	[sflag:s12] =	ssyncset.done $0x0  }
0x5c: {  	[sflag:s12] =	ssyncadd.s32 $0xFFFFE000  }
0x5d: {  	_ =	swait.ge [sflag:s16], $0x2000  }
0x5e: {  	[sflag:s16] =	ssyncset.done $0x0  }
0x5f: {  	[sflag:s16] =	ssyncadd.s32 $0xFFFFE000  }
0x60: {  	_ =	swait.ge [sflag:s23], $0x2000  }
0x61: {  	[sflag:s23] =	ssyncset.done $0x0  }
0x62: {  	[sflag:s23] =	ssyncadd.s32 $0xFFFFE000  }
0x63: {  	_ =	swait.ge [sflag:s1], $0x2000  }
0x64: {  	[sflag:s1] =	ssyncset.done $0x0  }
0x65: {  	[sflag:s1] =	ssyncadd.s32 $0xFFFFE000  }
0x66: {  	_ =	swait.ge [sflag:s7], $0x2000  }
0x67: {  	[sflag:s7] =	ssyncset.done $0x0  }
0x68: {  	[sflag:s7] =	ssyncadd.s32 $0xFFFFE000  }
0x69: {  	_ =	swait.ge [sflag:s19], $0x2000  }
0x6a: {  	[sflag:s19] =	ssyncset.done $0x0  }
0x6b: {  	s8 =	simm.s32 @!p0 $0x0;
	s10 =	rddreg [dreg:$0xd];
	[sflag:s19] =	ssyncadd.s32 $0xFFFFE000  }
0x6c: {  	[tilespmem:s8], [sflag:$0x10] =	stream.linear.gather @!p0 [hbm4b:s10+s8], $0x80, $0x38;
	[tilespmem:$0x16E40] =	vst v63  }
0x6d: {  	s10 =	simm.s32 @!p0 $0x10  }
0x6e: {  	_ =	swait.ge @!p0 [sflag:s10], $0x80  }
0x6f: {  	[sflag:s10] =	ssyncset.done @!p0 $0x0  }
0x70: {  	s11 =	simm.s32 @!p0 $0x80;
	s14 =	rddreg [dreg:$0xe];
	[sflag:s10] =	ssyncadd.s32 @!p0 $0xFFFFFF80  }
0x71: {  	[tilespmem:s11], [sflag:$0x10] =	stream.linear.gather @!p0 [hbm4b:s14+s8], $0x80, $0x38;
	[tilespmem:$0x16E40] =	vst v63  }
0x72: {  	_ =	swait.ge @!p0 [sflag:s10], $0x80  }
0x73: {  	[sflag:s10] =	ssyncset.done @!p0 $0x0  }
0x74: {  	s14 =	simm.s32 @!p0 $0x1200;
	[sflag:s10] =	ssyncadd.s32 @!p0 $0xFFFFFF80  }
0x75: {  	[tilespmem:s14], [sflag:$0x4] =	stream.indirect.gather @!p0 [hbm4b:s4+s11], $0x40, s8, s11, $0xb8;
	[tilespmem:$0x16E40] =	vst v63  }
0x76: {  	s8 =	simm.s32 @!p0 $0x4  }
0x77: {  	_ =	swait.ge @!p0 [sflag:s8], $0x2000  }
0x78: {  	[sflag:s8] =	ssyncset.done @!p0 $0x0  }
0x79: {  	[sflag:s8] =	ssyncadd.s32 @!p0 $0xFFFFE000  }
0x7a: {  	[spmem:s2] =	stream.indirect.scatter.add.bf16 @!p0 [tilespmem:s14], [sflag:$0x10], $0x40, s11, s11, $0xb8;
	[tilespmem:$0x16E40] =	vst v63  }
0x7b: {  	_ =	swait.ge @!p0 [sflag:s10], $0x2000  }
0x7c: {  	[sflag:s10] =	ssyncset.done @!p0 $0x0  }
0x7d: {  	[sflag:s10] =	ssyncadd.s32 @!p0 $0xFFFFE000  }
0x7e: {  	s10 =	stileid.u32;
	[bflag:$0x0] =	sbarrier.arrive $0xFFFF  }
0x7f: {  	s8 =	sshll.u32 s10, $0x6;
	s10 =	simm.s32 $0x10;
	s21 =	rddreg [dreg:$0x8]  }
0x80: {  	s8 =	sor.u32 $0x1C10, s8;
	s14 =	rddreg [dreg:$0xf];
	s11 =	sshrl.u32 s21, $0x3  }
0x81: {  	[hbm:s14], [sflag:s8] =	dma.local [spmem:s11], $0x1388  }
0x82: {  	_ =	swait.ge [sflag:s10], $0x1388  }
0x83: {  	s18 =	rddreg [dreg:$0x12]  }
0x84: {  	s22 =	rddreg [dreg:$0x10];
	s11 =	sadd.s32 $0x1, s18  }
0x85: {  	p1 =	sne.s32 s11, s22  }
.Ltmp1:
0x86: {  	_ = 	snop;
	(pc) =	sbr.rel @!p1 .LBB2_7-.Ltmp1, $3  }
0x87: {  	_ =	sdelay $0x1  }
0x88: {  	[sflag:s10] =	ssyncset.done $0x0  }
0x89: {  	[sflag:s10] =	ssyncadd.s32 $0xFFFFEC78  }
.LBB2_1:
0x8a: {  	[dreg:$0x12] =	wrdreg s11  }
0x8b: {  	s8 =	rddreg [dreg:$0x4]  }
0x8c: {  	[tilespmem:s3], [sflag:$0x1] =	stream.linear.gather [hbm4b:s8+s3], $0x300, $0x38;
	[tilespmem:$0x16E40] =	vst v63  }
0x8d: {  	s18 =	rddreg [dreg:$0x5]  }
0x8e: {  	[tilespmem:s20], [sflag:$0x1] =	stream.linear.gather [hbm4b:s18+s3], $0x300, $0x38;
	[tilespmem:$0x16E40] =	vst v63  }
0x8f: {  	s22 =	rddreg [dreg:$0x6]  }
0x90: {  	[tilespmem:s24], [sflag:$0x2] =	stream.linear.gather [hbm4b:s22+s3], $0x300, $0x38;
	[tilespmem:$0x16E40] =	vst v63  }
0x91: {  	s14 =	simm.s32 $0x0;
	s18 =	simm.s32 $0x100;
	s24 =	rddreg [dreg:$0x7]  }
0x92: {  	[tilespmem:s9], [sflag:$0x2] =	stream.linear.gather [hbm4b:s24+s3], $0x300, $0x38;
	[tilespmem:$0x16E40] =	vst v63  }
.LBB2_2:
0x93: {  	p1 =	sne.s32 s18, $0x7F00;
	[tilespmem:s14+$0x1230] =	vst v0;
	s20 =	smov.u32 s18;
	s18 =	sadd.s32 $0x100, s18  }
.Ltmp2:
0x94: {  	[tilespmem:s14+$0x1220] =	vst v0;
	(pc) =	sbr.rel @p1 .LBB2_2-.Ltmp2, $3  }
0x95: {  	[tilespmem:s14+$0x1200] =	vst v0  }
0x96: {  	[tilespmem:s14+$0x1210] =	vst v0;
	_ =	sdelay $0x1  }
0x97: {  	s14 =	sshra.s32 s20, $0x2  }
0x98: {  	[tilespmem:s14+$0x1230] =	vst v0  }
0x99: {  	[tilespmem:s14+$0x1220] =	vst v0  }
0x9a: {  	[tilespmem:s14+$0x1200] =	vst v0  }
0x9b: {  	[tilespmem:s14+$0x1210] =	vst v0;
	s9 =	simm.s32 $0x1200  }
0x9c: {  	[spmem:s21] =	stream.linear.scatter [tilespmem:s9], [sflag:$0x10], $0x1F40, $0x38;
	[tilespmem:$0x16E40] =	vst v63  }
0x9d: {  	_ =	swait.ge [sflag:s10], $0x1F40  }
0x9e: {  	[sflag:s10] =	ssyncset.done $0x0  }
0x9f: {  	s8 =	rddreg [dreg:$0x9];
	[sflag:s10] =	ssyncadd.s32 $0xFFFFE0C0  }
0xa0: {  	[spmem:s8] =	stream.linear.scatter [tilespmem:s9], [sflag:$0x10], $0x1F40, $0x38;
	[tilespmem:$0x16E40] =	vst v63  }
0xa1: {  	_ =	swait.ge [sflag:s10], $0x1F40  }
0xa2: {  	[sflag:s10] =	ssyncset.done $0x0  }
0xa3: {  	s21 =	rddreg [dreg:$0xa];
	[sflag:s10] =	ssyncadd.s32 $0xFFFFE0C0  }
0xa4: {  	[spmem:s21] =	stream.linear.scatter [tilespmem:s9], [sflag:$0x10], $0x1F40, $0x38;
	[tilespmem:$0x16E40] =	vst v63  }
0xa5: {  	_ =	swait.ge [sflag:s10], $0x1F40  }
0xa6: {  	[sflag:s10] =	ssyncset.done $0x0  }
0xa7: {  	s22 =	rddreg [dreg:$0xb];
	[sflag:s10] =	ssyncadd.s32 $0xFFFFE0C0  }
0xa8: {  	[spmem:s22] =	stream.linear.scatter [tilespmem:s9], [sflag:$0x10], $0x1F40, $0x38;
	[tilespmem:$0x16E40] =	vst v63  }
0xa9: {  	_ =	swait.ge [sflag:s10], $0x1F40  }
0xaa: {  	[sflag:s10] =	ssyncset.done $0x0  }
0xab: {  	s24 =	rddreg [dreg:$0xc];
	[sflag:s10] =	ssyncadd.s32 $0xFFFFE0C0  }
0xac: {  	[spmem:s24] =	stream.linear.scatter [tilespmem:s9], [sflag:$0x10], $0x1F40, $0x38;
	[tilespmem:$0x16E40] =	vst v63  }
0xad: {  	_ =	swait.ge [sflag:s10], $0x1F40  }
0xae: {  	[sflag:s10] =	ssyncset.done $0x0  }
0xaf: {  	s14 =	simm.s32 $0x0;
	[sflag:s10] =	ssyncadd.s32 $0xFFFFE0C0  }
0xb0: {  	s22 =	simm.s32 $0x900;
	s9 =	simm.s32 $0x600;
	[bflag:$0x0] =	sbarrier.arrive $0xFFFF  }
.LBB2_4:
0xb1: {  	s8 =	simm.s32 $0x1  }
0xb2: {  	p1 =	seq.s32 s14, $0x0;
	_ =	swait.ge [sflag:s8], $0x600  }
0xb3: {  	s18 =	simm.s32 @p1 $0x80;
	[sflag:s8] =	ssyncset.done $0x0  }
0xb4: {  	s20 =	simm.s32 @p1 $0x0;
	[sflag:s8] =	ssyncadd.s32 $0xFFFFFA00;
	s8 =	simm.s32 @p1 $0x1200  }
0xb5: {  	[tilespmem:s8], [sflag:$0x4] =	stream.indirect.gather @p1 [hbm4b:s4+s18], $0x40, s20, s18, $0xb8;
	[tilespmem:$0x16E40] =	vst v63  }
0xb6: {  	s20 =	simm.s32 @p1 $0x3200  }
0xb7: {  	[tilespmem:s20], [sflag:$0x5] =	stream.indirect.gather @p1 [hbm4b:s4+s18], $0x40, s18, s18, $0xb8;
	[tilespmem:$0x16E40] =	vst v63  }
0xb8: {  	s21 =	simm.s32 @p1 $0x5200;
	s20 =	simm.s32 @p1 $0x100  }
0xb9: {  	[tilespmem:s21], [sflag:$0x6] =	stream.indirect.gather @p1 [hbm4b:s4+s18], $0x40, s20, s18, $0xb8;
	[tilespmem:$0x16E40] =	vst v63  }
0xba: {  	s20 =	simm.s32 @p1 $0x4  }
0xbb: {  	_ =	swait.ge @p1 [sflag:s20], $0x2000  }
0xbc: {  	[sflag:s20] =	ssyncset.done @p1 $0x0  }
0xbd: {  	[sflag:s20] =	ssyncadd.s32 @p1 $0xFFFFE000;
	s20 =	simm.s32 @p1 $0x300  }
0xbe: {  	[spmem:s2] =	stream.indirect.scatter.add.bf16 @p1 [tilespmem:s8], [sflag:$0xA], $0x40, s20, s18, $0xb8;
	[tilespmem:$0x16E40] =	vst v63  }
0xbf: {  	s8 =	simm.s32 @!p1 $0xA  }
0xc0: {  	_ =	swait.ge @!p1 [sflag:s8], $0x2000  }
0xc1: {  	s10 =	simm.s32 @!p1 $0x1200;
	[sflag:s8] =	ssyncset.done @!p1 $0x0  }
0xc2: {  	s20 =	simm.s32 @!p1 $0x80;
	[sflag:s8] =	ssyncadd.s32 @!p1 $0xFFFFE000;
	s8 =	simm.s32 @!p1 $0x0  }
0xc3: {  	[tilespmem:s10], [sflag:$0x4] =	stream.indirect.gather @!p1 [hbm4b:s4+s20], $0x40, s8, s20, $0xb8;
	[tilespmem:$0x16E40] =	vst v63  }
0xc4: {  	s8 =	simm.s32 @!p1 $0x8  }
0xc5: {  	_ =	swait.ge @!p1 [sflag:s8], $0x2000  }
0xc6: {  	[sflag:s8] =	ssyncset.done @!p1 $0x0  }
0xc7: {  	s11 =	simm.s32 @!p1 $0x9200;
	[sflag:s8] =	ssyncadd.s32 @!p1 $0xFFFFE000;
	s8 =	simm.s32 @!p1 $0x1100  }
0xc8: {  	[spmem:s2] =	stream.indirect.scatter.add.bf16 @!p1 [tilespmem:s11], [sflag:$0xE], $0x40, s8, s20, $0xb8;
	[tilespmem:$0x16E40] =	vst v63  }
0xc9: {  	s8 =	simm.s32 @!p1 $0xB  }
0xca: {  	_ =	swait.ge @!p1 [sflag:s8], $0x2000  }
0xcb: {  	[sflag:s8] =	ssyncset.done @!p1 $0x0  }
0xcc: {  	[sflag:s8] =	ssyncadd.s32 @!p1 $0xFFFFE000;
	s8 =	simm.s32 @!p1 $0x3200  }
0xcd: {  	[tilespmem:s8], [sflag:$0x5] =	stream.indirect.gather @!p1 [hbm4b:s4+s20], $0x40, s20, s20, $0xb8;
	[tilespmem:$0x16E40] =	vst v63  }
0xce: {  	s8 =	simm.s32 @!p1 $0x9  }
0xcf: {  	_ =	swait.ge @!p1 [sflag:s8], $0x2000  }
0xd0: {  	[sflag:s8] =	ssyncset.done @!p1 $0x0  }
0xd1: {  	s24 =	simm.s32 @!p1 $0xB200;
	[sflag:s8] =	ssyncadd.s32 @!p1 $0xFFFFE000;
	s8 =	simm.s32 @!p1 $0x1180  }
0xd2: {  	[spmem:s2] =	stream.indirect.scatter.add.bf16 @!p1 [tilespmem:s24], [sflag:$0xF], $0x40, s8, s20, $0xb8;
	[tilespmem:$0x16E40] =	vst v63  }
0xd3: {  	s8 =	simm.s32 @!p1 $0xC  }
0xd4: {  	_ =	swait.ge @!p1 [sflag:s8], $0x2000  }
0xd5: {  	[sflag:s8] =	ssyncset.done @!p1 $0x0  }
0xd6: {  	s24 =	simm.s32 @!p1 $0x5200;
	[sflag:s8] =	ssyncadd.s32 @!p1 $0xFFFFE000;
	s8 =	simm.s32 @!p1 $0x100  }
0xd7: {  	[tilespmem:s24], [sflag:$0x6] =	stream.indirect.gather @!p1 [hbm4b:s4+s20], $0x40, s8, s20, $0xb8;
	[tilespmem:$0x16E40] =	vst v63  }
0xd8: {  	s8 =	simm.s32 @!p1 $0x4  }
0xd9: {  	_ =	swait.ge @!p1 [sflag:s8], $0x2000  }
0xda: {  	[sflag:s8] =	ssyncset.done @!p1 $0x0  }
0xdb: {  	[sflag:s8] =	ssyncadd.s32 @!p1 $0xFFFFE000;
	s8 =	simm.s32 @!p1 $0x300  }
0xdc: {  	[spmem:s2] =	stream.indirect.scatter.add.bf16 @!p1 [tilespmem:s10], [sflag:$0xA], $0x40, s8, s20, $0xb8;
	[tilespmem:$0x16E40] =	vst v63  }
0xdd: {  	s8 =	simm.s32 @!p1 $0xD  }
0xde: {  	_ =	swait.ge @!p1 [sflag:s8], $0x2000  }
0xdf: {  	[sflag:s8] =	ssyncset.done @!p1 $0x0  }
0xe0: {  	s10 =	simm.s32 $0x180;
	[sflag:s8] =	ssyncadd.s32 @!p1 $0xFFFFE000  }
0xe1: {  	[tilespmem:s28], [sflag:$0x7] =	stream.indirect.gather [hbm4b:s4+s25], $0x40, s10, s25, $0xb8;
	[tilespmem:$0x16E40] =	vst v63  }
0xe2: {  	_ =	swait.ge [sflag:s29], $0x2000  }
0xe3: {  	[sflag:s29] =	ssyncset.done $0x0  }
0xe4: {  	s10 =	simm.s32 $0x380;
	[sflag:s29] =	ssyncadd.s32 $0xFFFFE000  }
0xe5: {  	[spmem:s2] =	stream.indirect.scatter.add.bf16 [tilespmem:s31], [sflag:$0xB], $0x40, s10, s25, $0xb8;
	[tilespmem:$0x16E40] =	vst v63  }
0xe6: {  	s8 =	simm.s32 @p1 $0x200;
	s10 =	simm.s32 @p1 $0x9200  }
0xe7: {  	[tilespmem:s10], [sflag:$0x8] =	stream.indirect.gather @p1 [hbm4b:s4+s18], $0x40, s8, s18, $0xb8;
	[tilespmem:$0x16E40] =	vst v63  }
0xe8: {  	s8 =	simm.s32 @p1 $0x6  }
0xe9: {  	_ =	swait.ge @p1 [sflag:s8], $0x2000  }
0xea: {  	[sflag:s8] =	ssyncset.done @p1 $0x0  }
0xeb: {  	[sflag:s8] =	ssyncadd.s32 @p1 $0xFFFFE000;
	s8 =	simm.s32 @p1 $0x400  }
0xec: {  	[spmem:s2] =	stream.indirect.scatter.add.bf16 @p1 [tilespmem:s21], [sflag:$0xC], $0x40, s8, s18, $0xb8;
	[tilespmem:$0x16E40] =	vst v63  }
0xed: {  	s8 =	simm.s32 @!p1 $0xE  }
0xee: {  	_ =	swait.ge @!p1 [sflag:s8], $0x2000  }
0xef: {  	[sflag:s8] =	ssyncset.done @!p1 $0x0  }
0xf0: {  	[sflag:s8] =	ssyncadd.s32 @!p1 $0xFFFFE000;
	s8 =	simm.s32 @!p1 $0x200  }
0xf1: {  	[tilespmem:s11], [sflag:$0x8] =	stream.indirect.gather @!p1 [hbm4b:s4+s20], $0x40, s8, s20, $0xb8;
	[tilespmem:$0x16E40] =	vst v63  }
0xf2: {  	s8 =	simm.s32 @!p1 $0x6  }
0xf3: {  	_ =	swait.ge @!p1 [sflag:s8], $0x2000  }
0xf4: {  	[sflag:s8] =	ssyncset.done @!p1 $0x0  }
0xf5: {  	[sflag:s8] =	ssyncadd.s32 @!p1 $0xFFFFE000;
	s8 =	simm.s32 @!p1 $0x400  }
0xf6: {  	[spmem:s2] =	stream.indirect.scatter.add.bf16 @!p1 [tilespmem:s24], [sflag:$0xC], $0x40, s8, s20, $0xb8;
	[tilespmem:$0x16E40] =	vst v63  }
0xf7: {  	s8 =	simm.s32 @!p1 $0xF  }
0xf8: {  	_ =	swait.ge @!p1 [sflag:s8], $0x2000  }
0xf9: {  	[sflag:s8] =	ssyncset.done @!p1 $0x0  }
0xfa: {  	s18 =	simm.s32 $0x280;
	[sflag:s8] =	ssyncadd.s32 @!p1 $0xFFFFE000  }
0xfb: {  	[tilespmem:s0], [sflag:$0x9] =	stream.indirect.gather [hbm4b:s4+s25], $0x40, s18, s25, $0xb8;
	[tilespmem:$0x16E40] =	vst v63  }
0xfc: {  	_ =	swait.ge [sflag:s6], $0x2000  }
0xfd: {  	[sflag:s6] =	ssyncset.done $0x0;
	s21 =	rddreg [dreg:$0x11]  }
0xfe: {  	s20 =	simm.s32 $0x480;
	[sflag:s6] =	ssyncadd.s32 $0xFFFFE000;
	s18 =	sadd.s32 s14, s21  }
0xff: {  	[spmem:s2] =	stream.indirect.scatter.add.bf16 [tilespmem:s28], [sflag:$0xD], $0x40, s20, s25, $0xb8;
	[tilespmem:$0x16E40] =	vst v63  }
0x100: {  	s11 =	simm.s32 $0xC00;
	s8 =	sadd.s32 $0xC0, s18  }
0x101: {  	[tilespmem:s11], [sflag:$0x3] =	stream.linear.gather [hbm4b:s8+s3], $0x300, $0x38;
	[tilespmem:$0x16E40] =	vst v63  }
0x102: {  	s10 =	simm.s32 $0x2;
	s21 =	simm.s32 $0xF00;
	s24 =	sadd.s32 $0x9D00, s18  }
0x103: {  	[tilespmem:s21], [sflag:$0x3] =	stream.linear.gather [hbm4b:s24+s3], $0x300, $0x38;
	[tilespmem:$0x16E40] =	vst v63  }
0x104: {  	_ =	swait.ge [sflag:s10], $0x600  }
0x105: {  	[sflag:s10] =	ssyncset.done $0x0  }
0x106: {  	[sflag:s10] =	ssyncadd.s32 $0xFFFFFA00  }
0x107: {  	_ =	swait.ge [sflag:s12], $0x2000  }
0x108: {  	[sflag:s12] =	ssyncset.done $0x0  }
0x109: {  	s10 =	simm.s32 $0x1200;
	[sflag:s12] =	ssyncadd.s32 $0xFFFFE000  }
0x10a: {  	[tilespmem:s10], [sflag:$0x4] =	stream.indirect.gather [hbm4b:s4+s25], $0x40, s9, s25, $0xb8;
	[tilespmem:$0x16E40] =	vst v63  }
0x10b: {  	_ =	swait.ge [sflag:s13], $0x2000  }
0x10c: {  	[sflag:s13] =	ssyncset.done $0x0  }
0x10d: {  	s20 =	simm.s32 $0x500;
	[sflag:s13] =	ssyncadd.s32 $0xFFFFE000  }
0x10e: {  	[spmem:s2] =	stream.indirect.scatter.add.bf16 [tilespmem:s15], [sflag:$0xE], $0x40, s20, s25, $0xb8;
	[tilespmem:$0x16E40] =	vst v63  }
0x10f: {  	_ =	swait.ge [sflag:s16], $0x2000  }
0x110: {  	[sflag:s16] =	ssyncset.done $0x0  }
0x111: {  	s24 =	simm.s32 $0x680;
	[sflag:s16] =	ssyncadd.s32 $0xFFFFE000  }
0x112: {  	[tilespmem:s31], [sflag:$0x5] =	stream.indirect.gather [hbm4b:s4+s25], $0x40, s24, s25, $0xb8;
	[tilespmem:$0x16E40] =	vst v63  }
0x113: {  	_ =	swait.ge [sflag:s5], $0x2000  }
0x114: {  	[sflag:s5] =	ssyncset.done $0x0  }
0x115: {  	s9 =	simm.s32 $0x580;
	[sflag:s5] =	ssyncadd.s32 $0xFFFFE000  }
0x116: {  	[spmem:s2] =	stream.indirect.scatter.add.bf16 [tilespmem:s0], [sflag:$0xF], $0x40, s9, s25, $0xb8;
	[tilespmem:$0x16E40] =	vst v63  }
0x117: {  	_ =	swait.ge [sflag:s23], $0x2000  }
0x118: {  	[sflag:s23] =	ssyncset.done $0x0  }
0x119: {  	s20 =	simm.s32 $0x700;
	[sflag:s23] =	ssyncadd.s32 $0xFFFFE000  }
0x11a: {  	[tilespmem:s30], [sflag:$0x6] =	stream.indirect.gather [hbm4b:s4+s25], $0x40, s20, s25, $0xb8;
	[tilespmem:$0x16E40] =	vst v63  }
0x11b: {  	_ =	swait.ge [sflag:s17], $0x2000  }
0x11c: {  	[sflag:s17] =	ssyncset.done $0x0  }
0x11d: {  	[sflag:s17] =	ssyncadd.s32 $0xFFFFE000  }
0x11e: {  	[spmem:s2] =	stream.indirect.scatter.add.bf16 [tilespmem:s10], [sflag:$0xA], $0x40, s22, s25, $0xb8;
	[tilespmem:$0x16E40] =	vst v63  }
0x11f: {  	_ =	swait.ge [sflag:s1], $0x2000  }
0x120: {  	[sflag:s1] =	ssyncset.done $0x0  }
0x121: {  	s24 =	simm.s32 $0x780;
	[sflag:s1] =	ssyncadd.s32 $0xFFFFE000  }
0x122: {  	[tilespmem:s28], [sflag:$0x7] =	stream.indirect.gather [hbm4b:s4+s25], $0x40, s24, s25, $0xb8;
	[tilespmem:$0x16E40] =	vst v63  }
0x123: {  	_ =	swait.ge [sflag:s29], $0x2000  }
0x124: {  	[sflag:s29] =	ssyncset.done $0x0  }
0x125: {  	s9 =	simm.s32 $0x980;
	[sflag:s29] =	ssyncadd.s32 $0xFFFFE000  }
0x126: {  	[spmem:s2] =	stream.indirect.scatter.add.bf16 [tilespmem:s31], [sflag:$0xB], $0x40, s9, s25, $0xb8;
	[tilespmem:$0x16E40] =	vst v63  }
0x127: {  	_ =	swait.ge [sflag:s7], $0x2000  }
0x128: {  	[sflag:s7] =	ssyncset.done $0x0  }
0x129: {  	s20 =	simm.s32 $0x800;
	[sflag:s7] =	ssyncadd.s32 $0xFFFFE000  }
0x12a: {  	[tilespmem:s15], [sflag:$0x8] =	stream.indirect.gather [hbm4b:s4+s25], $0x40, s20, s25, $0xb8;
	[tilespmem:$0x16E40] =	vst v63  }
0x12b: {  	_ =	swait.ge [sflag:s26], $0x2000  }
0x12c: {  	[sflag:s26] =	ssyncset.done $0x0  }
0x12d: {  	s22 =	simm.s32 $0xA00;
	[sflag:s26] =	ssyncadd.s32 $0xFFFFE000  }
0x12e: {  	[spmem:s2] =	stream.indirect.scatter.add.bf16 [tilespmem:s30], [sflag:$0xC], $0x40, s22, s25, $0xb8;
	[tilespmem:$0x16E40] =	vst v63  }
0x12f: {  	_ =	swait.ge [sflag:s19], $0x2000  }
0x130: {  	[sflag:s19] =	ssyncset.done $0x0  }
0x131: {  	s24 =	simm.s32 $0x880;
	[sflag:s19] =	ssyncadd.s32 $0xFFFFE000  }
0x132: {  	[tilespmem:s0], [sflag:$0x9] =	stream.indirect.gather [hbm4b:s4+s25], $0x40, s24, s25, $0xb8;
	[tilespmem:$0x16E40] =	vst v63  }
0x133: {  	_ =	swait.ge [sflag:s6], $0x2000  }
0x134: {  	[sflag:s6] =	ssyncset.done $0x0  }
0x135: {  	s9 =	simm.s32 $0xA80;
	[sflag:s6] =	ssyncadd.s32 $0xFFFFE000  }
0x136: {  	[spmem:s2] =	stream.indirect.scatter.add.bf16 [tilespmem:s28], [sflag:$0xD], $0x40, s9, s25, $0xb8;
	[tilespmem:$0x16E40] =	vst v63  }
0x137: {  	s20 =	sadd.s32 $0x120, s18  }
0x138: {  	[tilespmem:s3], [sflag:$0x1] =	stream.linear.gather [hbm4b:s20+s3], $0x300, $0x38;
	[tilespmem:$0x16E40] =	vst v63  }
0x139: {  	s22 =	sadd.s32 $0x9D60, s18;
	s24 =	simm.s32 $0x3;
	s20 =	simm.s32 $0x300  }
0x13a: {  	[tilespmem:s20], [sflag:$0x1] =	stream.linear.gather [hbm4b:s22+s3], $0x300, $0x38;
	[tilespmem:$0x16E40] =	vst v63  }
0x13b: {  	_ =	swait.ge [sflag:s24], $0x600  }
0x13c: {  	[sflag:s24] =	ssyncset.done $0x0  }
0x13d: {  	[sflag:s24] =	ssyncadd.s32 $0xFFFFFA00  }
0x13e: {  	_ =	swait.ge [sflag:s12], $0x2000  }
0x13f: {  	[sflag:s12] =	ssyncset.done $0x0  }
0x140: {  	[sflag:s12] =	ssyncadd.s32 $0xFFFFE000  }
0x141: {  	[tilespmem:s10], [sflag:$0x4] =	stream.indirect.gather [hbm4b:s4+s25], $0x40, s11, s25, $0xb8;
	[tilespmem:$0x16E40] =	vst v63  }
0x142: {  	_ =	swait.ge [sflag:s13], $0x2000  }
0x143: {  	[sflag:s13] =	ssyncset.done $0x0  }
0x144: {  	s9 =	simm.s32 $0xB00;
	[sflag:s13] =	ssyncadd.s32 $0xFFFFE000  }
0x145: {  	[spmem:s2] =	stream.indirect.scatter.add.bf16 [tilespmem:s15], [sflag:$0xE], $0x40, s9, s25, $0xb8;
	[tilespmem:$0x16E40] =	vst v63  }
0x146: {  	_ =	swait.ge [sflag:s16], $0x2000  }
0x147: {  	[sflag:s16] =	ssyncset.done $0x0  }
0x148: {  	s11 =	simm.s32 $0xC80;
	[sflag:s16] =	ssyncadd.s32 $0xFFFFE000  }
0x149: {  	[tilespmem:s31], [sflag:$0x5] =	stream.indirect.gather [hbm4b:s4+s25], $0x40, s11, s25, $0xb8;
	[tilespmem:$0x16E40] =	vst v63  }
0x14a: {  	_ =	swait.ge [sflag:s5], $0x2000  }
0x14b: {  	[sflag:s5] =	ssyncset.done $0x0  }
0x14c: {  	s22 =	simm.s32 $0xB80;
	[sflag:s5] =	ssyncadd.s32 $0xFFFFE000  }
0x14d: {  	[spmem:s2] =	stream.indirect.scatter.add.bf16 [tilespmem:s0], [sflag:$0xF], $0x40, s22, s25, $0xb8;
	[tilespmem:$0x16E40] =	vst v63  }
0x14e: {  	_ =	swait.ge [sflag:s23], $0x2000  }
0x14f: {  	[sflag:s23] =	ssyncset.done $0x0  }
0x150: {  	s24 =	simm.s32 $0xD00;
	[sflag:s23] =	ssyncadd.s32 $0xFFFFE000  }
0x151: {  	[tilespmem:s30], [sflag:$0x6] =	stream.indirect.gather [hbm4b:s4+s25], $0x40, s24, s25, $0xb8;
	[tilespmem:$0x16E40] =	vst v63  }
0x152: {  	_ =	swait.ge [sflag:s17], $0x2000  }
0x153: {  	[sflag:s17] =	ssyncset.done $0x0  }
0x154: {  	[sflag:s17] =	ssyncadd.s32 $0xFFFFE000  }
0x155: {  	[spmem:s2] =	stream.indirect.scatter.add.bf16 [tilespmem:s10], [sflag:$0xA], $0x40, s21, s25, $0xb8;
	[tilespmem:$0x16E40] =	vst v63  }
0x156: {  	_ =	swait.ge [sflag:s1], $0x2000  }
0x157: {  	[sflag:s1] =	ssyncset.done $0x0  }
0x158: {  	s9 =	simm.s32 $0xD80;
	[sflag:s1] =	ssyncadd.s32 $0xFFFFE000  }
0x159: {  	[tilespmem:s28], [sflag:$0x7] =	stream.indirect.gather [hbm4b:s4+s25], $0x40, s9, s25, $0xb8;
	[tilespmem:$0x16E40] =	vst v63  }
0x15a: {  	_ =	swait.ge [sflag:s29], $0x2000  }
0x15b: {  	[sflag:s29] =	ssyncset.done $0x0  }
0x15c: {  	s10 =	simm.s32 $0xF80;
	[sflag:s29] =	ssyncadd.s32 $0xFFFFE000  }
0x15d: {  	[spmem:s2] =	stream.indirect.scatter.add.bf16 [tilespmem:s31], [sflag:$0xB], $0x40, s10, s25, $0xb8;
	[tilespmem:$0x16E40] =	vst v63  }
0x15e: {  	_ =	swait.ge [sflag:s7], $0x2000  }
0x15f: {  	[sflag:s7] =	ssyncset.done $0x0  }
0x160: {  	s11 =	simm.s32 $0xE00;
	[sflag:s7] =	ssyncadd.s32 $0xFFFFE000  }
0x161: {  	[tilespmem:s15], [sflag:$0x8] =	stream.indirect.gather [hbm4b:s4+s25], $0x40, s11, s25, $0xb8;
	[tilespmem:$0x16E40] =	vst v63  }
0x162: {  	_ =	swait.ge [sflag:s26], $0x2000  }
0x163: {  	[sflag:s26] =	ssyncset.done $0x0  }
0x164: {  	s21 =	simm.s32 $0x1000;
	[sflag:s26] =	ssyncadd.s32 $0xFFFFE000  }
0x165: {  	[spmem:s2] =	stream.indirect.scatter.add.bf16 [tilespmem:s30], [sflag:$0xC], $0x40, s21, s25, $0xb8;
	[tilespmem:$0x16E40] =	vst v63  }
0x166: {  	_ =	swait.ge [sflag:s19], $0x2000  }
0x167: {  	[sflag:s19] =	ssyncset.done $0x0  }
0x168: {  	p1 =	seq.s32 s14, $0x360;
	s22 =	simm.s32 $0xE80;
	[sflag:s19] =	ssyncadd.s32 $0xFFFFE000  }
0x169: {  	[tilespmem:s0], [sflag:$0x9] =	stream.indirect.gather [hbm4b:s4+s25], $0x40, s22, s25, $0xb8;
	[tilespmem:$0x16E40] =	vst v63  }
.Ltmp3:
0x16a: {  	_ =	swait.ge [sflag:s6], $0x2000;
	(pc) =	sbr.rel @p1 .LBB2_6-.Ltmp3, $4  }
0x16b: {  	[sflag:s6] =	ssyncset.done $0x0  }
0x16c: {  	s24 =	simm.s32 $0x1080;
	[sflag:s6] =	ssyncadd.s32 $0xFFFFE000  }
0x16d: {  	[spmem:s2] =	stream.indirect.scatter.add.bf16 [tilespmem:s28], [sflag:$0xD], $0x40, s24, s25, $0xb8;
	[tilespmem:$0x16E40] =	vst v63  }
0x16e: {  	s9 =	simm.s32 $0x900;
	s24 =	simm.s32 $0x600  }
.Ltmp4:
0x16f: {  	s8 =	sadd.s32 $0x180, s18;
	(pc) =	sbr.rel .LBB2_4-.Ltmp4, $4  }
0x170: {  	[tilespmem:s24], [sflag:$0x2] =	stream.linear.gather [hbm4b:s8+s3], $0x300, $0x38;
	[tilespmem:$0x16E40] =	vst v63  }
0x171: {  	s24 =	sadd.s32 $0x9DC0, s18  }
0x172: {  	[tilespmem:s9], [sflag:$0x2] =	stream.linear.gather [hbm4b:s24+s3], $0x300, $0x38;
	[tilespmem:$0x16E40] =	vst v63  }
0x173: {  	s14 =	sadd.s32 $0x120, s14;
	s22 =	simm.s32 $0x900;
	s9 =	simm.s32 $0x600  }
.LBB2_7:
0x174: {  	_ =	sfence.sel $0x180000  }
0x175: {  	[bflag:$0x0] =	sbarrier.arrive $0xFFFF  }
0x176: {  	_ =	strace $0x90000047  }
0x177: {  	s0 =	stileid.u32;
	[bflag:$0x2] =	sbarrier.arrive $0xFFFF  }
0x178: {  	p0 =	sne.s32 s0, $0x0;
	s0 =	rddreg [dreg:$0x3]  }
0x179: {  	s0 =	sadd.s32 @!p0 $0x100000, s0  }
0x17a: {  	[sflag:s0] =	ssyncadd.tile.s32 @!p0 $0x1;
	_ =	shalt  }
.Lfunc_end2:
_tile_overlayer_lowered:
.L_overlay_start_2:
0x17b: {  	(tag) =	ssettag $0x2  }
0x17c: {  	s0 =	rddreg [dreg:$0x0];
	s2 =	stileid.u32  }
0x17d: {  	s1 =	rddreg [dreg:$0x1];
	p0 =	sne.s32 s2, $0x0  }
0x17e: {  	s3 =	rddreg [dreg:$0x2];
	[bflag:$0x3] =	sbarrier.arrive $0xFFFF;
	s2 =	simm.s32 @!p0 $0x1C10  }
0x17f: {  	[timem:s3], [sflag:s2] =	dma.local @!p0 [hbm:s0], s1  }
0x180: {  	s0 =	simm.s32 @!p0 $0x10  }
0x181: {  	_ =	swait.ge @!p0 [sflag:s0], s1  }
0x182: {  	s1 =	ssub.s32 @!p0 $0x0, s1;
	[sflag:s0] =	ssyncset.done @!p0 $0x0  }
0x183: {  	[sflag:s0] =	ssyncadd.s32 @!p0 s1  }
0x184: {  	[bflag:$0x3] =	sbarrier.arrive $0xFFFF  }
0x185: {  	_ =	shalt  }

</sc_bundles>
